<compile_context>
chip_gen: v7x
topology: tpu7x:2x2x1
jax: 0.10.2.dev20260603
libtpu: 0.0.44.dev20260713+nightly
codegen_flags: <defaults>
</compile_context>

<pallas_src>
import functools

import jax
import jax.numpy as jnp
from jax import lax
from jax.experimental import pallas as pl
from jax.experimental.pallas import tpu as pltpu
from jax.experimental.pallas import tpu_sc as plsc


def _tr_body(lo_ref, hi_ref, out_ref):
    d = lo_ref.shape[0]
    out_ref[:, 0:d] = lo_ref[...].T
    out_ref[:, d:2 * d] = hi_ref[...].T


def _make_transpose(Dd, V, BT):
    S = BT * (V // (2 * BT))
    Vh = V - S
    nb_lo = S // BT
    return pl.pallas_call(
        _tr_body,
        grid=(pl.cdiv(Vh, BT),),
        in_specs=[
            pl.BlockSpec((Dd, BT), lambda i: (0, i)),
            pl.BlockSpec((Dd, BT), lambda i: (0, i + nb_lo)),
        ],
        out_specs=pl.BlockSpec((BT, 2 * Dd), lambda i: (i, 0)),
        out_shape=jax.ShapeDtypeStruct((Vh, 2 * Dd), jnp.float32),
        compiler_params=pltpu.CompilerParams(vmem_limit_bytes=112 * 1024 * 1024),
    ), S, Vh


def _make_gather2(N, D, C, NC, NS):
    NW = NC * NS
    per_w = N // NW
    n_chunks = per_w // C
    mesh = plsc.VectorSubcoreMesh(core_axis_name="c", subcore_axis_name="s")

    @functools.partial(
        pl.kernel,
        mesh=mesh,
        out_type=jax.ShapeDtypeStruct((N, 2 * D), jnp.float32),
        scratch_types=[
            pltpu.VMEM((per_w,), jnp.int32),
            pltpu.VMEM((per_w,), jnp.int32),
            pltpu.VMEM((2, C, D), jnp.float32),
            pltpu.VMEM((2, C, D), jnp.float32),
            pltpu.SemaphoreType.DMA,
            pltpu.SemaphoreType.DMA,
            pltpu.SemaphoreType.DMA,
            pltpu.SemaphoreType.DMA,
        ],
        compiler_params=pltpu.CompilerParams(use_tc_tiling_on_sc=False),
    )
    def gather2(word_hbm, entity_hbm, wid_hbm, eid_hbm, out_hbm,
                widx_v, eidx_v, wbuf, ebuf, gsem0, gsem1, ssem0, ssem1):
        wid = lax.axis_index("s") * NC + lax.axis_index("c")
        base = wid * per_w
        gsem = (gsem0, gsem1)
        ssem = (ssem0, ssem1)

        pltpu.sync_copy(wid_hbm.at[pl.ds(base, per_w)], widx_v)
        pltpu.sync_copy(eid_hbm.at[pl.ds(base, per_w)], eidx_v)

        def issue_gather(i, p):
            return (
                pltpu.async_copy(
                    word_hbm.at[widx_v.at[pl.ds(i * C, C)]], wbuf.at[p], gsem[p]),
                pltpu.async_copy(
                    entity_hbm.at[eidx_v.at[pl.ds(i * C, C)]], ebuf.at[p], gsem[p]),
            )

        def issue_scatter(i, p):
            start = base + i * C
            return (
                pltpu.async_copy(
                    wbuf.at[p], out_hbm.at[pl.ds(start, C), pl.ds(0, D)], ssem[p]),
                pltpu.async_copy(
                    ebuf.at[p], out_hbm.at[pl.ds(start, C), pl.ds(D, D)], ssem[p]),
            )

        g = [None, None]
        sc = [None, None]
        g[0] = issue_gather(0, 0)
        for i in range(n_chunks):
            p = i % 2
            g[p][0].wait()
            g[p][1].wait()
            sc[p] = issue_scatter(i, p)
            if i + 1 < n_chunks:
                q = 1 - p
                if sc[q] is not None:
                    sc[q][0].wait()
                    sc[q][1].wait()
                g[q] = issue_gather(i + 1, q)
        for p in (0, 1):
            if sc[p] is not None:
                sc[p][0].wait()
                sc[p][1].wait()

    return gather2


def kernel(word_table, entity_table, word_ids, entity_ids):
    B, H = word_ids.shape
    D = word_table.shape[1]
    N = B * H
    info = plsc.get_sparse_core_info()
    NC, NS = info.num_cores, info.num_subcores
    C = 400
    VW = word_table.shape[0]
    VE = entity_table.shape[0]
    wT = word_table.T
    eT = entity_table.T
    tr_w, SW, VhW = _make_transpose(D, VW, 24576)
    tr_e, SE, VhE = _make_transpose(D, VE, 8192)
    word_rm = tr_w(wT, wT).reshape(2 * VhW, D)
    entity_rm = tr_e(eT, eT).reshape(2 * VhE, D)
    wv = word_ids.T.reshape(N).astype(jnp.int32)
    ev = entity_ids.T.reshape(N).astype(jnp.int32)
    wid_flat = jnp.where(wv < SW, 2 * wv, 2 * (wv - SW) + 1)
    eid_flat = jnp.where(ev < SE, 2 * ev, 2 * (ev - SE) + 1)
    out = _make_gather2(N, D, C, NC, NS)(word_rm, entity_rm, wid_flat, eid_flat)
    return out.reshape(H, B, 2 * D).transpose(1, 0, 2)

# --- scband reference (transcript-rebuilt; emitter-appended) ---
"""Pipeline reference for scband-abstract-word-entity-5901285065188 (READ-ONLY COPY).

The authoritative reference and input builder live on the scoring server;
editing this copy changes nothing except your own understanding.
"""

import jax, jax.numpy as jnp
import numpy as np

WORD_VOCAB = 1000000
ENTITY_VOCAB = 100000
EMB_DIMS = 64
BATCH = 4096
HIST = 50

def setup_inputs(seed: int = 0) -> dict:
    key = jax.random.key(seed)
    k1, k2, k3, k4 = jax.random.split(key, 4)
    word_table = jax.random.normal(k1, (WORD_VOCAB, EMB_DIMS), dtype=jnp.float32) * 0.02
    entity_table = jax.random.normal(k2, (ENTITY_VOCAB, EMB_DIMS), dtype=jnp.float32) * 0.02
    word_ids = jax.random.randint(k3, (BATCH, HIST), 0, WORD_VOCAB, dtype=jnp.int64 if jax.config.jax_enable_x64 else jnp.int32)
    entity_ids = jax.random.randint(k4, (BATCH, HIST), 0, ENTITY_VOCAB, dtype=jnp.int64 if jax.config.jax_enable_x64 else jnp.int32)
    return {"word_table": word_table, "entity_table": entity_table, "word_ids": word_ids, "entity_ids": entity_ids}

def reference(word_table, entity_table, word_ids, entity_ids):
    # word_embeddings(word_ids) and entity_embeddings(entity_ids) lookups
    word_emb = jnp.take(word_table, word_ids, axis=0)
    entity_emb = jnp.take(entity_table, entity_ids, axis=0)
    # combined output (word || entity) per position
    return jnp.concatenate([word_emb, entity_emb], axis=-1)

if __name__ == "__main__":
    import jax
    _d = setup_inputs()
    print(jax.jit(kernel)(*tuple(_d.values())))

</pallas_src>

<mosaic_0001>
#map = affine_map<(d0, d1) -> (0, 0)>
#map1 = affine_map<(d0, d1) -> (0)>
module attributes {stable_mosaic.version = 14 : i64} {
  func.func @gather2(%arg0: i32, %arg1: i32, %arg2: memref<1016960x64xf32, #tpu.memory_space<hbm>>, %arg3: memref<101696x64xf32, #tpu.memory_space<hbm>>, %arg4: memref<204800xi32, #tpu.memory_space<hbm>>, %arg5: memref<204800xi32, #tpu.memory_space<hbm>>, %arg6: memref<204800x128xf32, #tpu.memory_space<hbm>>, %arg7: memref<6400xi32, #tpu.memory_space<vmem>>, %arg8: memref<6400xi32, #tpu.memory_space<vmem>>, %arg9: memref<2x400x64xf32, #tpu.memory_space<vmem>>, %arg10: memref<2x400x64xf32, #tpu.memory_space<vmem>>, %arg11: memref<!tpu.dma_semaphore, #tpu.memory_space<semaphore_mem>>, %arg12: memref<!tpu.dma_semaphore, #tpu.memory_space<semaphore_mem>>, %arg13: memref<!tpu.dma_semaphore, #tpu.memory_space<semaphore_mem>>, %arg14: memref<!tpu.dma_semaphore, #tpu.memory_space<semaphore_mem>>) attributes {dimension_semantics = [#tpu.dimension_semantics<core_parallel>, #tpu.dimension_semantics<subcore_parallel>], iteration_bounds = array<i64: 2, 16>, scalar_prefetch = 0 : i64, scratch_operands = 8 : i64, tpu.core_type = #tpu.core_type<sc_vector_subcore>, window_params = [{transform_indices = #map}, {transform_indices = #map}, {transform_indices = #map1}, {transform_indices = #map1}, {transform_indices = #map}]} {
    %mul3A = arith.constant 2 : i32
    %mul3A_0 = arith.muli %arg1, %mul3A : i32
    %add3A = arith.addi %mul3A_0, %arg0 : i32
    %mul3A_1 = arith.constant 6400 : i32
    %mul3A_2 = arith.muli %add3A, %mul3A_1 : i32
    "tpu.region"() ({
      %run_scoped3A = tpu.sem_alloc : memref<!tpu.dma_semaphore, #tpu.memory_space<semaphore_mem>>
      %dma_start3A_1505 = tpu.memref_slice %arg4[%mul3A_2] : memref<204800xi32, #tpu.memory_space<hbm>> -> memref<6400xi32, #tpu.memory_space<hbm>>
      %dma_start3A_1506 = tpu.memref_slice %arg4[%mul3A_2] : memref<204800xi32, #tpu.memory_space<hbm>> -> memref<6400xi32, #tpu.memory_space<hbm>>
      tpu.enqueue_dma source(%dma_start3A_1506 : memref<6400xi32, #tpu.memory_space<hbm>>) target(%arg7 : memref<6400xi32, #tpu.memory_space<vmem>>) target_semaphore(%run_scoped3A : memref<!tpu.dma_semaphore, #tpu.memory_space<semaphore_mem>>)
      %dma_wait3A_1507 = tpu.memref_slice %arg4[%mul3A_2] : memref<204800xi32, #tpu.memory_space<hbm>> -> memref<6400xi32, #tpu.memory_space<hbm>>
      %dma_wait3A_1508 = tpu.memref_slice %arg4[%mul3A_2] : memref<204800xi32, #tpu.memory_space<hbm>> -> memref<6400xi32, #tpu.memory_space<hbm>>
      tpu.wait_dma2 semaphore(%run_scoped3A : memref<!tpu.dma_semaphore, #tpu.memory_space<semaphore_mem>>) src(%dma_wait3A_1508 : memref<6400xi32, #tpu.memory_space<hbm>>) dst(%arg7 : memref<6400xi32, #tpu.memory_space<vmem>>)
      tpu.yield
    }) : () -> ()
    "tpu.region"() ({
      %run_scoped3A = tpu.sem_alloc : memref<!tpu.dma_semaphore, #tpu.memory_space<semaphore_mem>>
      %dma_start3A_1505 = tpu.memref_slice %arg5[%mul3A_2] : memref<204800xi32, #tpu.memory_space<hbm>> -> memref<6400xi32, #tpu.memory_space<hbm>>
      %dma_start3A_1506 = tpu.memref_slice %arg5[%mul3A_2] : memref<204800xi32, #tpu.memory_space<hbm>> -> memref<6400xi32, #tpu.memory_space<hbm>>
      tpu.enqueue_dma source(%dma_start3A_1506 : memref<6400xi32, #tpu.memory_space<hbm>>) target(%arg8 : memref<6400xi32, #tpu.memory_space<vmem>>) target_semaphore(%run_scoped3A : memref<!tpu.dma_semaphore, #tpu.memory_space<semaphore_mem>>)
      %dma_wait3A_1507 = tpu.memref_slice %arg5[%mul3A_2] : memref<204800xi32, #tpu.memory_space<hbm>> -> memref<6400xi32, #tpu.memory_space<hbm>>
      %dma_wait3A_1508 = tpu.memref_slice %arg5[%mul3A_2] : memref<204800xi32, #tpu.memory_space<hbm>> -> memref<6400xi32, #tpu.memory_space<hbm>>
      tpu.wait_dma2 semaphore(%run_scoped3A : memref<!tpu.dma_semaphore, #tpu.memory_space<semaphore_mem>>) src(%dma_wait3A_1508 : memref<6400xi32, #tpu.memory_space<hbm>>) dst(%arg8 : memref<6400xi32, #tpu.memory_space<vmem>>)
      tpu.yield
    }) : () -> ()
    %dma_start3A = arith.constant 0 : i32
    %dma_start3A_3 = arith.constant 0 : i32
    %dma_start3A_4 = arith.constant 0 : i32
    %dma_start3A_5 = tpu.memref_slice %arg9[%dma_start3A, %dma_start3A_3, %dma_start3A_4] : memref<2x400x64xf32, #tpu.memory_space<vmem>> -> memref<1x400x64xf32, #tpu.memory_space<vmem>>
    %dma_start3A_6 = tpu.memref_squeeze %dma_start3A_5 : memref<1x400x64xf32, #tpu.memory_space<vmem>> -> memref<400x64xf32, #tpu.memory_space<vmem>>
    %dma_start3A_7 = arith.constant 0 : i32
    %dma_start3A_8 = tpu.memref_slice %arg7[%dma_start3A_7] : memref<6400xi32, #tpu.memory_space<vmem>> -> memref<400xi32, #tpu.memory_space<vmem>>
    %dma_start3A_9 = arith.constant 0 : i32
    %dma_start3A_10 = arith.constant 0 : i32
    %dma_start3A_11 = tpu.memref_slice %arg2[%dma_start3A_9, %dma_start3A_10] : memref<1016960x64xf32, #tpu.memory_space<hbm>> -> memref<1016960x64xf32, #tpu.memory_space<hbm>>
    tpu.enqueue_indirect_dma source(%dma_start3A_11 : memref<1016960x64xf32, #tpu.memory_space<hbm>>) target(%dma_start3A_6 : memref<400x64xf32, #tpu.memory_space<vmem>>) offsets(%dma_start3A_8 : memref<400xi32, #tpu.memory_space<vmem>>) semaphore(%arg11 : memref<!tpu.dma_semaphore, #tpu.memory_space<semaphore_mem>>)
    %dma_start3A_12 = arith.constant 0 : i32
    %dma_start3A_13 = arith.constant 0 : i32
    %dma_start3A_14 = arith.constant 0 : i32
    %dma_start3A_15 = tpu.memref_slice %arg10[%dma_start3A_12, %dma_start3A_13, %dma_start3A_14] : memref<2x400x64xf32, #tpu.memory_space<vmem>> -> memref<1x400x64xf32, #tpu.memory_space<vmem>>
    %dma_start3A_16 = tpu.memref_squeeze %dma_start3A_15 : memref<1x400x64xf32, #tpu.memory_space<vmem>> -> memref<400x64xf32, #tpu.memory_space<vmem>>
    %dma_start3A_17 = arith.constant 0 : i32
    %dma_start3A_18 = tpu.memref_slice %arg8[%dma_start3A_17] : memref<6400xi32, #tpu.memory_space<vmem>> -> memref<400xi32, #tpu.memory_space<vmem>>
    %dma_start3A_19 = arith.constant 0 : i32
    %dma_start3A_20 = arith.constant 0 : i32
    %dma_start3A_21 = tpu.memref_slice %arg3[%dma_start3A_19, %dma_start3A_20] : memref<101696x64xf32, #tpu.memory_space<hbm>> -> memref<101696x64xf32, #tpu.memory_space<hbm>>
    tpu.enqueue_indirect_dma source(%dma_start3A_21 : memref<101696x64xf32, #tpu.memory_space<hbm>>) target(%dma_start3A_16 : memref<400x64xf32, #tpu.memory_space<vmem>>) offsets(%dma_start3A_18 : memref<400xi32, #tpu.memory_space<vmem>>) semaphore(%arg11 : memref<!tpu.dma_semaphore, #tpu.memory_space<semaphore_mem>>)
    %dma_wait3A = arith.constant 0 : i32
    %dma_wait3A_22 = arith.constant 0 : i32
    %dma_wait3A_23 = arith.constant 0 : i32
    %dma_wait3A_24 = tpu.memref_slice %arg9[%dma_wait3A, %dma_wait3A_22, %dma_wait3A_23] : memref<2x400x64xf32, #tpu.memory_space<vmem>> -> memref<1x400x64xf32, #tpu.memory_space<vmem>>
    %dma_wait3A_25 = tpu.memref_squeeze %dma_wait3A_24 : memref<1x400x64xf32, #tpu.memory_space<vmem>> -> memref<400x64xf32, #tpu.memory_space<vmem>>
    %dma_wait3A_26 = arith.constant 0 : i32
    %dma_wait3A_27 = tpu.memref_slice %arg7[%dma_wait3A_26] : memref<6400xi32, #tpu.memory_space<vmem>> -> memref<400xi32, #tpu.memory_space<vmem>>
    %dma_wait3A_28 = arith.constant 0 : i32
    %dma_wait3A_29 = arith.constant 0 : i32
    %dma_wait3A_30 = tpu.memref_slice %arg2[%dma_wait3A_28, %dma_wait3A_29] : memref<1016960x64xf32, #tpu.memory_space<hbm>> -> memref<1016960x64xf32, #tpu.memory_space<hbm>>
    tpu.wait_indirect_dma semaphore(%arg11 : memref<!tpu.dma_semaphore, #tpu.memory_space<semaphore_mem>>) src(%dma_wait3A_30 : memref<1016960x64xf32, #tpu.memory_space<hbm>>) dst(%dma_wait3A_25 : memref<400x64xf32, #tpu.memory_space<vmem>>)
    %dma_wait3A_31 = arith.constant 0 : i32
    %dma_wait3A_32 = arith.constant 0 : i32
    %dma_wait3A_33 = arith.constant 0 : i32
    %dma_wait3A_34 = tpu.memref_slice %arg10[%dma_wait3A_31, %dma_wait3A_32, %dma_wait3A_33] : memref<2x400x64xf32, #tpu.memory_space<vmem>> -> memref<1x400x64xf32, #tpu.memory_space<vmem>>
    %dma_wait3A_35 = tpu.memref_squeeze %dma_wait3A_34 : memref<1x400x64xf32, #tpu.memory_space<vmem>> -> memref<400x64xf32, #tpu.memory_space<vmem>>
    %dma_wait3A_36 = arith.constant 0 : i32
    %dma_wait3A_37 = tpu.memref_slice %arg8[%dma_wait3A_36] : memref<6400xi32, #tpu.memory_space<vmem>> -> memref<400xi32, #tpu.memory_space<vmem>>
    %dma_wait3A_38 = arith.constant 0 : i32
    %dma_wait3A_39 = arith.constant 0 : i32
    %dma_wait3A_40 = tpu.memref_slice %arg3[%dma_wait3A_38, %dma_wait3A_39] : memref<101696x64xf32, #tpu.memory_space<hbm>> -> memref<101696x64xf32, #tpu.memory_space<hbm>>
    tpu.wait_indirect_dma semaphore(%arg11 : memref<!tpu.dma_semaphore, #tpu.memory_space<semaphore_mem>>) src(%dma_wait3A_40 : memref<101696x64xf32, #tpu.memory_space<hbm>>) dst(%dma_wait3A_35 : memref<400x64xf32, #tpu.memory_space<vmem>>)
    %add3A_41 = arith.constant 0 : i32
    %add3A_42 = arith.addi %mul3A_2, %add3A_41 : i32
    %dma_start3A_43 = arith.constant 0 : i32
    %dma_start3A_44 = arith.constant 0 : i32
    %dma_start3A_45 = arith.constant 0 : i32
    %dma_start3A_46 = tpu.memref_slice %arg9[%dma_start3A_43, %dma_start3A_44, %dma_start3A_45] : memref<2x400x64xf32, #tpu.memory_space<vmem>> -> memref<1x400x64xf32, #tpu.memory_space<vmem>>
    %dma_start3A_47 = tpu.memref_squeeze %dma_start3A_46 : memref<1x400x64xf32, #tpu.memory_space<vmem>> -> memref<400x64xf32, #tpu.memory_space<vmem>>
    %dma_start3A_48 = arith.constant 0 : i32
    %dma_start3A_49 = tpu.memref_slice %arg6[%add3A_42, %dma_start3A_48] : memref<204800x128xf32, #tpu.memory_space<hbm>> -> memref<400x64xf32, #tpu.memory_space<hbm>>
    %dma_start3A_50 = arith.constant 0 : i32
    %dma_start3A_51 = tpu.memref_slice %arg6[%add3A_42, %dma_start3A_50] : memref<204800x128xf32, #tpu.memory_space<hbm>> -> memref<400x64xf32, #tpu.memory_space<hbm>>
    %dma_start3A_52 = arith.constant 0 : i32
    %dma_start3A_53 = arith.constant 0 : i32
    %dma_start3A_54 = tpu.memref_slice %arg9[%dma_start3A_43, %dma_start3A_52, %dma_start3A_53] : memref<2x400x64xf32, #tpu.memory_space<vmem>> -> memref<1x400x64xf32, #tpu.memory_space<vmem>>
    %dma_start3A_55 = tpu.memref_squeeze %dma_start3A_54 : memref<1x400x64xf32, #tpu.memory_space<vmem>> -> memref<400x64xf32, #tpu.memory_space<vmem>>
    tpu.enqueue_dma source(%dma_start3A_55 : memref<400x64xf32, #tpu.memory_space<vmem>>) target(%dma_start3A_51 : memref<400x64xf32, #tpu.memory_space<hbm>>) target_semaphore(%arg13 : memref<!tpu.dma_semaphore, #tpu.memory_space<semaphore_mem>>)
    %dma_start3A_56 = arith.constant 0 : i32
    %dma_start3A_57 = arith.constant 0 : i32
    %dma_start3A_58 = arith.constant 0 : i32
    %dma_start3A_59 = tpu.memref_slice %arg10[%dma_start3A_56, %dma_start3A_57, %dma_start3A_58] : memref<2x400x64xf32, #tpu.memory_space<vmem>> -> memref<1x400x64xf32, #tpu.memory_space<vmem>>
    %dma_start3A_60 = tpu.memref_squeeze %dma_start3A_59 : memref<1x400x64xf32, #tpu.memory_space<vmem>> -> memref<400x64xf32, #tpu.memory_space<vmem>>
    %dma_start3A_61 = arith.constant 64 : i32
    %dma_start3A_62 = tpu.memref_slice %arg6[%add3A_42, %dma_start3A_61] : memref<204800x128xf32, #tpu.memory_space<hbm>> -> memref<400x64xf32, #tpu.memory_space<hbm>>
    %dma_start3A_63 = arith.constant 64 : i32
    %dma_start3A_64 = tpu.memref_slice %arg6[%add3A_42, %dma_start3A_63] : memref<204800x128xf32, #tpu.memory_space<hbm>> -> memref<400x64xf32, #tpu.memory_space<hbm>>
    %dma_start3A_65 = arith.constant 0 : i32
    %dma_start3A_66 = arith.constant 0 : i32
    %dma_start3A_67 = tpu.memref_slice %arg10[%dma_start3A_56, %dma_start3A_65, %dma_start3A_66] : memref<2x400x64xf32, #tpu.memory_space<vmem>> -> memref<1x400x64xf32, #tpu.memory_space<vmem>>
    %dma_start3A_68 = tpu.memref_squeeze %dma_start3A_67 : memref<1x400x64xf32, #tpu.memory_space<vmem>> -> memref<400x64xf32, #tpu.memory_space<vmem>>
    tpu.enqueue_dma source(%dma_start3A_68 : memref<400x64xf32, #tpu.memory_space<vmem>>) target(%dma_start3A_64 : memref<400x64xf32, #tpu.memory_space<hbm>>) target_semaphore(%arg13 : memref<!tpu.dma_semaphore, #tpu.memory_space<semaphore_mem>>)
    %dma_start3A_69 = arith.constant 1 : i32
    %dma_start3A_70 = arith.constant 0 : i32
    %dma_start3A_71 = arith.constant 0 : i32
    %dma_start3A_72 = tpu.memref_slice %arg9[%dma_start3A_69, %dma_start3A_70, %dma_start3A_71] : memref<2x400x64xf32, #tpu.memory_space<vmem>> -> memref<1x400x64xf32, #tpu.memory_space<vmem>>
    %dma_start3A_73 = tpu.memref_squeeze %dma_start3A_72 : memref<1x400x64xf32, #tpu.memory_space<vmem>> -> memref<400x64xf32, #tpu.memory_space<vmem>>
    %dma_start3A_74 = arith.constant 400 : i32
    %dma_start3A_75 = tpu.memref_slice %arg7[%dma_start3A_74] : memref<6400xi32, #tpu.memory_space<vmem>> -> memref<400xi32, #tpu.memory_space<vmem>>
    %dma_start3A_76 = arith.constant 0 : i32
    %dma_start3A_77 = arith.constant 0 : i32
    %dma_start3A_78 = tpu.memref_slice %arg2[%dma_start3A_76, %dma_start3A_77] : memref<1016960x64xf32, #tpu.memory_space<hbm>> -> memref<1016960x64xf32, #tpu.memory_space<hbm>>
    tpu.enqueue_indirect_dma source(%dma_start3A_78 : memref<1016960x64xf32, #tpu.memory_space<hbm>>) target(%dma_start3A_73 : memref<400x64xf32, #tpu.memory_space<vmem>>) offsets(%dma_start3A_75 : memref<400xi32, #tpu.memory_space<vmem>>) semaphore(%arg12 : memref<!tpu.dma_semaphore, #tpu.memory_space<semaphore_mem>>)
    %dma_start3A_79 = arith.constant 1 : i32
    %dma_start3A_80 = arith.constant 0 : i32
    %dma_start3A_81 = arith.constant 0 : i32
    %dma_start3A_82 = tpu.memref_slice %arg10[%dma_start3A_79, %dma_start3A_80, %dma_start3A_81] : memref<2x400x64xf32, #tpu.memory_space<vmem>> -> memref<1x400x64xf32, #tpu.memory_space<vmem>>
    %dma_start3A_83 = tpu.memref_squeeze %dma_start3A_82 : memref<1x400x64xf32, #tpu.memory_space<vmem>> -> memref<400x64xf32, #tpu.memory_space<vmem>>
    %dma_start3A_84 = arith.constant 400 : i32
    %dma_start3A_85 = tpu.memref_slice %arg8[%dma_start3A_84] : memref<6400xi32, #tpu.memory_space<vmem>> -> memref<400xi32, #tpu.memory_space<vmem>>
    %dma_start3A_86 = arith.constant 0 : i32
    %dma_start3A_87 = arith.constant 0 : i32
    %dma_start3A_88 = tpu.memref_slice %arg3[%dma_start3A_86, %dma_start3A_87] : memref<101696x64xf32, #tpu.memory_space<hbm>> -> memref<101696x64xf32, #tpu.memory_space<hbm>>
    tpu.enqueue_indirect_dma source(%dma_start3A_88 : memref<101696x64xf32, #tpu.memory_space<hbm>>) target(%dma_start3A_83 : memref<400x64xf32, #tpu.memory_space<vmem>>) offsets(%dma_start3A_85 : memref<400xi32, #tpu.memory_space<vmem>>) semaphore(%arg12 : memref<!tpu.dma_semaphore, #tpu.memory_space<semaphore_mem>>)
    %dma_wait3A_89 = arith.constant 1 : i32
    %dma_wait3A_90 = arith.constant 0 : i32
    %dma_wait3A_91 = arith.constant 0 : i32
    %dma_wait3A_92 = tpu.memref_slice %arg9[%dma_wait3A_89, %dma_wait3A_90, %dma_wait3A_91] : memref<2x400x64xf32, #tpu.memory_space<vmem>> -> memref<1x400x64xf32, #tpu.memory_space<vmem>>
    %dma_wait3A_93 = tpu.memref_squeeze %dma_wait3A_92 : memref<1x400x64xf32, #tpu.memory_space<vmem>> -> memref<400x64xf32, #tpu.memory_space<vmem>>
    %dma_wait3A_94 = arith.constant 400 : i32
    %dma_wait3A_95 = tpu.memref_slice %arg7[%dma_wait3A_94] : memref<6400xi32, #tpu.memory_space<vmem>> -> memref<400xi32, #tpu.memory_space<vmem>>
    %dma_wait3A_96 = arith.constant 0 : i32
    %dma_wait3A_97 = arith.constant 0 : i32
    %dma_wait3A_98 = tpu.memref_slice %arg2[%dma_wait3A_96, %dma_wait3A_97] : memref<1016960x64xf32, #tpu.memory_space<hbm>> -> memref<1016960x64xf32, #tpu.memory_space<hbm>>
    tpu.wait_indirect_dma semaphore(%arg12 : memref<!tpu.dma_semaphore, #tpu.memory_space<semaphore_mem>>) src(%dma_wait3A_98 : memref<1016960x64xf32, #tpu.memory_space<hbm>>) dst(%dma_wait3A_93 : memref<400x64xf32, #tpu.memory_space<vmem>>)
    %dma_wait3A_99 = arith.constant 1 : i32
    %dma_wait3A_100 = arith.constant 0 : i32
    %dma_wait3A_101 = arith.constant 0 : i32
    %dma_wait3A_102 = tpu.memref_slice %arg10[%dma_wait3A_99, %dma_wait3A_100, %dma_wait3A_101] : memref<2x400x64xf32, #tpu.memory_space<vmem>> -> memref<1x400x64xf32, #tpu.memory_space<vmem>>
    %dma_wait3A_103 = tpu.memref_squeeze %dma_wait3A_102 : memref<1x400x64xf32, #tpu.memory_space<vmem>> -> memref<400x64xf32, #tpu.memory_space<vmem>>
    %dma_wait3A_104 = arith.constant 400 : i32
    %dma_wait3A_105 = tpu.memref_slice %arg8[%dma_wait3A_104] : memref<6400xi32, #tpu.memory_space<vmem>> -> memref<400xi32, #tpu.memory_space<vmem>>
    %dma_wait3A_106 = arith.constant 0 : i32
    %dma_wait3A_107 = arith.constant 0 : i32
    %dma_wait3A_108 = tpu.memref_slice %arg3[%dma_wait3A_106, %dma_wait3A_107] : memref<101696x64xf32, #tpu.memory_space<hbm>> -> memref<101696x64xf32, #tpu.memory_space<hbm>>
    tpu.wait_indirect_dma semaphore(%arg12 : memref<!tpu.dma_semaphore, #tpu.memory_space<semaphore_mem>>) src(%dma_wait3A_108 : memref<101696x64xf32, #tpu.memory_space<hbm>>) dst(%dma_wait3A_103 : memref<400x64xf32, #tpu.memory_space<vmem>>)
    %add3A_109 = arith.constant 400 : i32
    %add3A_110 = arith.addi %mul3A_2, %add3A_109 : i32
    %dma_start3A_111 = arith.constant 1 : i32
    %dma_start3A_112 = arith.constant 0 : i32
    %dma_start3A_113 = arith.constant 0 : i32
    %dma_start3A_114 = tpu.memref_slice %arg9[%dma_start3A_111, %dma_start3A_112, %dma_start3A_113] : memref<2x400x64xf32, #tpu.memory_space<vmem>> -> memref<1x400x64xf32, #tpu.memory_space<vmem>>
    %dma_start3A_115 = tpu.memref_squeeze %dma_start3A_114 : memref<1x400x64xf32, #tpu.memory_space<vmem>> -> memref<400x64xf32, #tpu.memory_space<vmem>>
    %dma_start3A_116 = arith.constant 0 : i32
    %dma_start3A_117 = tpu.memref_slice %arg6[%add3A_110, %dma_start3A_116] : memref<204800x128xf32, #tpu.memory_space<hbm>> -> memref<400x64xf32, #tpu.memory_space<hbm>>
    %dma_start3A_118 = arith.constant 0 : i32
    %dma_start3A_119 = tpu.memref_slice %arg6[%add3A_110, %dma_start3A_118] : memref<204800x128xf32, #tpu.memory_space<hbm>> -> memref<400x64xf32, #tpu.memory_space<hbm>>
    %dma_start3A_120 = arith.constant 0 : i32
    %dma_start3A_121 = arith.constant 0 : i32
    %dma_start3A_122 = tpu.memref_slice %arg9[%dma_start3A_111, %dma_start3A_120, %dma_start3A_121] : memref<2x400x64xf32, #tpu.memory_space<vmem>> -> memref<1x400x64xf32, #tpu.memory_space<vmem>>
    %dma_start3A_123 = tpu.memref_squeeze %dma_start3A_122 : memref<1x400x64xf32, #tpu.memory_space<vmem>> -> memref<400x64xf32, #tpu.memory_space<vmem>>
    tpu.enqueue_dma source(%dma_start3A_123 : memref<400x64xf32, #tpu.memory_space<vmem>>) target(%dma_start3A_119 : memref<400x64xf32, #tpu.memory_space<hbm>>) target_semaphore(%arg14 : memref<!tpu.dma_semaphore, #tpu.memory_space<semaphore_mem>>)
    %dma_start3A_124 = arith.constant 1 : i32
    %dma_start3A_125 = arith.constant 0 : i32
    %dma_start3A_126 = arith.constant 0 : i32
    %dma_start3A_127 = tpu.memref_slice %arg10[%dma_start3A_124, %dma_start3A_125, %dma_start3A_126] : memref<2x400x64xf32, #tpu.memory_space<vmem>> -> memref<1x400x64xf32, #tpu.memory_space<vmem>>
    %dma_start3A_128 = tpu.memref_squeeze %dma_start3A_127 : memref<1x400x64xf32, #tpu.memory_space<vmem>> -> memref<400x64xf32, #tpu.memory_space<vmem>>
    %dma_start3A_129 = arith.constant 64 : i32
    %dma_start3A_130 = tpu.memref_slice %arg6[%add3A_110, %dma_start3A_129] : memref<204800x128xf32, #tpu.memory_space<hbm>> -> memref<400x64xf32, #tpu.memory_space<hbm>>
    %dma_start3A_131 = arith.constant 64 : i32
    %dma_start3A_132 = tpu.memref_slice %arg6[%add3A_110, %dma_start3A_131] : memref<204800x128xf32, #tpu.memory_space<hbm>> -> memref<400x64xf32, #tpu.memory_space<hbm>>
    %dma_start3A_133 = arith.constant 0 : i32
    %dma_start3A_134 = arith.constant 0 : i32
    %dma_start3A_135 = tpu.memref_slice %arg10[%dma_start3A_124, %dma_start3A_133, %dma_start3A_134] : memref<2x400x64xf32, #tpu.memory_space<vmem>> -> memref<1x400x64xf32, #tpu.memory_space<vmem>>
    %dma_start3A_136 = tpu.memref_squeeze %dma_start3A_135 : memref<1x400x64xf32, #tpu.memory_space<vmem>> -> memref<400x64xf32, #tpu.memory_space<vmem>>
    tpu.enqueue_dma source(%dma_start3A_136 : memref<400x64xf32, #tpu.memory_space<vmem>>) target(%dma_start3A_132 : memref<400x64xf32, #tpu.memory_space<hbm>>) target_semaphore(%arg14 : memref<!tpu.dma_semaphore, #tpu.memory_space<semaphore_mem>>)
    %dma_wait3A_137 = arith.constant 0 : i32
    %dma_wait3A_138 = arith.constant 0 : i32
    %dma_wait3A_139 = arith.constant 0 : i32
    %dma_wait3A_140 = tpu.memref_slice %arg9[%dma_wait3A_137, %dma_wait3A_138, %dma_wait3A_139] : memref<2x400x64xf32, #tpu.memory_space<vmem>> -> memref<1x400x64xf32, #tpu.memory_space<vmem>>
    %dma_wait3A_141 = tpu.memref_squeeze %dma_wait3A_140 : memref<1x400x64xf32, #tpu.memory_space<vmem>> -> memref<400x64xf32, #tpu.memory_space<vmem>>
    %dma_wait3A_142 = arith.constant 0 : i32
    %dma_wait3A_143 = tpu.memref_slice %arg6[%add3A_42, %dma_wait3A_142] : memref<204800x128xf32, #tpu.memory_space<hbm>> -> memref<400x64xf32, #tpu.memory_space<hbm>>
    %dma_wait3A_144 = arith.constant 0 : i32
    %dma_wait3A_145 = tpu.memref_slice %arg6[%add3A_42, %dma_wait3A_144] : memref<204800x128xf32, #tpu.memory_space<hbm>> -> memref<400x64xf32, #tpu.memory_space<hbm>>
    %dma_wait3A_146 = arith.constant 0 : i32
    %dma_wait3A_147 = arith.constant 0 : i32
    %dma_wait3A_148 = tpu.memref_slice %arg9[%dma_wait3A_137, %dma_wait3A_146, %dma_wait3A_147] : memref<2x400x64xf32, #tpu.memory_space<vmem>> -> memref<1x400x64xf32, #tpu.memory_space<vmem>>
    %dma_wait3A_149 = tpu.memref_squeeze %dma_wait3A_148 : memref<1x400x64xf32, #tpu.memory_space<vmem>> -> memref<400x64xf32, #tpu.memory_space<vmem>>
    tpu.wait_dma2 semaphore(%arg13 : memref<!tpu.dma_semaphore, #tpu.memory_space<semaphore_mem>>) src(%dma_wait3A_149 : memref<400x64xf32, #tpu.memory_space<vmem>>) dst(%dma_wait3A_145 : memref<400x64xf32, #tpu.memory_space<hbm>>)
    %dma_wait3A_150 = arith.constant 0 : i32
    %dma_wait3A_151 = arith.constant 0 : i32
    %dma_wait3A_152 = arith.constant 0 : i32
    %dma_wait3A_153 = tpu.memref_slice %arg10[%dma_wait3A_150, %dma_wait3A_151, %dma_wait3A_152] : memref<2x400x64xf32, #tpu.memory_space<vmem>> -> memref<1x400x64xf32, #tpu.memory_space<vmem>>
    %dma_wait3A_154 = tpu.memref_squeeze %dma_wait3A_153 : memref<1x400x64xf32, #tpu.memory_space<vmem>> -> memref<400x64xf32, #tpu.memory_space<vmem>>
    %dma_wait3A_155 = arith.constant 64 : i32
    %dma_wait3A_156 = tpu.memref_slice %arg6[%add3A_42, %dma_wait3A_155] : memref<204800x128xf32, #tpu.memory_space<hbm>> -> memref<400x64xf32, #tpu.memory_space<hbm>>
    %dma_wait3A_157 = arith.constant 64 : i32
    %dma_wait3A_158 = tpu.memref_slice %arg6[%add3A_42, %dma_wait3A_157] : memref<204800x128xf32, #tpu.memory_space<hbm>> -> memref<400x64xf32, #tpu.memory_space<hbm>>
    %dma_wait3A_159 = arith.constant 0 : i32
    %dma_wait3A_160 = arith.constant 0 : i32
    %dma_wait3A_161 = tpu.memref_slice %arg10[%dma_wait3A_150, %dma_wait3A_159, %dma_wait3A_160] : memref<2x400x64xf32, #tpu.memory_space<vmem>> -> memref<1x400x64xf32, #tpu.memory_space<vmem>>
    %dma_wait3A_162 = tpu.memref_squeeze %dma_wait3A_161 : memref<1x400x64xf32, #tpu.memory_space<vmem>> -> memref<400x64xf32, #tpu.memory_space<vmem>>
    tpu.wait_dma2 semaphore(%arg13 : memref<!tpu.dma_semaphore, #tpu.memory_space<semaphore_mem>>) src(%dma_wait3A_162 : memref<400x64xf32, #tpu.memory_space<vmem>>) dst(%dma_wait3A_158 : memref<400x64xf32, #tpu.memory_space<hbm>>)
    %dma_start3A_163 = arith.constant 0 : i32
    %dma_start3A_164 = arith.constant 0 : i32
    %dma_start3A_165 = arith.constant 0 : i32
    %dma_start3A_166 = tpu.memref_slice %arg9[%dma_start3A_163, %dma_start3A_164, %dma_start3A_165] : memref<2x400x64xf32, #tpu.memory_space<vmem>> -> memref<1x400x64xf32, #tpu.memory_space<vmem>>
    %dma_start3A_167 = tpu.memref_squeeze %dma_start3A_166 : memref<1x400x64xf32, #tpu.memory_space<vmem>> -> memref<400x64xf32, #tpu.memory_space<vmem>>
    %dma_start3A_168 = arith.constant 800 : i32
    %dma_start3A_169 = tpu.memref_slice %arg7[%dma_start3A_168] : memref<6400xi32, #tpu.memory_space<vmem>> -> memref<400xi32, #tpu.memory_space<vmem>>
    %dma_start3A_170 = arith.constant 0 : i32
    %dma_start3A_171 = arith.constant 0 : i32
    %dma_start3A_172 = tpu.memref_slice %arg2[%dma_start3A_170, %dma_start3A_171] : memref<1016960x64xf32, #tpu.memory_space<hbm>> -> memref<1016960x64xf32, #tpu.memory_space<hbm>>
    tpu.enqueue_indirect_dma source(%dma_start3A_172 : memref<1016960x64xf32, #tpu.memory_space<hbm>>) target(%dma_start3A_167 : memref<400x64xf32, #tpu.memory_space<vmem>>) offsets(%dma_start3A_169 : memref<400xi32, #tpu.memory_space<vmem>>) semaphore(%arg11 : memref<!tpu.dma_semaphore, #tpu.memory_space<semaphore_mem>>)
    %dma_start3A_173 = arith.constant 0 : i32
    %dma_start3A_174 = arith.constant 0 : i32
    %dma_start3A_175 = arith.constant 0 : i32
    %dma_start3A_176 = tpu.memref_slice %arg10[%dma_start3A_173, %dma_start3A_174, %dma_start3A_175] : memref<2x400x64xf32, #tpu.memory_space<vmem>> -> memref<1x400x64xf32, #tpu.memory_space<vmem>>
    %dma_start3A_177 = tpu.memref_squeeze %dma_start3A_176 : memref<1x400x64xf32, #tpu.memory_space<vmem>> -> memref<400x64xf32, #tpu.memory_space<vmem>>
    %dma_start3A_178 = arith.constant 800 : i32
    %dma_start3A_179 = tpu.memref_slice %arg8[%dma_start3A_178] : memref<6400xi32, #tpu.memory_space<vmem>> -> memref<400xi32, #tpu.memory_space<vmem>>
    %dma_start3A_180 = arith.constant 0 : i32
    %dma_start3A_181 = arith.constant 0 : i32
    %dma_start3A_182 = tpu.memref_slice %arg3[%dma_start3A_180, %dma_start3A_181] : memref<101696x64xf32, #tpu.memory_space<hbm>> -> memref<101696x64xf32, #tpu.memory_space<hbm>>
    tpu.enqueue_indirect_dma source(%dma_start3A_182 : memref<101696x64xf32, #tpu.memory_space<hbm>>) target(%dma_start3A_177 : memref<400x64xf32, #tpu.memory_space<vmem>>) offsets(%dma_start3A_179 : memref<400xi32, #tpu.memory_space<vmem>>) semaphore(%arg11 : memref<!tpu.dma_semaphore, #tpu.memory_space<semaphore_mem>>)
    %dma_wait3A_183 = arith.constant 0 : i32
    %dma_wait3A_184 = arith.constant 0 : i32
    %dma_wait3A_185 = arith.constant 0 : i32
    %dma_wait3A_186 = tpu.memref_slice %arg9[%dma_wait3A_183, %dma_wait3A_184, %dma_wait3A_185] : memref<2x400x64xf32, #tpu.memory_space<vmem>> -> memref<1x400x64xf32, #tpu.memory_space<vmem>>
    %dma_wait3A_187 = tpu.memref_squeeze %dma_wait3A_186 : memref<1x400x64xf32, #tpu.memory_space<vmem>> -> memref<400x64xf32, #tpu.memory_space<vmem>>
    %dma_wait3A_188 = arith.constant 800 : i32
    %dma_wait3A_189 = tpu.memref_slice %arg7[%dma_wait3A_188] : memref<6400xi32, #tpu.memory_space<vmem>> -> memref<400xi32, #tpu.memory_space<vmem>>
    %dma_wait3A_190 = arith.constant 0 : i32
    %dma_wait3A_191 = arith.constant 0 : i32
    %dma_wait3A_192 = tpu.memref_slice %arg2[%dma_wait3A_190, %dma_wait3A_191] : memref<1016960x64xf32, #tpu.memory_space<hbm>> -> memref<1016960x64xf32, #tpu.memory_space<hbm>>
    tpu.wait_indirect_dma semaphore(%arg11 : memref<!tpu.dma_semaphore, #tpu.memory_space<semaphore_mem>>) src(%dma_wait3A_192 : memref<1016960x64xf32, #tpu.memory_space<hbm>>) dst(%dma_wait3A_187 : memref<400x64xf32, #tpu.memory_space<vmem>>)
    %dma_wait3A_193 = arith.constant 0 : i32
    %dma_wait3A_194 = arith.constant 0 : i32
    %dma_wait3A_195 = arith.constant 0 : i32
    %dma_wait3A_196 = tpu.memref_slice %arg10[%dma_wait3A_193, %dma_wait3A_194, %dma_wait3A_195] : memref<2x400x64xf32, #tpu.memory_space<vmem>> -> memref<1x400x64xf32, #tpu.memory_space<vmem>>
    %dma_wait3A_197 = tpu.memref_squeeze %dma_wait3A_196 : memref<1x400x64xf32, #tpu.memory_space<vmem>> -> memref<400x64xf32, #tpu.memory_space<vmem>>
    %dma_wait3A_198 = arith.constant 800 : i32
    %dma_wait3A_199 = tpu.memref_slice %arg8[%dma_wait3A_198] : memref<6400xi32, #tpu.memory_space<vmem>> -> memref<400xi32, #tpu.memory_space<vmem>>
    %dma_wait3A_200 = arith.constant 0 : i32
    %dma_wait3A_201 = arith.constant 0 : i32
    %dma_wait3A_202 = tpu.memref_slice %arg3[%dma_wait3A_200, %dma_wait3A_201] : memref<101696x64xf32, #tpu.memory_space<hbm>> -> memref<101696x64xf32, #tpu.memory_space<hbm>>
    tpu.wait_indirect_dma semaphore(%arg11 : memref<!tpu.dma_semaphore, #tpu.memory_space<semaphore_mem>>) src(%dma_wait3A_202 : memref<101696x64xf32, #tpu.memory_space<hbm>>) dst(%dma_wait3A_197 : memref<400x64xf32, #tpu.memory_space<vmem>>)
    %add3A_203 = arith.constant 800 : i32
    %add3A_204 = arith.addi %mul3A_2, %add3A_203 : i32
    %dma_start3A_205 = arith.constant 0 : i32
    %dma_start3A_206 = arith.constant 0 : i32
    %dma_start3A_207 = arith.constant 0 : i32
    %dma_start3A_208 = tpu.memref_slice %arg9[%dma_start3A_205, %dma_start3A_206, %dma_start3A_207] : memref<2x400x64xf32, #tpu.memory_space<vmem>> -> memref<1x400x64xf32, #tpu.memory_space<vmem>>
    %dma_start3A_209 = tpu.memref_squeeze %dma_start3A_208 : memref<1x400x64xf32, #tpu.memory_space<vmem>> -> memref<400x64xf32, #tpu.memory_space<vmem>>
    %dma_start3A_210 = arith.constant 0 : i32
    %dma_start3A_211 = tpu.memref_slice %arg6[%add3A_204, %dma_start3A_210] : memref<204800x128xf32, #tpu.memory_space<hbm>> -> memref<400x64xf32, #tpu.memory_space<hbm>>
    %dma_start3A_212 = arith.constant 0 : i32
    %dma_start3A_213 = tpu.memref_slice %arg6[%add3A_204, %dma_start3A_212] : memref<204800x128xf32, #tpu.memory_space<hbm>> -> memref<400x64xf32, #tpu.memory_space<hbm>>
    %dma_start3A_214 = arith.constant 0 : i32
    %dma_start3A_215 = arith.constant 0 : i32
    %dma_start3A_216 = tpu.memref_slice %arg9[%dma_start3A_205, %dma_start3A_214, %dma_start3A_215] : memref<2x400x64xf32, #tpu.memory_space<vmem>> -> memref<1x400x64xf32, #tpu.memory_space<vmem>>
    %dma_start3A_217 = tpu.memref_squeeze %dma_start3A_216 : memref<1x400x64xf32, #tpu.memory_space<vmem>> -> memref<400x64xf32, #tpu.memory_space<vmem>>
    tpu.enqueue_dma source(%dma_start3A_217 : memref<400x64xf32, #tpu.memory_space<vmem>>) target(%dma_start3A_213 : memref<400x64xf32, #tpu.memory_space<hbm>>) target_semaphore(%arg13 : memref<!tpu.dma_semaphore, #tpu.memory_space<semaphore_mem>>)
    %dma_start3A_218 = arith.constant 0 : i32
    %dma_start3A_219 = arith.constant 0 : i32
    %dma_start3A_220 = arith.constant 0 : i32
    %dma_start3A_221 = tpu.memref_slice %arg10[%dma_start3A_218, %dma_start3A_219, %dma_start3A_220] : memref<2x400x64xf32, #tpu.memory_space<vmem>> -> memref<1x400x64xf32, #tpu.memory_space<vmem>>
    %dma_start3A_222 = tpu.memref_squeeze %dma_start3A_221 : memref<1x400x64xf32, #tpu.memory_space<vmem>> -> memref<400x64xf32, #tpu.memory_space<vmem>>
    %dma_start3A_223 = arith.constant 64 : i32
    %dma_start3A_224 = tpu.memref_slice %arg6[%add3A_204, %dma_start3A_223] : memref<204800x128xf32, #tpu.memory_space<hbm>> -> memref<400x64xf32, #tpu.memory_space<hbm>>
    %dma_start3A_225 = arith.constant 64 : i32
    %dma_start3A_226 = tpu.memref_slice %arg6[%add3A_204, %dma_start3A_225] : memref<204800x128xf32, #tpu.memory_space<hbm>> -> memref<400x64xf32, #tpu.memory_space<hbm>>
    %dma_start3A_227 = arith.constant 0 : i32
    %dma_start3A_228 = arith.constant 0 : i32
    %dma_start3A_229 = tpu.memref_slice %arg10[%dma_start3A_218, %dma_start3A_227, %dma_start3A_228] : memref<2x400x64xf32, #tpu.memory_space<vmem>> -> memref<1x400x64xf32, #tpu.memory_space<vmem>>
    %dma_start3A_230 = tpu.memref_squeeze %dma_start3A_229 : memref<1x400x64xf32, #tpu.memory_space<vmem>> -> memref<400x64xf32, #tpu.memory_space<vmem>>
    tpu.enqueue_dma source(%dma_start3A_230 : memref<400x64xf32, #tpu.memory_space<vmem>>) target(%dma_start3A_226 : memref<400x64xf32, #tpu.memory_space<hbm>>) target_semaphore(%arg13 : memref<!tpu.dma_semaphore, #tpu.memory_space<semaphore_mem>>)
    %dma_wait3A_231 = arith.constant 1 : i32
    %dma_wait3A_232 = arith.constant 0 : i32
    %dma_wait3A_233 = arith.constant 0 : i32
    %dma_wait3A_234 = tpu.memref_slice %arg9[%dma_wait3A_231, %dma_wait3A_232, %dma_wait3A_233] : memref<2x400x64xf32, #tpu.memory_space<vmem>> -> memref<1x400x64xf32, #tpu.memory_space<vmem>>
    %dma_wait3A_235 = tpu.memref_squeeze %dma_wait3A_234 : memref<1x400x64xf32, #tpu.memory_space<vmem>> -> memref<400x64xf32, #tpu.memory_space<vmem>>
    %dma_wait3A_236 = arith.constant 0 : i32
    %dma_wait3A_237 = tpu.memref_slice %arg6[%add3A_110, %dma_wait3A_236] : memref<204800x128xf32, #tpu.memory_space<hbm>> -> memref<400x64xf32, #tpu.memory_space<hbm>>
    %dma_wait3A_238 = arith.constant 0 : i32
    %dma_wait3A_239 = tpu.memref_slice %arg6[%add3A_110, %dma_wait3A_238] : memref<204800x128xf32, #tpu.memory_space<hbm>> -> memref<400x64xf32, #tpu.memory_space<hbm>>
    %dma_wait3A_240 = arith.constant 0 : i32
    %dma_wait3A_241 = arith.constant 0 : i32
    %dma_wait3A_242 = tpu.memref_slice %arg9[%dma_wait3A_231, %dma_wait3A_240, %dma_wait3A_241] : memref<2x400x64xf32, #tpu.memory_space<vmem>> -> memref<1x400x64xf32, #tpu.memory_space<vmem>>
    %dma_wait3A_243 = tpu.memref_squeeze %dma_wait3A_242 : memref<1x400x64xf32, #tpu.memory_space<vmem>> -> memref<400x64xf32, #tpu.memory_space<vmem>>
    tpu.wait_dma2 semaphore(%arg14 : memref<!tpu.dma_semaphore, #tpu.memory_space<semaphore_mem>>) src(%dma_wait3A_243 : memref<400x64xf32, #tpu.memory_space<vmem>>) dst(%dma_wait3A_239 : memref<400x64xf32, #tpu.memory_space<hbm>>)
    %dma_wait3A_244 = arith.constant 1 : i32
    %dma_wait3A_245 = arith.constant 0 : i32
    %dma_wait3A_246 = arith.constant 0 : i32
    %dma_wait3A_247 = tpu.memref_slice %arg10[%dma_wait3A_244, %dma_wait3A_245, %dma_wait3A_246] : memref<2x400x64xf32, #tpu.memory_space<vmem>> -> memref<1x400x64xf32, #tpu.memory_space<vmem>>
    %dma_wait3A_248 = tpu.memref_squeeze %dma_wait3A_247 : memref<1x400x64xf32, #tpu.memory_space<vmem>> -> memref<400x64xf32, #tpu.memory_space<vmem>>
    %dma_wait3A_249 = arith.constant 64 : i32
    %dma_wait3A_250 = tpu.memref_slice %arg6[%add3A_110, %dma_wait3A_249] : memref<204800x128xf32, #tpu.memory_space<hbm>> -> memref<400x64xf32, #tpu.memory_space<hbm>>
    %dma_wait3A_251 = arith.constant 64 : i32
    %dma_wait3A_252 = tpu.memref_slice %arg6[%add3A_110, %dma_wait3A_251] : memref<204800x128xf32, #tpu.memory_space<hbm>> -> memref<400x64xf32, #tpu.memory_space<hbm>>
    %dma_wait3A_253 = arith.constant 0 : i32
    %dma_wait3A_254 = arith.constant 0 : i32
    %dma_wait3A_255 = tpu.memref_slice %arg10[%dma_wait3A_244, %dma_wait3A_253, %dma_wait3A_254] : memref<2x400x64xf32, #tpu.memory_space<vmem>> -> memref<1x400x64xf32, #tpu.memory_space<vmem>>
    %dma_wait3A_256 = tpu.memref_squeeze %dma_wait3A_255 : memref<1x400x64xf32, #tpu.memory_space<vmem>> -> memref<400x64xf32, #tpu.memory_space<vmem>>
    tpu.wait_dma2 semaphore(%arg14 : memref<!tpu.dma_semaphore, #tpu.memory_space<semaphore_mem>>) src(%dma_wait3A_256 : memref<400x64xf32, #tpu.memory_space<vmem>>) dst(%dma_wait3A_252 : memref<400x64xf32, #tpu.memory_space<hbm>>)
    %dma_start3A_257 = arith.constant 1 : i32
    %dma_start3A_258 = arith.constant 0 : i32
    %dma_start3A_259 = arith.constant 0 : i32
    %dma_start3A_260 = tpu.memref_slice %arg9[%dma_start3A_257, %dma_start3A_258, %dma_start3A_259] : memref<2x400x64xf32, #tpu.memory_space<vmem>> -> memref<1x400x64xf32, #tpu.memory_space<vmem>>
    %dma_start3A_261 = tpu.memref_squeeze %dma_start3A_260 : memref<1x400x64xf32, #tpu.memory_space<vmem>> -> memref<400x64xf32, #tpu.memory_space<vmem>>
    %dma_start3A_262 = arith.constant 1200 : i32
    %dma_start3A_263 = tpu.memref_slice %arg7[%dma_start3A_262] : memref<6400xi32, #tpu.memory_space<vmem>> -> memref<400xi32, #tpu.memory_space<vmem>>
    %dma_start3A_264 = arith.constant 0 : i32
    %dma_start3A_265 = arith.constant 0 : i32
    %dma_start3A_266 = tpu.memref_slice %arg2[%dma_start3A_264, %dma_start3A_265] : memref<1016960x64xf32, #tpu.memory_space<hbm>> -> memref<1016960x64xf32, #tpu.memory_space<hbm>>
    tpu.enqueue_indirect_dma source(%dma_start3A_266 : memref<1016960x64xf32, #tpu.memory_space<hbm>>) target(%dma_start3A_261 : memref<400x64xf32, #tpu.memory_space<vmem>>) offsets(%dma_start3A_263 : memref<400xi32, #tpu.memory_space<vmem>>) semaphore(%arg12 : memref<!tpu.dma_semaphore, #tpu.memory_space<semaphore_mem>>)
    %dma_start3A_267 = arith.constant 1 : i32
    %dma_start3A_268 = arith.constant 0 : i32
    %dma_start3A_269 = arith.constant 0 : i32
    %dma_start3A_270 = tpu.memref_slice %arg10[%dma_start3A_267, %dma_start3A_268, %dma_start3A_269] : memref<2x400x64xf32, #tpu.memory_space<vmem>> -> memref<1x400x64xf32, #tpu.memory_space<vmem>>
    %dma_start3A_271 = tpu.memref_squeeze %dma_start3A_270 : memref<1x400x64xf32, #tpu.memory_space<vmem>> -> memref<400x64xf32, #tpu.memory_space<vmem>>
    %dma_start3A_272 = arith.constant 1200 : i32
    %dma_start3A_273 = tpu.memref_slice %arg8[%dma_start3A_272] : memref<6400xi32, #tpu.memory_space<vmem>> -> memref<400xi32, #tpu.memory_space<vmem>>
    %dma_start3A_274 = arith.constant 0 : i32
    %dma_start3A_275 = arith.constant 0 : i32
    %dma_start3A_276 = tpu.memref_slice %arg3[%dma_start3A_274, %dma_start3A_275] : memref<101696x64xf32, #tpu.memory_space<hbm>> -> memref<101696x64xf32, #tpu.memory_space<hbm>>
    tpu.enqueue_indirect_dma source(%dma_start3A_276 : memref<101696x64xf32, #tpu.memory_space<hbm>>) target(%dma_start3A_271 : memref<400x64xf32, #tpu.memory_space<vmem>>) offsets(%dma_start3A_273 : memref<400xi32, #tpu.memory_space<vmem>>) semaphore(%arg12 : memref<!tpu.dma_semaphore, #tpu.memory_space<semaphore_mem>>)
    %dma_wait3A_277 = arith.constant 1 : i32
    %dma_wait3A_278 = arith.constant 0 : i32
    %dma_wait3A_279 = arith.constant 0 : i32
    %dma_wait3A_280 = tpu.memref_slice %arg9[%dma_wait3A_277, %dma_wait3A_278, %dma_wait3A_279] : memref<2x400x64xf32, #tpu.memory_space<vmem>> -> memref<1x400x64xf32, #tpu.memory_space<vmem>>
    %dma_wait3A_281 = tpu.memref_squeeze %dma_wait3A_280 : memref<1x400x64xf32, #tpu.memory_space<vmem>> -> memref<400x64xf32, #tpu.memory_space<vmem>>
    %dma_wait3A_282 = arith.constant 1200 : i32
    %dma_wait3A_283 = tpu.memref_slice %arg7[%dma_wait3A_282] : memref<6400xi32, #tpu.memory_space<vmem>> -> memref<400xi32, #tpu.memory_space<vmem>>
    %dma_wait3A_284 = arith.constant 0 : i32
    %dma_wait3A_285 = arith.constant 0 : i32
    %dma_wait3A_286 = tpu.memref_slice %arg2[%dma_wait3A_284, %dma_wait3A_285] : memref<1016960x64xf32, #tpu.memory_space<hbm>> -> memref<1016960x64xf32, #tpu.memory_space<hbm>>
    tpu.wait_indirect_dma semaphore(%arg12 : memref<!tpu.dma_semaphore, #tpu.memory_space<semaphore_mem>>) src(%dma_wait3A_286 : memref<1016960x64xf32, #tpu.memory_space<hbm>>) dst(%dma_wait3A_281 : memref<400x64xf32, #tpu.memory_space<vmem>>)
    %dma_wait3A_287 = arith.constant 1 : i32
    %dma_wait3A_288 = arith.constant 0 : i32
    %dma_wait3A_289 = arith.constant 0 : i32
    %dma_wait3A_290 = tpu.memref_slice %arg10[%dma_wait3A_287, %dma_wait3A_288, %dma_wait3A_289] : memref<2x400x64xf32, #tpu.memory_space<vmem>> -> memref<1x400x64xf32, #tpu.memory_space<vmem>>
    %dma_wait3A_291 = tpu.memref_squeeze %dma_wait3A_290 : memref<1x400x64xf32, #tpu.memory_space<vmem>> -> memref<400x64xf32, #tpu.memory_space<vmem>>
    %dma_wait3A_292 = arith.constant 1200 : i32
    %dma_wait3A_293 = tpu.memref_slice %arg8[%dma_wait3A_292] : memref<6400xi32, #tpu.memory_space<vmem>> -> memref<400xi32, #tpu.memory_space<vmem>>
    %dma_wait3A_294 = arith.constant 0 : i32
    %dma_wait3A_295 = arith.constant 0 : i32
    %dma_wait3A_296 = tpu.memref_slice %arg3[%dma_wait3A_294, %dma_wait3A_295] : memref<101696x64xf32, #tpu.memory_space<hbm>> -> memref<101696x64xf32, #tpu.memory_space<hbm>>
    tpu.wait_indirect_dma semaphore(%arg12 : memref<!tpu.dma_semaphore, #tpu.memory_space<semaphore_mem>>) src(%dma_wait3A_296 : memref<101696x64xf32, #tpu.memory_space<hbm>>) dst(%dma_wait3A_291 : memref<400x64xf32, #tpu.memory_space<vmem>>)
    %add3A_297 = arith.constant 1200 : i32
    %add3A_298 = arith.addi %mul3A_2, %add3A_297 : i32
    %dma_start3A_299 = arith.constant 1 : i32
    %dma_start3A_300 = arith.constant 0 : i32
    %dma_start3A_301 = arith.constant 0 : i32
    %dma_start3A_302 = tpu.memref_slice %arg9[%dma_start3A_299, %dma_start3A_300, %dma_start3A_301] : memref<2x400x64xf32, #tpu.memory_space<vmem>> -> memref<1x400x64xf32, #tpu.memory_space<vmem>>
    %dma_start3A_303 = tpu.memref_squeeze %dma_start3A_302 : memref<1x400x64xf32, #tpu.memory_space<vmem>> -> memref<400x64xf32, #tpu.memory_space<vmem>>
    %dma_start3A_304 = arith.constant 0 : i32
    %dma_start3A_305 = tpu.memref_slice %arg6[%add3A_298, %dma_start3A_304] : memref<204800x128xf32, #tpu.memory_space<hbm>> -> memref<400x64xf32, #tpu.memory_space<hbm>>
    %dma_start3A_306 = arith.constant 0 : i32
    %dma_start3A_307 = tpu.memref_slice %arg6[%add3A_298, %dma_start3A_306] : memref<204800x128xf32, #tpu.memory_space<hbm>> -> memref<400x64xf32, #tpu.memory_space<hbm>>
    %dma_start3A_308 = arith.constant 0 : i32
    %dma_start3A_309 = arith.constant 0 : i32
    %dma_start3A_310 = tpu.memref_slice %arg9[%dma_start3A_299, %dma_start3A_308, %dma_start3A_309] : memref<2x400x64xf32, #tpu.memory_space<vmem>> -> memref<1x400x64xf32, #tpu.memory_space<vmem>>
    %dma_start3A_311 = tpu.memref_squeeze %dma_start3A_310 : memref<1x400x64xf32, #tpu.memory_space<vmem>> -> memref<400x64xf32, #tpu.memory_space<vmem>>
    tpu.enqueue_dma source(%dma_start3A_311 : memref<400x64xf32, #tpu.memory_space<vmem>>) target(%dma_start3A_307 : memref<400x64xf32, #tpu.memory_space<hbm>>) target_semaphore(%arg14 : memref<!tpu.dma_semaphore, #tpu.memory_space<semaphore_mem>>)
    %dma_start3A_312 = arith.constant 1 : i32
    %dma_start3A_313 = arith.constant 0 : i32
    %dma_start3A_314 = arith.constant 0 : i32
    %dma_start3A_315 = tpu.memref_slice %arg10[%dma_start3A_312, %dma_start3A_313, %dma_start3A_314] : memref<2x400x64xf32, #tpu.memory_space<vmem>> -> memref<1x400x64xf32, #tpu.memory_space<vmem>>
    %dma_start3A_316 = tpu.memref_squeeze %dma_start3A_315 : memref<1x400x64xf32, #tpu.memory_space<vmem>> -> memref<400x64xf32, #tpu.memory_space<vmem>>
    %dma_start3A_317 = arith.constant 64 : i32
    %dma_start3A_318 = tpu.memref_slice %arg6[%add3A_298, %dma_start3A_317] : memref<204800x128xf32, #tpu.memory_space<hbm>> -> memref<400x64xf32, #tpu.memory_space<hbm>>
    %dma_start3A_319 = arith.constant 64 : i32
    %dma_start3A_320 = tpu.memref_slice %arg6[%add3A_298, %dma_start3A_319] : memref<204800x128xf32, #tpu.memory_space<hbm>> -> memref<400x64xf32, #tpu.memory_space<hbm>>
    %dma_start3A_321 = arith.constant 0 : i32
    %dma_start3A_322 = arith.constant 0 : i32
    %dma_start3A_323 = tpu.memref_slice %arg10[%dma_start3A_312, %dma_start3A_321, %dma_start3A_322] : memref<2x400x64xf32, #tpu.memory_space<vmem>> -> memref<1x400x64xf32, #tpu.memory_space<vmem>>
    %dma_start3A_324 = tpu.memref_squeeze %dma_start3A_323 : memref<1x400x64xf32, #tpu.memory_space<vmem>> -> memref<400x64xf32, #tpu.memory_space<vmem>>
    tpu.enqueue_dma source(%dma_start3A_324 : memref<400x64xf32, #tpu.memory_space<vmem>>) target(%dma_start3A_320 : memref<400x64xf32, #tpu.memory_space<hbm>>) target_semaphore(%arg14 : memref<!tpu.dma_semaphore, #tpu.memory_space<semaphore_mem>>)
    %dma_wait3A_325 = arith.constant 0 : i32
    %dma_wait3A_326 = arith.constant 0 : i32
    %dma_wait3A_327 = arith.constant 0 : i32
    %dma_wait3A_328 = tpu.memref_slice %arg9[%dma_wait3A_325, %dma_wait3A_326, %dma_wait3A_327] : memref<2x400x64xf32, #tpu.memory_space<vmem>> -> memref<1x400x64xf32, #tpu.memory_space<vmem>>
    %dma_wait3A_329 = tpu.memref_squeeze %dma_wait3A_328 : memref<1x400x64xf32, #tpu.memory_space<vmem>> -> memref<400x64xf32, #tpu.memory_space<vmem>>
    %dma_wait3A_330 = arith.constant 0 : i32
    %dma_wait3A_331 = tpu.memref_slice %arg6[%add3A_204, %dma_wait3A_330] : memref<204800x128xf32, #tpu.memory_space<hbm>> -> memref<400x64xf32, #tpu.memory_space<hbm>>
    %dma_wait3A_332 = arith.constant 0 : i32
    %dma_wait3A_333 = tpu.memref_slice %arg6[%add3A_204, %dma_wait3A_332] : memref<204800x128xf32, #tpu.memory_space<hbm>> -> memref<400x64xf32, #tpu.memory_space<hbm>>
    %dma_wait3A_334 = arith.constant 0 : i32
    %dma_wait3A_335 = arith.constant 0 : i32
    %dma_wait3A_336 = tpu.memref_slice %arg9[%dma_wait3A_325, %dma_wait3A_334, %dma_wait3A_335] : memref<2x400x64xf32, #tpu.memory_space<vmem>> -> memref<1x400x64xf32, #tpu.memory_space<vmem>>
    %dma_wait3A_337 = tpu.memref_squeeze %dma_wait3A_336 : memref<1x400x64xf32, #tpu.memory_space<vmem>> -> memref<400x64xf32, #tpu.memory_space<vmem>>
    tpu.wait_dma2 semaphore(%arg13 : memref<!tpu.dma_semaphore, #tpu.memory_space<semaphore_mem>>) src(%dma_wait3A_337 : memref<400x64xf32, #tpu.memory_space<vmem>>) dst(%dma_wait3A_333 : memref<400x64xf32, #tpu.memory_space<hbm>>)
    %dma_wait3A_338 = arith.constant 0 : i32
    %dma_wait3A_339 = arith.constant 0 : i32
    %dma_wait3A_340 = arith.constant 0 : i32
    %dma_wait3A_341 = tpu.memref_slice %arg10[%dma_wait3A_338, %dma_wait3A_339, %dma_wait3A_340] : memref<2x400x64xf32, #tpu.memory_space<vmem>> -> memref<1x400x64xf32, #tpu.memory_space<vmem>>
    %dma_wait3A_342 = tpu.memref_squeeze %dma_wait3A_341 : memref<1x400x64xf32, #tpu.memory_space<vmem>> -> memref<400x64xf32, #tpu.memory_space<vmem>>
    %dma_wait3A_343 = arith.constant 64 : i32
    %dma_wait3A_344 = tpu.memref_slice %arg6[%add3A_204, %dma_wait3A_343] : memref<204800x128xf32, #tpu.memory_space<hbm>> -> memref<400x64xf32, #tpu.memory_space<hbm>>
    %dma_wait3A_345 = arith.constant 64 : i32
    %dma_wait3A_346 = tpu.memref_slice %arg6[%add3A_204, %dma_wait3A_345] : memref<204800x128xf32, #tpu.memory_space<hbm>> -> memref<400x64xf32, #tpu.memory_space<hbm>>
    %dma_wait3A_347 = arith.constant 0 : i32
    %dma_wait3A_348 = arith.constant 0 : i32
    %dma_wait3A_349 = tpu.memref_slice %arg10[%dma_wait3A_338, %dma_wait3A_347, %dma_wait3A_348] : memref<2x400x64xf32, #tpu.memory_space<vmem>> -> memref<1x400x64xf32, #tpu.memory_space<vmem>>
    %dma_wait3A_350 = tpu.memref_squeeze %dma_wait3A_349 : memref<1x400x64xf32, #tpu.memory_space<vmem>> -> memref<400x64xf32, #tpu.memory_space<vmem>>
    tpu.wait_dma2 semaphore(%arg13 : memref<!tpu.dma_semaphore, #tpu.memory_space<semaphore_mem>>) src(%dma_wait3A_350 : memref<400x64xf32, #tpu.memory_space<vmem>>) dst(%dma_wait3A_346 : memref<400x64xf32, #tpu.memory_space<hbm>>)
    %dma_start3A_351 = arith.constant 0 : i32
    %dma_start3A_352 = arith.constant 0 : i32
    %dma_start3A_353 = arith.constant 0 : i32
    %dma_start3A_354 = tpu.memref_slice %arg9[%dma_start3A_351, %dma_start3A_352, %dma_start3A_353] : memref<2x400x64xf32, #tpu.memory_space<vmem>> -> memref<1x400x64xf32, #tpu.memory_space<vmem>>
    %dma_start3A_355 = tpu.memref_squeeze %dma_start3A_354 : memref<1x400x64xf32, #tpu.memory_space<vmem>> -> memref<400x64xf32, #tpu.memory_space<vmem>>
    %dma_start3A_356 = arith.constant 1600 : i32
    %dma_start3A_357 = tpu.memref_slice %arg7[%dma_start3A_356] : memref<6400xi32, #tpu.memory_space<vmem>> -> memref<400xi32, #tpu.memory_space<vmem>>
    %dma_start3A_358 = arith.constant 0 : i32
    %dma_start3A_359 = arith.constant 0 : i32
    %dma_start3A_360 = tpu.memref_slice %arg2[%dma_start3A_358, %dma_start3A_359] : memref<1016960x64xf32, #tpu.memory_space<hbm>> -> memref<1016960x64xf32, #tpu.memory_space<hbm>>
    tpu.enqueue_indirect_dma source(%dma_start3A_360 : memref<1016960x64xf32, #tpu.memory_space<hbm>>) target(%dma_start3A_355 : memref<400x64xf32, #tpu.memory_space<vmem>>) offsets(%dma_start3A_357 : memref<400xi32, #tpu.memory_space<vmem>>) semaphore(%arg11 : memref<!tpu.dma_semaphore, #tpu.memory_space<semaphore_mem>>)
    %dma_start3A_361 = arith.constant 0 : i32
    %dma_start3A_362 = arith.constant 0 : i32
    %dma_start3A_363 = arith.constant 0 : i32
    %dma_start3A_364 = tpu.memref_slice %arg10[%dma_start3A_361, %dma_start3A_362, %dma_start3A_363] : memref<2x400x64xf32, #tpu.memory_space<vmem>> -> memref<1x400x64xf32, #tpu.memory_space<vmem>>
    %dma_start3A_365 = tpu.memref_squeeze %dma_start3A_364 : memref<1x400x64xf32, #tpu.memory_space<vmem>> -> memref<400x64xf32, #tpu.memory_space<vmem>>
    %dma_start3A_366 = arith.constant 1600 : i32
    %dma_start3A_367 = tpu.memref_slice %arg8[%dma_start3A_366] : memref<6400xi32, #tpu.memory_space<vmem>> -> memref<400xi32, #tpu.memory_space<vmem>>
    %dma_start3A_368 = arith.constant 0 : i32
    %dma_start3A_369 = arith.constant 0 : i32
    %dma_start3A_370 = tpu.memref_slice %arg3[%dma_start3A_368, %dma_start3A_369] : memref<101696x64xf32, #tpu.memory_space<hbm>> -> memref<101696x64xf32, #tpu.memory_space<hbm>>
    tpu.enqueue_indirect_dma source(%dma_start3A_370 : memref<101696x64xf32, #tpu.memory_space<hbm>>) target(%dma_start3A_365 : memref<400x64xf32, #tpu.memory_space<vmem>>) offsets(%dma_start3A_367 : memref<400xi32, #tpu.memory_space<vmem>>) semaphore(%arg11 : memref<!tpu.dma_semaphore, #tpu.memory_space<semaphore_mem>>)
    %dma_wait3A_371 = arith.constant 0 : i32
    %dma_wait3A_372 = arith.constant 0 : i32
    %dma_wait3A_373 = arith.constant 0 : i32
    %dma_wait3A_374 = tpu.memref_slice %arg9[%dma_wait3A_371, %dma_wait3A_372, %dma_wait3A_373] : memref<2x400x64xf32, #tpu.memory_space<vmem>> -> memref<1x400x64xf32, #tpu.memory_space<vmem>>
    %dma_wait3A_375 = tpu.memref_squeeze %dma_wait3A_374 : memref<1x400x64xf32, #tpu.memory_space<vmem>> -> memref<400x64xf32, #tpu.memory_space<vmem>>
    %dma_wait3A_376 = arith.constant 1600 : i32
    %dma_wait3A_377 = tpu.memref_slice %arg7[%dma_wait3A_376] : memref<6400xi32, #tpu.memory_space<vmem>> -> memref<400xi32, #tpu.memory_space<vmem>>
    %dma_wait3A_378 = arith.constant 0 : i32
    %dma_wait3A_379 = arith.constant 0 : i32
    %dma_wait3A_380 = tpu.memref_slice %arg2[%dma_wait3A_378, %dma_wait3A_379] : memref<1016960x64xf32, #tpu.memory_space<hbm>> -> memref<1016960x64xf32, #tpu.memory_space<hbm>>
    tpu.wait_indirect_dma semaphore(%arg11 : memref<!tpu.dma_semaphore, #tpu.memory_space<semaphore_mem>>) src(%dma_wait3A_380 : memref<1016960x64xf32, #tpu.memory_space<hbm>>) dst(%dma_wait3A_375 : memref<400x64xf32, #tpu.memory_space<vmem>>)
    %dma_wait3A_381 = arith.constant 0 : i32
    %dma_wait3A_382 = arith.constant 0 : i32
    %dma_wait3A_383 = arith.constant 0 : i32
    %dma_wait3A_384 = tpu.memref_slice %arg10[%dma_wait3A_381, %dma_wait3A_382, %dma_wait3A_383] : memref<2x400x64xf32, #tpu.memory_space<vmem>> -> memref<1x400x64xf32, #tpu.memory_space<vmem>>
    %dma_wait3A_385 = tpu.memref_squeeze %dma_wait3A_384 : memref<1x400x64xf32, #tpu.memory_space<vmem>> -> memref<400x64xf32, #tpu.memory_space<vmem>>
    %dma_wait3A_386 = arith.constant 1600 : i32
    %dma_wait3A_387 = tpu.memref_slice %arg8[%dma_wait3A_386] : memref<6400xi32, #tpu.memory_space<vmem>> -> memref<400xi32, #tpu.memory_space<vmem>>
    %dma_wait3A_388 = arith.constant 0 : i32
    %dma_wait3A_389 = arith.constant 0 : i32
    %dma_wait3A_390 = tpu.memref_slice %arg3[%dma_wait3A_388, %dma_wait3A_389] : memref<101696x64xf32, #tpu.memory_space<hbm>> -> memref<101696x64xf32, #tpu.memory_space<hbm>>
    tpu.wait_indirect_dma semaphore(%arg11 : memref<!tpu.dma_semaphore, #tpu.memory_space<semaphore_mem>>) src(%dma_wait3A_390 : memref<101696x64xf32, #tpu.memory_space<hbm>>) dst(%dma_wait3A_385 : memref<400x64xf32, #tpu.memory_space<vmem>>)
    %add3A_391 = arith.constant 1600 : i32
    %add3A_392 = arith.addi %mul3A_2, %add3A_391 : i32
    %dma_start3A_393 = arith.constant 0 : i32
    %dma_start3A_394 = arith.constant 0 : i32
    %dma_start3A_395 = arith.constant 0 : i32
    %dma_start3A_396 = tpu.memref_slice %arg9[%dma_start3A_393, %dma_start3A_394, %dma_start3A_395] : memref<2x400x64xf32, #tpu.memory_space<vmem>> -> memref<1x400x64xf32, #tpu.memory_space<vmem>>
    %dma_start3A_397 = tpu.memref_squeeze %dma_start3A_396 : memref<1x400x64xf32, #tpu.memory_space<vmem>> -> memref<400x64xf32, #tpu.memory_space<vmem>>
    %dma_start3A_398 = arith.constant 0 : i32
    %dma_start3A_399 = tpu.memref_slice %arg6[%add3A_392, %dma_start3A_398] : memref<204800x128xf32, #tpu.memory_space<hbm>> -> memref<400x64xf32, #tpu.memory_space<hbm>>
    %dma_start3A_400 = arith.constant 0 : i32
    %dma_start3A_401 = tpu.memref_slice %arg6[%add3A_392, %dma_start3A_400] : memref<204800x128xf32, #tpu.memory_space<hbm>> -> memref<400x64xf32, #tpu.memory_space<hbm>>
    %dma_start3A_402 = arith.constant 0 : i32
    %dma_start3A_403 = arith.constant 0 : i32
    %dma_start3A_404 = tpu.memref_slice %arg9[%dma_start3A_393, %dma_start3A_402, %dma_start3A_403] : memref<2x400x64xf32, #tpu.memory_space<vmem>> -> memref<1x400x64xf32, #tpu.memory_space<vmem>>
    %dma_start3A_405 = tpu.memref_squeeze %dma_start3A_404 : memref<1x400x64xf32, #tpu.memory_space<vmem>> -> memref<400x64xf32, #tpu.memory_space<vmem>>
    tpu.enqueue_dma source(%dma_start3A_405 : memref<400x64xf32, #tpu.memory_space<vmem>>) target(%dma_start3A_401 : memref<400x64xf32, #tpu.memory_space<hbm>>) target_semaphore(%arg13 : memref<!tpu.dma_semaphore, #tpu.memory_space<semaphore_mem>>)
    %dma_start3A_406 = arith.constant 0 : i32
    %dma_start3A_407 = arith.constant 0 : i32
    %dma_start3A_408 = arith.constant 0 : i32
    %dma_start3A_409 = tpu.memref_slice %arg10[%dma_start3A_406, %dma_start3A_407, %dma_start3A_408] : memref<2x400x64xf32, #tpu.memory_space<vmem>> -> memref<1x400x64xf32, #tpu.memory_space<vmem>>
    %dma_start3A_410 = tpu.memref_squeeze %dma_start3A_409 : memref<1x400x64xf32, #tpu.memory_space<vmem>> -> memref<400x64xf32, #tpu.memory_space<vmem>>
    %dma_start3A_411 = arith.constant 64 : i32
    %dma_start3A_412 = tpu.memref_slice %arg6[%add3A_392, %dma_start3A_411] : memref<204800x128xf32, #tpu.memory_space<hbm>> -> memref<400x64xf32, #tpu.memory_space<hbm>>
    %dma_start3A_413 = arith.constant 64 : i32
    %dma_start3A_414 = tpu.memref_slice %arg6[%add3A_392, %dma_start3A_413] : memref<204800x128xf32, #tpu.memory_space<hbm>> -> memref<400x64xf32, #tpu.memory_space<hbm>>
    %dma_start3A_415 = arith.constant 0 : i32
    %dma_start3A_416 = arith.constant 0 : i32
    %dma_start3A_417 = tpu.memref_slice %arg10[%dma_start3A_406, %dma_start3A_415, %dma_start3A_416] : memref<2x400x64xf32, #tpu.memory_space<vmem>> -> memref<1x400x64xf32, #tpu.memory_space<vmem>>
    %dma_start3A_418 = tpu.memref_squeeze %dma_start3A_417 : memref<1x400x64xf32, #tpu.memory_space<vmem>> -> memref<400x64xf32, #tpu.memory_space<vmem>>
    tpu.enqueue_dma source(%dma_start3A_418 : memref<400x64xf32, #tpu.memory_space<vmem>>) target(%dma_start3A_414 : memref<400x64xf32, #tpu.memory_space<hbm>>) target_semaphore(%arg13 : memref<!tpu.dma_semaphore, #tpu.memory_space<semaphore_mem>>)
    %dma_wait3A_419 = arith.constant 1 : i32
    %dma_wait3A_420 = arith.constant 0 : i32
    %dma_wait3A_421 = arith.constant 0 : i32
    %dma_wait3A_422 = tpu.memref_slice %arg9[%dma_wait3A_419, %dma_wait3A_420, %dma_wait3A_421] : memref<2x400x64xf32, #tpu.memory_space<vmem>> -> memref<1x400x64xf32, #tpu.memory_space<vmem>>
    %dma_wait3A_423 = tpu.memref_squeeze %dma_wait3A_422 : memref<1x400x64xf32, #tpu.memory_space<vmem>> -> memref<400x64xf32, #tpu.memory_space<vmem>>
    %dma_wait3A_424 = arith.constant 0 : i32
    %dma_wait3A_425 = tpu.memref_slice %arg6[%add3A_298, %dma_wait3A_424] : memref<204800x128xf32, #tpu.memory_space<hbm>> -> memref<400x64xf32, #tpu.memory_space<hbm>>
    %dma_wait3A_426 = arith.constant 0 : i32
    %dma_wait3A_427 = tpu.memref_slice %arg6[%add3A_298, %dma_wait3A_426] : memref<204800x128xf32, #tpu.memory_space<hbm>> -> memref<400x64xf32, #tpu.memory_space<hbm>>
    %dma_wait3A_428 = arith.constant 0 : i32
    %dma_wait3A_429 = arith.constant 0 : i32
    %dma_wait3A_430 = tpu.memref_slice %arg9[%dma_wait3A_419, %dma_wait3A_428, %dma_wait3A_429] : memref<2x400x64xf32, #tpu.memory_space<vmem>> -> memref<1x400x64xf32, #tpu.memory_space<vmem>>
    %dma_wait3A_431 = tpu.memref_squeeze %dma_wait3A_430 : memref<1x400x64xf32, #tpu.memory_space<vmem>> -> memref<400x64xf32, #tpu.memory_space<vmem>>
    tpu.wait_dma2 semaphore(%arg14 : memref<!tpu.dma_semaphore, #tpu.memory_space<semaphore_mem>>) src(%dma_wait3A_431 : memref<400x64xf32, #tpu.memory_space<vmem>>) dst(%dma_wait3A_427 : memref<400x64xf32, #tpu.memory_space<hbm>>)
    %dma_wait3A_432 = arith.constant 1 : i32
    %dma_wait3A_433 = arith.constant 0 : i32
    %dma_wait3A_434 = arith.constant 0 : i32
    %dma_wait3A_435 = tpu.memref_slice %arg10[%dma_wait3A_432, %dma_wait3A_433, %dma_wait3A_434] : memref<2x400x64xf32, #tpu.memory_space<vmem>> -> memref<1x400x64xf32, #tpu.memory_space<vmem>>
    %dma_wait3A_436 = tpu.memref_squeeze %dma_wait3A_435 : memref<1x400x64xf32, #tpu.memory_space<vmem>> -> memref<400x64xf32, #tpu.memory_space<vmem>>
    %dma_wait3A_437 = arith.constant 64 : i32
    %dma_wait3A_438 = tpu.memref_slice %arg6[%add3A_298, %dma_wait3A_437] : memref<204800x128xf32, #tpu.memory_space<hbm>> -> memref<400x64xf32, #tpu.memory_space<hbm>>
    %dma_wait3A_439 = arith.constant 64 : i32
    %dma_wait3A_440 = tpu.memref_slice %arg6[%add3A_298, %dma_wait3A_439] : memref<204800x128xf32, #tpu.memory_space<hbm>> -> memref<400x64xf32, #tpu.memory_space<hbm>>
    %dma_wait3A_441 = arith.constant 0 : i32
    %dma_wait3A_442 = arith.constant 0 : i32
    %dma_wait3A_443 = tpu.memref_slice %arg10[%dma_wait3A_432, %dma_wait3A_441, %dma_wait3A_442] : memref<2x400x64xf32, #tpu.memory_space<vmem>> -> memref<1x400x64xf32, #tpu.memory_space<vmem>>
    %dma_wait3A_444 = tpu.memref_squeeze %dma_wait3A_443 : memref<1x400x64xf32, #tpu.memory_space<vmem>> -> memref<400x64xf32, #tpu.memory_space<vmem>>
    tpu.wait_dma2 semaphore(%arg14 : memref<!tpu.dma_semaphore, #tpu.memory_space<semaphore_mem>>) src(%dma_wait3A_444 : memref<400x64xf32, #tpu.memory_space<vmem>>) dst(%dma_wait3A_440 : memref<400x64xf32, #tpu.memory_space<hbm>>)
    %dma_start3A_445 = arith.constant 1 : i32
    %dma_start3A_446 = arith.constant 0 : i32
    %dma_start3A_447 = arith.constant 0 : i32
    %dma_start3A_448 = tpu.memref_slice %arg9[%dma_start3A_445, %dma_start3A_446, %dma_start3A_447] : memref<2x400x64xf32, #tpu.memory_space<vmem>> -> memref<1x400x64xf32, #tpu.memory_space<vmem>>
    %dma_start3A_449 = tpu.memref_squeeze %dma_start3A_448 : memref<1x400x64xf32, #tpu.memory_space<vmem>> -> memref<400x64xf32, #tpu.memory_space<vmem>>
    %dma_start3A_450 = arith.constant 2000 : i32
    %dma_start3A_451 = tpu.memref_slice %arg7[%dma_start3A_450] : memref<6400xi32, #tpu.memory_space<vmem>> -> memref<400xi32, #tpu.memory_space<vmem>>
    %dma_start3A_452 = arith.constant 0 : i32
    %dma_start3A_453 = arith.constant 0 : i32
    %dma_start3A_454 = tpu.memref_slice %arg2[%dma_start3A_452, %dma_start3A_453] : memref<1016960x64xf32, #tpu.memory_space<hbm>> -> memref<1016960x64xf32, #tpu.memory_space<hbm>>
    tpu.enqueue_indirect_dma source(%dma_start3A_454 : memref<1016960x64xf32, #tpu.memory_space<hbm>>) target(%dma_start3A_449 : memref<400x64xf32, #tpu.memory_space<vmem>>) offsets(%dma_start3A_451 : memref<400xi32, #tpu.memory_space<vmem>>) semaphore(%arg12 : memref<!tpu.dma_semaphore, #tpu.memory_space<semaphore_mem>>)
    %dma_start3A_455 = arith.constant 1 : i32
    %dma_start3A_456 = arith.constant 0 : i32
    %dma_start3A_457 = arith.constant 0 : i32
    %dma_start3A_458 = tpu.memref_slice %arg10[%dma_start3A_455, %dma_start3A_456, %dma_start3A_457] : memref<2x400x64xf32, #tpu.memory_space<vmem>> -> memref<1x400x64xf32, #tpu.memory_space<vmem>>
    %dma_start3A_459 = tpu.memref_squeeze %dma_start3A_458 : memref<1x400x64xf32, #tpu.memory_space<vmem>> -> memref<400x64xf32, #tpu.memory_space<vmem>>
    %dma_start3A_460 = arith.constant 2000 : i32
    %dma_start3A_461 = tpu.memref_slice %arg8[%dma_start3A_460] : memref<6400xi32, #tpu.memory_space<vmem>> -> memref<400xi32, #tpu.memory_space<vmem>>
    %dma_start3A_462 = arith.constant 0 : i32
    %dma_start3A_463 = arith.constant 0 : i32
    %dma_start3A_464 = tpu.memref_slice %arg3[%dma_start3A_462, %dma_start3A_463] : memref<101696x64xf32, #tpu.memory_space<hbm>> -> memref<101696x64xf32, #tpu.memory_space<hbm>>
    tpu.enqueue_indirect_dma source(%dma_start3A_464 : memref<101696x64xf32, #tpu.memory_space<hbm>>) target(%dma_start3A_459 : memref<400x64xf32, #tpu.memory_space<vmem>>) offsets(%dma_start3A_461 : memref<400xi32, #tpu.memory_space<vmem>>) semaphore(%arg12 : memref<!tpu.dma_semaphore, #tpu.memory_space<semaphore_mem>>)
    %dma_wait3A_465 = arith.constant 1 : i32
    %dma_wait3A_466 = arith.constant 0 : i32
    %dma_wait3A_467 = arith.constant 0 : i32
    %dma_wait3A_468 = tpu.memref_slice %arg9[%dma_wait3A_465, %dma_wait3A_466, %dma_wait3A_467] : memref<2x400x64xf32, #tpu.memory_space<vmem>> -> memref<1x400x64xf32, #tpu.memory_space<vmem>>
    %dma_wait3A_469 = tpu.memref_squeeze %dma_wait3A_468 : memref<1x400x64xf32, #tpu.memory_space<vmem>> -> memref<400x64xf32, #tpu.memory_space<vmem>>
    %dma_wait3A_470 = arith.constant 2000 : i32
    %dma_wait3A_471 = tpu.memref_slice %arg7[%dma_wait3A_470] : memref<6400xi32, #tpu.memory_space<vmem>> -> memref<400xi32, #tpu.memory_space<vmem>>
    %dma_wait3A_472 = arith.constant 0 : i32
    %dma_wait3A_473 = arith.constant 0 : i32
    %dma_wait3A_474 = tpu.memref_slice %arg2[%dma_wait3A_472, %dma_wait3A_473] : memref<1016960x64xf32, #tpu.memory_space<hbm>> -> memref<1016960x64xf32, #tpu.memory_space<hbm>>
    tpu.wait_indirect_dma semaphore(%arg12 : memref<!tpu.dma_semaphore, #tpu.memory_space<semaphore_mem>>) src(%dma_wait3A_474 : memref<1016960x64xf32, #tpu.memory_space<hbm>>) dst(%dma_wait3A_469 : memref<400x64xf32, #tpu.memory_space<vmem>>)
    %dma_wait3A_475 = arith.constant 1 : i32
    %dma_wait3A_476 = arith.constant 0 : i32
    %dma_wait3A_477 = arith.constant 0 : i32
    %dma_wait3A_478 = tpu.memref_slice %arg10[%dma_wait3A_475, %dma_wait3A_476, %dma_wait3A_477] : memref<2x400x64xf32, #tpu.memory_space<vmem>> -> memref<1x400x64xf32, #tpu.memory_space<vmem>>
    %dma_wait3A_479 = tpu.memref_squeeze %dma_wait3A_478 : memref<1x400x64xf32, #tpu.memory_space<vmem>> -> memref<400x64xf32, #tpu.memory_space<vmem>>
    %dma_wait3A_480 = arith.constant 2000 : i32
    %dma_wait3A_481 = tpu.memref_slice %arg8[%dma_wait3A_480] : memref<6400xi32, #tpu.memory_space<vmem>> -> memref<400xi32, #tpu.memory_space<vmem>>
    %dma_wait3A_482 = arith.constant 0 : i32
    %dma_wait3A_483 = arith.constant 0 : i32
    %dma_wait3A_484 = tpu.memref_slice %arg3[%dma_wait3A_482, %dma_wait3A_483] : memref<101696x64xf32, #tpu.memory_space<hbm>> -> memref<101696x64xf32, #tpu.memory_space<hbm>>
    tpu.wait_indirect_dma semaphore(%arg12 : memref<!tpu.dma_semaphore, #tpu.memory_space<semaphore_mem>>) src(%dma_wait3A_484 : memref<101696x64xf32, #tpu.memory_space<hbm>>) dst(%dma_wait3A_479 : memref<400x64xf32, #tpu.memory_space<vmem>>)
    %add3A_485 = arith.constant 2000 : i32
    %add3A_486 = arith.addi %mul3A_2, %add3A_485 : i32
    %dma_start3A_487 = arith.constant 1 : i32
    %dma_start3A_488 = arith.constant 0 : i32
    %dma_start3A_489 = arith.constant 0 : i32
    %dma_start3A_490 = tpu.memref_slice %arg9[%dma_start3A_487, %dma_start3A_488, %dma_start3A_489] : memref<2x400x64xf32, #tpu.memory_space<vmem>> -> memref<1x400x64xf32, #tpu.memory_space<vmem>>
    %dma_start3A_491 = tpu.memref_squeeze %dma_start3A_490 : memref<1x400x64xf32, #tpu.memory_space<vmem>> -> memref<400x64xf32, #tpu.memory_space<vmem>>
    %dma_start3A_492 = arith.constant 0 : i32
    %dma_start3A_493 = tpu.memref_slice %arg6[%add3A_486, %dma_start3A_492] : memref<204800x128xf32, #tpu.memory_space<hbm>> -> memref<400x64xf32, #tpu.memory_space<hbm>>
    %dma_start3A_494 = arith.constant 0 : i32
    %dma_start3A_495 = tpu.memref_slice %arg6[%add3A_486, %dma_start3A_494] : memref<204800x128xf32, #tpu.memory_space<hbm>> -> memref<400x64xf32, #tpu.memory_space<hbm>>
    %dma_start3A_496 = arith.constant 0 : i32
    %dma_start3A_497 = arith.constant 0 : i32
    %dma_start3A_498 = tpu.memref_slice %arg9[%dma_start3A_487, %dma_start3A_496, %dma_start3A_497] : memref<2x400x64xf32, #tpu.memory_space<vmem>> -> memref<1x400x64xf32, #tpu.memory_space<vmem>>
    %dma_start3A_499 = tpu.memref_squeeze %dma_start3A_498 : memref<1x400x64xf32, #tpu.memory_space<vmem>> -> memref<400x64xf32, #tpu.memory_space<vmem>>
    tpu.enqueue_dma source(%dma_start3A_499 : memref<400x64xf32, #tpu.memory_space<vmem>>) target(%dma_start3A_495 : memref<400x64xf32, #tpu.memory_space<hbm>>) target_semaphore(%arg14 : memref<!tpu.dma_semaphore, #tpu.memory_space<semaphore_mem>>)
    %dma_start3A_500 = arith.constant 1 : i32
    %dma_start3A_501 = arith.constant 0 : i32
    %dma_start3A_502 = arith.constant 0 : i32
    %dma_start3A_503 = tpu.memref_slice %arg10[%dma_start3A_500, %dma_start3A_501, %dma_start3A_502] : memref<2x400x64xf32, #tpu.memory_space<vmem>> -> memref<1x400x64xf32, #tpu.memory_space<vmem>>
    %dma_start3A_504 = tpu.memref_squeeze %dma_start3A_503 : memref<1x400x64xf32, #tpu.memory_space<vmem>> -> memref<400x64xf32, #tpu.memory_space<vmem>>
    %dma_start3A_505 = arith.constant 64 : i32
    %dma_start3A_506 = tpu.memref_slice %arg6[%add3A_486, %dma_start3A_505] : memref<204800x128xf32, #tpu.memory_space<hbm>> -> memref<400x64xf32, #tpu.memory_space<hbm>>
    %dma_start3A_507 = arith.constant 64 : i32
    %dma_start3A_508 = tpu.memref_slice %arg6[%add3A_486, %dma_start3A_507] : memref<204800x128xf32, #tpu.memory_space<hbm>> -> memref<400x64xf32, #tpu.memory_space<hbm>>
    %dma_start3A_509 = arith.constant 0 : i32
    %dma_start3A_510 = arith.constant 0 : i32
    %dma_start3A_511 = tpu.memref_slice %arg10[%dma_start3A_500, %dma_start3A_509, %dma_start3A_510] : memref<2x400x64xf32, #tpu.memory_space<vmem>> -> memref<1x400x64xf32, #tpu.memory_space<vmem>>
    %dma_start3A_512 = tpu.memref_squeeze %dma_start3A_511 : memref<1x400x64xf32, #tpu.memory_space<vmem>> -> memref<400x64xf32, #tpu.memory_space<vmem>>
    tpu.enqueue_dma source(%dma_start3A_512 : memref<400x64xf32, #tpu.memory_space<vmem>>) target(%dma_start3A_508 : memref<400x64xf32, #tpu.memory_space<hbm>>) target_semaphore(%arg14 : memref<!tpu.dma_semaphore, #tpu.memory_space<semaphore_mem>>)
    %dma_wait3A_513 = arith.constant 0 : i32
    %dma_wait3A_514 = arith.constant 0 : i32
    %dma_wait3A_515 = arith.constant 0 : i32
    %dma_wait3A_516 = tpu.memref_slice %arg9[%dma_wait3A_513, %dma_wait3A_514, %dma_wait3A_515] : memref<2x400x64xf32, #tpu.memory_space<vmem>> -> memref<1x400x64xf32, #tpu.memory_space<vmem>>
    %dma_wait3A_517 = tpu.memref_squeeze %dma_wait3A_516 : memref<1x400x64xf32, #tpu.memory_space<vmem>> -> memref<400x64xf32, #tpu.memory_space<vmem>>
    %dma_wait3A_518 = arith.constant 0 : i32
    %dma_wait3A_519 = tpu.memref_slice %arg6[%add3A_392, %dma_wait3A_518] : memref<204800x128xf32, #tpu.memory_space<hbm>> -> memref<400x64xf32, #tpu.memory_space<hbm>>
    %dma_wait3A_520 = arith.constant 0 : i32
    %dma_wait3A_521 = tpu.memref_slice %arg6[%add3A_392, %dma_wait3A_520] : memref<204800x128xf32, #tpu.memory_space<hbm>> -> memref<400x64xf32, #tpu.memory_space<hbm>>
    %dma_wait3A_522 = arith.constant 0 : i32
    %dma_wait3A_523 = arith.constant 0 : i32
    %dma_wait3A_524 = tpu.memref_slice %arg9[%dma_wait3A_513, %dma_wait3A_522, %dma_wait3A_523] : memref<2x400x64xf32, #tpu.memory_space<vmem>> -> memref<1x400x64xf32, #tpu.memory_space<vmem>>
    %dma_wait3A_525 = tpu.memref_squeeze %dma_wait3A_524 : memref<1x400x64xf32, #tpu.memory_space<vmem>> -> memref<400x64xf32, #tpu.memory_space<vmem>>
    tpu.wait_dma2 semaphore(%arg13 : memref<!tpu.dma_semaphore, #tpu.memory_space<semaphore_mem>>) src(%dma_wait3A_525 : memref<400x64xf32, #tpu.memory_space<vmem>>) dst(%dma_wait3A_521 : memref<400x64xf32, #tpu.memory_space<hbm>>)
    %dma_wait3A_526 = arith.constant 0 : i32
    %dma_wait3A_527 = arith.constant 0 : i32
    %dma_wait3A_528 = arith.constant 0 : i32
    %dma_wait3A_529 = tpu.memref_slice %arg10[%dma_wait3A_526, %dma_wait3A_527, %dma_wait3A_528] : memref<2x400x64xf32, #tpu.memory_space<vmem>> -> memref<1x400x64xf32, #tpu.memory_space<vmem>>
    %dma_wait3A_530 = tpu.memref_squeeze %dma_wait3A_529 : memref<1x400x64xf32, #tpu.memory_space<vmem>> -> memref<400x64xf32, #tpu.memory_space<vmem>>
    %dma_wait3A_531 = arith.constant 64 : i32
    %dma_wait3A_532 = tpu.memref_slice %arg6[%add3A_392, %dma_wait3A_531] : memref<204800x128xf32, #tpu.memory_space<hbm>> -> memref<400x64xf32, #tpu.memory_space<hbm>>
    %dma_wait3A_533 = arith.constant 64 : i32
    %dma_wait3A_534 = tpu.memref_slice %arg6[%add3A_392, %dma_wait3A_533] : memref<204800x128xf32, #tpu.memory_space<hbm>> -> memref<400x64xf32, #tpu.memory_space<hbm>>
    %dma_wait3A_535 = arith.constant 0 : i32
    %dma_wait3A_536 = arith.constant 0 : i32
    %dma_wait3A_537 = tpu.memref_slice %arg10[%dma_wait3A_526, %dma_wait3A_535, %dma_wait3A_536] : memref<2x400x64xf32, #tpu.memory_space<vmem>> -> memref<1x400x64xf32, #tpu.memory_space<vmem>>
    %dma_wait3A_538 = tpu.memref_squeeze %dma_wait3A_537 : memref<1x400x64xf32, #tpu.memory_space<vmem>> -> memref<400x64xf32, #tpu.memory_space<vmem>>
    tpu.wait_dma2 semaphore(%arg13 : memref<!tpu.dma_semaphore, #tpu.memory_space<semaphore_mem>>) src(%dma_wait3A_538 : memref<400x64xf32, #tpu.memory_space<vmem>>) dst(%dma_wait3A_534 : memref<400x64xf32, #tpu.memory_space<hbm>>)
    %dma_start3A_539 = arith.constant 0 : i32
    %dma_start3A_540 = arith.constant 0 : i32
    %dma_start3A_541 = arith.constant 0 : i32
    %dma_start3A_542 = tpu.memref_slice %arg9[%dma_start3A_539, %dma_start3A_540, %dma_start3A_541] : memref<2x400x64xf32, #tpu.memory_space<vmem>> -> memref<1x400x64xf32, #tpu.memory_space<vmem>>
    %dma_start3A_543 = tpu.memref_squeeze %dma_start3A_542 : memref<1x400x64xf32, #tpu.memory_space<vmem>> -> memref<400x64xf32, #tpu.memory_space<vmem>>
    %dma_start3A_544 = arith.constant 2400 : i32
    %dma_start3A_545 = tpu.memref_slice %arg7[%dma_start3A_544] : memref<6400xi32, #tpu.memory_space<vmem>> -> memref<400xi32, #tpu.memory_space<vmem>>
    %dma_start3A_546 = arith.constant 0 : i32
    %dma_start3A_547 = arith.constant 0 : i32
    %dma_start3A_548 = tpu.memref_slice %arg2[%dma_start3A_546, %dma_start3A_547] : memref<1016960x64xf32, #tpu.memory_space<hbm>> -> memref<1016960x64xf32, #tpu.memory_space<hbm>>
    tpu.enqueue_indirect_dma source(%dma_start3A_548 : memref<1016960x64xf32, #tpu.memory_space<hbm>>) target(%dma_start3A_543 : memref<400x64xf32, #tpu.memory_space<vmem>>) offsets(%dma_start3A_545 : memref<400xi32, #tpu.memory_space<vmem>>) semaphore(%arg11 : memref<!tpu.dma_semaphore, #tpu.memory_space<semaphore_mem>>)
    %dma_start3A_549 = arith.constant 0 : i32
    %dma_start3A_550 = arith.constant 0 : i32
    %dma_start3A_551 = arith.constant 0 : i32
    %dma_start3A_552 = tpu.memref_slice %arg10[%dma_start3A_549, %dma_start3A_550, %dma_start3A_551] : memref<2x400x64xf32, #tpu.memory_space<vmem>> -> memref<1x400x64xf32, #tpu.memory_space<vmem>>
    %dma_start3A_553 = tpu.memref_squeeze %dma_start3A_552 : memref<1x400x64xf32, #tpu.memory_space<vmem>> -> memref<400x64xf32, #tpu.memory_space<vmem>>
    %dma_start3A_554 = arith.constant 2400 : i32
    %dma_start3A_555 = tpu.memref_slice %arg8[%dma_start3A_554] : memref<6400xi32, #tpu.memory_space<vmem>> -> memref<400xi32, #tpu.memory_space<vmem>>
    %dma_start3A_556 = arith.constant 0 : i32
    %dma_start3A_557 = arith.constant 0 : i32
    %dma_start3A_558 = tpu.memref_slice %arg3[%dma_start3A_556, %dma_start3A_557] : memref<101696x64xf32, #tpu.memory_space<hbm>> -> memref<101696x64xf32, #tpu.memory_space<hbm>>
    tpu.enqueue_indirect_dma source(%dma_start3A_558 : memref<101696x64xf32, #tpu.memory_space<hbm>>) target(%dma_start3A_553 : memref<400x64xf32, #tpu.memory_space<vmem>>) offsets(%dma_start3A_555 : memref<400xi32, #tpu.memory_space<vmem>>) semaphore(%arg11 : memref<!tpu.dma_semaphore, #tpu.memory_space<semaphore_mem>>)
    %dma_wait3A_559 = arith.constant 0 : i32
    %dma_wait3A_560 = arith.constant 0 : i32
    %dma_wait3A_561 = arith.constant 0 : i32
    %dma_wait3A_562 = tpu.memref_slice %arg9[%dma_wait3A_559, %dma_wait3A_560, %dma_wait3A_561] : memref<2x400x64xf32, #tpu.memory_space<vmem>> -> memref<1x400x64xf32, #tpu.memory_space<vmem>>
    %dma_wait3A_563 = tpu.memref_squeeze %dma_wait3A_562 : memref<1x400x64xf32, #tpu.memory_space<vmem>> -> memref<400x64xf32, #tpu.memory_space<vmem>>
    %dma_wait3A_564 = arith.constant 2400 : i32
    %dma_wait3A_565 = tpu.memref_slice %arg7[%dma_wait3A_564] : memref<6400xi32, #tpu.memory_space<vmem>> -> memref<400xi32, #tpu.memory_space<vmem>>
    %dma_wait3A_566 = arith.constant 0 : i32
    %dma_wait3A_567 = arith.constant 0 : i32
    %dma_wait3A_568 = tpu.memref_slice %arg2[%dma_wait3A_566, %dma_wait3A_567] : memref<1016960x64xf32, #tpu.memory_space<hbm>> -> memref<1016960x64xf32, #tpu.memory_space<hbm>>
    tpu.wait_indirect_dma semaphore(%arg11 : memref<!tpu.dma_semaphore, #tpu.memory_space<semaphore_mem>>) src(%dma_wait3A_568 : memref<1016960x64xf32, #tpu.memory_space<hbm>>) dst(%dma_wait3A_563 : memref<400x64xf32, #tpu.memory_space<vmem>>)
    %dma_wait3A_569 = arith.constant 0 : i32
    %dma_wait3A_570 = arith.constant 0 : i32
    %dma_wait3A_571 = arith.constant 0 : i32
    %dma_wait3A_572 = tpu.memref_slice %arg10[%dma_wait3A_569, %dma_wait3A_570, %dma_wait3A_571] : memref<2x400x64xf32, #tpu.memory_space<vmem>> -> memref<1x400x64xf32, #tpu.memory_space<vmem>>
    %dma_wait3A_573 = tpu.memref_squeeze %dma_wait3A_572 : memref<1x400x64xf32, #tpu.memory_space<vmem>> -> memref<400x64xf32, #tpu.memory_space<vmem>>
    %dma_wait3A_574 = arith.constant 2400 : i32
    %dma_wait3A_575 = tpu.memref_slice %arg8[%dma_wait3A_574] : memref<6400xi32, #tpu.memory_space<vmem>> -> memref<400xi32, #tpu.memory_space<vmem>>
    %dma_wait3A_576 = arith.constant 0 : i32
    %dma_wait3A_577 = arith.constant 0 : i32
    %dma_wait3A_578 = tpu.memref_slice %arg3[%dma_wait3A_576, %dma_wait3A_577] : memref<101696x64xf32, #tpu.memory_space<hbm>> -> memref<101696x64xf32, #tpu.memory_space<hbm>>
    tpu.wait_indirect_dma semaphore(%arg11 : memref<!tpu.dma_semaphore, #tpu.memory_space<semaphore_mem>>) src(%dma_wait3A_578 : memref<101696x64xf32, #tpu.memory_space<hbm>>) dst(%dma_wait3A_573 : memref<400x64xf32, #tpu.memory_space<vmem>>)
    %add3A_579 = arith.constant 2400 : i32
    %add3A_580 = arith.addi %mul3A_2, %add3A_579 : i32
    %dma_start3A_581 = arith.constant 0 : i32
    %dma_start3A_582 = arith.constant 0 : i32
    %dma_start3A_583 = arith.constant 0 : i32
    %dma_start3A_584 = tpu.memref_slice %arg9[%dma_start3A_581, %dma_start3A_582, %dma_start3A_583] : memref<2x400x64xf32, #tpu.memory_space<vmem>> -> memref<1x400x64xf32, #tpu.memory_space<vmem>>
    %dma_start3A_585 = tpu.memref_squeeze %dma_start3A_584 : memref<1x400x64xf32, #tpu.memory_space<vmem>> -> memref<400x64xf32, #tpu.memory_space<vmem>>
    %dma_start3A_586 = arith.constant 0 : i32
    %dma_start3A_587 = tpu.memref_slice %arg6[%add3A_580, %dma_start3A_586] : memref<204800x128xf32, #tpu.memory_space<hbm>> -> memref<400x64xf32, #tpu.memory_space<hbm>>
    %dma_start3A_588 = arith.constant 0 : i32
    %dma_start3A_589 = tpu.memref_slice %arg6[%add3A_580, %dma_start3A_588] : memref<204800x128xf32, #tpu.memory_space<hbm>> -> memref<400x64xf32, #tpu.memory_space<hbm>>
    %dma_start3A_590 = arith.constant 0 : i32
    %dma_start3A_591 = arith.constant 0 : i32
    %dma_start3A_592 = tpu.memref_slice %arg9[%dma_start3A_581, %dma_start3A_590, %dma_start3A_591] : memref<2x400x64xf32, #tpu.memory_space<vmem>> -> memref<1x400x64xf32, #tpu.memory_space<vmem>>
    %dma_start3A_593 = tpu.memref_squeeze %dma_start3A_592 : memref<1x400x64xf32, #tpu.memory_space<vmem>> -> memref<400x64xf32, #tpu.memory_space<vmem>>
    tpu.enqueue_dma source(%dma_start3A_593 : memref<400x64xf32, #tpu.memory_space<vmem>>) target(%dma_start3A_589 : memref<400x64xf32, #tpu.memory_space<hbm>>) target_semaphore(%arg13 : memref<!tpu.dma_semaphore, #tpu.memory_space<semaphore_mem>>)
    %dma_start3A_594 = arith.constant 0 : i32
    %dma_start3A_595 = arith.constant 0 : i32
    %dma_start3A_596 = arith.constant 0 : i32
    %dma_start3A_597 = tpu.memref_slice %arg10[%dma_start3A_594, %dma_start3A_595, %dma_start3A_596] : memref<2x400x64xf32, #tpu.memory_space<vmem>> -> memref<1x400x64xf32, #tpu.memory_space<vmem>>
    %dma_start3A_598 = tpu.memref_squeeze %dma_start3A_597 : memref<1x400x64xf32, #tpu.memory_space<vmem>> -> memref<400x64xf32, #tpu.memory_space<vmem>>
    %dma_start3A_599 = arith.constant 64 : i32
    %dma_start3A_600 = tpu.memref_slice %arg6[%add3A_580, %dma_start3A_599] : memref<204800x128xf32, #tpu.memory_space<hbm>> -> memref<400x64xf32, #tpu.memory_space<hbm>>
    %dma_start3A_601 = arith.constant 64 : i32
    %dma_start3A_602 = tpu.memref_slice %arg6[%add3A_580, %dma_start3A_601] : memref<204800x128xf32, #tpu.memory_space<hbm>> -> memref<400x64xf32, #tpu.memory_space<hbm>>
    %dma_start3A_603 = arith.constant 0 : i32
    %dma_start3A_604 = arith.constant 0 : i32
    %dma_start3A_605 = tpu.memref_slice %arg10[%dma_start3A_594, %dma_start3A_603, %dma_start3A_604] : memref<2x400x64xf32, #tpu.memory_space<vmem>> -> memref<1x400x64xf32, #tpu.memory_space<vmem>>
    %dma_start3A_606 = tpu.memref_squeeze %dma_start3A_605 : memref<1x400x64xf32, #tpu.memory_space<vmem>> -> memref<400x64xf32, #tpu.memory_space<vmem>>
    tpu.enqueue_dma source(%dma_start3A_606 : memref<400x64xf32, #tpu.memory_space<vmem>>) target(%dma_start3A_602 : memref<400x64xf32, #tpu.memory_space<hbm>>) target_semaphore(%arg13 : memref<!tpu.dma_semaphore, #tpu.memory_space<semaphore_mem>>)
    %dma_wait3A_607 = arith.constant 1 : i32
    %dma_wait3A_608 = arith.constant 0 : i32
    %dma_wait3A_609 = arith.constant 0 : i32
    %dma_wait3A_610 = tpu.memref_slice %arg9[%dma_wait3A_607, %dma_wait3A_608, %dma_wait3A_609] : memref<2x400x64xf32, #tpu.memory_space<vmem>> -> memref<1x400x64xf32, #tpu.memory_space<vmem>>
    %dma_wait3A_611 = tpu.memref_squeeze %dma_wait3A_610 : memref<1x400x64xf32, #tpu.memory_space<vmem>> -> memref<400x64xf32, #tpu.memory_space<vmem>>
    %dma_wait3A_612 = arith.constant 0 : i32
    %dma_wait3A_613 = tpu.memref_slice %arg6[%add3A_486, %dma_wait3A_612] : memref<204800x128xf32, #tpu.memory_space<hbm>> -> memref<400x64xf32, #tpu.memory_space<hbm>>
    %dma_wait3A_614 = arith.constant 0 : i32
    %dma_wait3A_615 = tpu.memref_slice %arg6[%add3A_486, %dma_wait3A_614] : memref<204800x128xf32, #tpu.memory_space<hbm>> -> memref<400x64xf32, #tpu.memory_space<hbm>>
    %dma_wait3A_616 = arith.constant 0 : i32
    %dma_wait3A_617 = arith.constant 0 : i32
    %dma_wait3A_618 = tpu.memref_slice %arg9[%dma_wait3A_607, %dma_wait3A_616, %dma_wait3A_617] : memref<2x400x64xf32, #tpu.memory_space<vmem>> -> memref<1x400x64xf32, #tpu.memory_space<vmem>>
    %dma_wait3A_619 = tpu.memref_squeeze %dma_wait3A_618 : memref<1x400x64xf32, #tpu.memory_space<vmem>> -> memref<400x64xf32, #tpu.memory_space<vmem>>
    tpu.wait_dma2 semaphore(%arg14 : memref<!tpu.dma_semaphore, #tpu.memory_space<semaphore_mem>>) src(%dma_wait3A_619 : memref<400x64xf32, #tpu.memory_space<vmem>>) dst(%dma_wait3A_615 : memref<400x64xf32, #tpu.memory_space<hbm>>)
    %dma_wait3A_620 = arith.constant 1 : i32
    %dma_wait3A_621 = arith.constant 0 : i32
    %dma_wait3A_622 = arith.constant 0 : i32
    %dma_wait3A_623 = tpu.memref_slice %arg10[%dma_wait3A_620, %dma_wait3A_621, %dma_wait3A_622] : memref<2x400x64xf32, #tpu.memory_space<vmem>> -> memref<1x400x64xf32, #tpu.memory_space<vmem>>
    %dma_wait3A_624 = tpu.memref_squeeze %dma_wait3A_623 : memref<1x400x64xf32, #tpu.memory_space<vmem>> -> memref<400x64xf32, #tpu.memory_space<vmem>>
    %dma_wait3A_625 = arith.constant 64 : i32
    %dma_wait3A_626 = tpu.memref_slice %arg6[%add3A_486, %dma_wait3A_625] : memref<204800x128xf32, #tpu.memory_space<hbm>> -> memref<400x64xf32, #tpu.memory_space<hbm>>
    %dma_wait3A_627 = arith.constant 64 : i32
    %dma_wait3A_628 = tpu.memref_slice %arg6[%add3A_486, %dma_wait3A_627] : memref<204800x128xf32, #tpu.memory_space<hbm>> -> memref<400x64xf32, #tpu.memory_space<hbm>>
    %dma_wait3A_629 = arith.constant 0 : i32
    %dma_wait3A_630 = arith.constant 0 : i32
    %dma_wait3A_631 = tpu.memref_slice %arg10[%dma_wait3A_620, %dma_wait3A_629, %dma_wait3A_630] : memref<2x400x64xf32, #tpu.memory_space<vmem>> -> memref<1x400x64xf32, #tpu.memory_space<vmem>>
    %dma_wait3A_632 = tpu.memref_squeeze %dma_wait3A_631 : memref<1x400x64xf32, #tpu.memory_space<vmem>> -> memref<400x64xf32, #tpu.memory_space<vmem>>
    tpu.wait_dma2 semaphore(%arg14 : memref<!tpu.dma_semaphore, #tpu.memory_space<semaphore_mem>>) src(%dma_wait3A_632 : memref<400x64xf32, #tpu.memory_space<vmem>>) dst(%dma_wait3A_628 : memref<400x64xf32, #tpu.memory_space<hbm>>)
    %dma_start3A_633 = arith.constant 1 : i32
    %dma_start3A_634 = arith.constant 0 : i32
    %dma_start3A_635 = arith.constant 0 : i32
    %dma_start3A_636 = tpu.memref_slice %arg9[%dma_start3A_633, %dma_start3A_634, %dma_start3A_635] : memref<2x400x64xf32, #tpu.memory_space<vmem>> -> memref<1x400x64xf32, #tpu.memory_space<vmem>>
    %dma_start3A_637 = tpu.memref_squeeze %dma_start3A_636 : memref<1x400x64xf32, #tpu.memory_space<vmem>> -> memref<400x64xf32, #tpu.memory_space<vmem>>
    %dma_start3A_638 = arith.constant 2800 : i32
    %dma_start3A_639 = tpu.memref_slice %arg7[%dma_start3A_638] : memref<6400xi32, #tpu.memory_space<vmem>> -> memref<400xi32, #tpu.memory_space<vmem>>
    %dma_start3A_640 = arith.constant 0 : i32
    %dma_start3A_641 = arith.constant 0 : i32
    %dma_start3A_642 = tpu.memref_slice %arg2[%dma_start3A_640, %dma_start3A_641] : memref<1016960x64xf32, #tpu.memory_space<hbm>> -> memref<1016960x64xf32, #tpu.memory_space<hbm>>
    tpu.enqueue_indirect_dma source(%dma_start3A_642 : memref<1016960x64xf32, #tpu.memory_space<hbm>>) target(%dma_start3A_637 : memref<400x64xf32, #tpu.memory_space<vmem>>) offsets(%dma_start3A_639 : memref<400xi32, #tpu.memory_space<vmem>>) semaphore(%arg12 : memref<!tpu.dma_semaphore, #tpu.memory_space<semaphore_mem>>)
    %dma_start3A_643 = arith.constant 1 : i32
    %dma_start3A_644 = arith.constant 0 : i32
    %dma_start3A_645 = arith.constant 0 : i32
    %dma_start3A_646 = tpu.memref_slice %arg10[%dma_start3A_643, %dma_start3A_644, %dma_start3A_645] : memref<2x400x64xf32, #tpu.memory_space<vmem>> -> memref<1x400x64xf32, #tpu.memory_space<vmem>>
    %dma_start3A_647 = tpu.memref_squeeze %dma_start3A_646 : memref<1x400x64xf32, #tpu.memory_space<vmem>> -> memref<400x64xf32, #tpu.memory_space<vmem>>
    %dma_start3A_648 = arith.constant 2800 : i32
    %dma_start3A_649 = tpu.memref_slice %arg8[%dma_start3A_648] : memref<6400xi32, #tpu.memory_space<vmem>> -> memref<400xi32, #tpu.memory_space<vmem>>
    %dma_start3A_650 = arith.constant 0 : i32
    %dma_start3A_651 = arith.constant 0 : i32
    %dma_start3A_652 = tpu.memref_slice %arg3[%dma_start3A_650, %dma_start3A_651] : memref<101696x64xf32, #tpu.memory_space<hbm>> -> memref<101696x64xf32, #tpu.memory_space<hbm>>
    tpu.enqueue_indirect_dma source(%dma_start3A_652 : memref<101696x64xf32, #tpu.memory_space<hbm>>) target(%dma_start3A_647 : memref<400x64xf32, #tpu.memory_space<vmem>>) offsets(%dma_start3A_649 : memref<400xi32, #tpu.memory_space<vmem>>) semaphore(%arg12 : memref<!tpu.dma_semaphore, #tpu.memory_space<semaphore_mem>>)
    %dma_wait3A_653 = arith.constant 1 : i32
    %dma_wait3A_654 = arith.constant 0 : i32
    %dma_wait3A_655 = arith.constant 0 : i32
    %dma_wait3A_656 = tpu.memref_slice %arg9[%dma_wait3A_653, %dma_wait3A_654, %dma_wait3A_655] : memref<2x400x64xf32, #tpu.memory_space<vmem>> -> memref<1x400x64xf32, #tpu.memory_space<vmem>>
    %dma_wait3A_657 = tpu.memref_squeeze %dma_wait3A_656 : memref<1x400x64xf32, #tpu.memory_space<vmem>> -> memref<400x64xf32, #tpu.memory_space<vmem>>
    %dma_wait3A_658 = arith.constant 2800 : i32
    %dma_wait3A_659 = tpu.memref_slice %arg7[%dma_wait3A_658] : memref<6400xi32, #tpu.memory_space<vmem>> -> memref<400xi32, #tpu.memory_space<vmem>>
    %dma_wait3A_660 = arith.constant 0 : i32
    %dma_wait3A_661 = arith.constant 0 : i32
    %dma_wait3A_662 = tpu.memref_slice %arg2[%dma_wait3A_660, %dma_wait3A_661] : memref<1016960x64xf32, #tpu.memory_space<hbm>> -> memref<1016960x64xf32, #tpu.memory_space<hbm>>
    tpu.wait_indirect_dma semaphore(%arg12 : memref<!tpu.dma_semaphore, #tpu.memory_space<semaphore_mem>>) src(%dma_wait3A_662 : memref<1016960x64xf32, #tpu.memory_space<hbm>>) dst(%dma_wait3A_657 : memref<400x64xf32, #tpu.memory_space<vmem>>)
    %dma_wait3A_663 = arith.constant 1 : i32
    %dma_wait3A_664 = arith.constant 0 : i32
    %dma_wait3A_665 = arith.constant 0 : i32
    %dma_wait3A_666 = tpu.memref_slice %arg10[%dma_wait3A_663, %dma_wait3A_664, %dma_wait3A_665] : memref<2x400x64xf32, #tpu.memory_space<vmem>> -> memref<1x400x64xf32, #tpu.memory_space<vmem>>
    %dma_wait3A_667 = tpu.memref_squeeze %dma_wait3A_666 : memref<1x400x64xf32, #tpu.memory_space<vmem>> -> memref<400x64xf32, #tpu.memory_space<vmem>>
    %dma_wait3A_668 = arith.constant 2800 : i32
    %dma_wait3A_669 = tpu.memref_slice %arg8[%dma_wait3A_668] : memref<6400xi32, #tpu.memory_space<vmem>> -> memref<400xi32, #tpu.memory_space<vmem>>
    %dma_wait3A_670 = arith.constant 0 : i32
    %dma_wait3A_671 = arith.constant 0 : i32
    %dma_wait3A_672 = tpu.memref_slice %arg3[%dma_wait3A_670, %dma_wait3A_671] : memref<101696x64xf32, #tpu.memory_space<hbm>> -> memref<101696x64xf32, #tpu.memory_space<hbm>>
    tpu.wait_indirect_dma semaphore(%arg12 : memref<!tpu.dma_semaphore, #tpu.memory_space<semaphore_mem>>) src(%dma_wait3A_672 : memref<101696x64xf32, #tpu.memory_space<hbm>>) dst(%dma_wait3A_667 : memref<400x64xf32, #tpu.memory_space<vmem>>)
    %add3A_673 = arith.constant 2800 : i32
    %add3A_674 = arith.addi %mul3A_2, %add3A_673 : i32
    %dma_start3A_675 = arith.constant 1 : i32
    %dma_start3A_676 = arith.constant 0 : i32
    %dma_start3A_677 = arith.constant 0 : i32
    %dma_start3A_678 = tpu.memref_slice %arg9[%dma_start3A_675, %dma_start3A_676, %dma_start3A_677] : memref<2x400x64xf32, #tpu.memory_space<vmem>> -> memref<1x400x64xf32, #tpu.memory_space<vmem>>
    %dma_start3A_679 = tpu.memref_squeeze %dma_start3A_678 : memref<1x400x64xf32, #tpu.memory_space<vmem>> -> memref<400x64xf32, #tpu.memory_space<vmem>>
    %dma_start3A_680 = arith.constant 0 : i32
    %dma_start3A_681 = tpu.memref_slice %arg6[%add3A_674, %dma_start3A_680] : memref<204800x128xf32, #tpu.memory_space<hbm>> -> memref<400x64xf32, #tpu.memory_space<hbm>>
    %dma_start3A_682 = arith.constant 0 : i32
    %dma_start3A_683 = tpu.memref_slice %arg6[%add3A_674, %dma_start3A_682] : memref<204800x128xf32, #tpu.memory_space<hbm>> -> memref<400x64xf32, #tpu.memory_space<hbm>>
    %dma_start3A_684 = arith.constant 0 : i32
    %dma_start3A_685 = arith.constant 0 : i32
    %dma_start3A_686 = tpu.memref_slice %arg9[%dma_start3A_675, %dma_start3A_684, %dma_start3A_685] : memref<2x400x64xf32, #tpu.memory_space<vmem>> -> memref<1x400x64xf32, #tpu.memory_space<vmem>>
    %dma_start3A_687 = tpu.memref_squeeze %dma_start3A_686 : memref<1x400x64xf32, #tpu.memory_space<vmem>> -> memref<400x64xf32, #tpu.memory_space<vmem>>
    tpu.enqueue_dma source(%dma_start3A_687 : memref<400x64xf32, #tpu.memory_space<vmem>>) target(%dma_start3A_683 : memref<400x64xf32, #tpu.memory_space<hbm>>) target_semaphore(%arg14 : memref<!tpu.dma_semaphore, #tpu.memory_space<semaphore_mem>>)
    %dma_start3A_688 = arith.constant 1 : i32
    %dma_start3A_689 = arith.constant 0 : i32
    %dma_start3A_690 = arith.constant 0 : i32
    %dma_start3A_691 = tpu.memref_slice %arg10[%dma_start3A_688, %dma_start3A_689, %dma_start3A_690] : memref<2x400x64xf32, #tpu.memory_space<vmem>> -> memref<1x400x64xf32, #tpu.memory_space<vmem>>
    %dma_start3A_692 = tpu.memref_squeeze %dma_start3A_691 : memref<1x400x64xf32, #tpu.memory_space<vmem>> -> memref<400x64xf32, #tpu.memory_space<vmem>>
    %dma_start3A_693 = arith.constant 64 : i32
    %dma_start3A_694 = tpu.memref_slice %arg6[%add3A_674, %dma_start3A_693] : memref<204800x128xf32, #tpu.memory_space<hbm>> -> memref<400x64xf32, #tpu.memory_space<hbm>>
    %dma_start3A_695 = arith.constant 64 : i32
    %dma_start3A_696 = tpu.memref_slice %arg6[%add3A_674, %dma_start3A_695] : memref<204800x128xf32, #tpu.memory_space<hbm>> -> memref<400x64xf32, #tpu.memory_space<hbm>>
    %dma_start3A_697 = arith.constant 0 : i32
    %dma_start3A_698 = arith.constant 0 : i32
    %dma_start3A_699 = tpu.memref_slice %arg10[%dma_start3A_688, %dma_start3A_697, %dma_start3A_698] : memref<2x400x64xf32, #tpu.memory_space<vmem>> -> memref<1x400x64xf32, #tpu.memory_space<vmem>>
    %dma_start3A_700 = tpu.memref_squeeze %dma_start3A_699 : memref<1x400x64xf32, #tpu.memory_space<vmem>> -> memref<400x64xf32, #tpu.memory_space<vmem>>
    tpu.enqueue_dma source(%dma_start3A_700 : memref<400x64xf32, #tpu.memory_space<vmem>>) target(%dma_start3A_696 : memref<400x64xf32, #tpu.memory_space<hbm>>) target_semaphore(%arg14 : memref<!tpu.dma_semaphore, #tpu.memory_space<semaphore_mem>>)
    %dma_wait3A_701 = arith.constant 0 : i32
    %dma_wait3A_702 = arith.constant 0 : i32
    %dma_wait3A_703 = arith.constant 0 : i32
    %dma_wait3A_704 = tpu.memref_slice %arg9[%dma_wait3A_701, %dma_wait3A_702, %dma_wait3A_703] : memref<2x400x64xf32, #tpu.memory_space<vmem>> -> memref<1x400x64xf32, #tpu.memory_space<vmem>>
    %dma_wait3A_705 = tpu.memref_squeeze %dma_wait3A_704 : memref<1x400x64xf32, #tpu.memory_space<vmem>> -> memref<400x64xf32, #tpu.memory_space<vmem>>
    %dma_wait3A_706 = arith.constant 0 : i32
    %dma_wait3A_707 = tpu.memref_slice %arg6[%add3A_580, %dma_wait3A_706] : memref<204800x128xf32, #tpu.memory_space<hbm>> -> memref<400x64xf32, #tpu.memory_space<hbm>>
    %dma_wait3A_708 = arith.constant 0 : i32
    %dma_wait3A_709 = tpu.memref_slice %arg6[%add3A_580, %dma_wait3A_708] : memref<204800x128xf32, #tpu.memory_space<hbm>> -> memref<400x64xf32, #tpu.memory_space<hbm>>
    %dma_wait3A_710 = arith.constant 0 : i32
    %dma_wait3A_711 = arith.constant 0 : i32
    %dma_wait3A_712 = tpu.memref_slice %arg9[%dma_wait3A_701, %dma_wait3A_710, %dma_wait3A_711] : memref<2x400x64xf32, #tpu.memory_space<vmem>> -> memref<1x400x64xf32, #tpu.memory_space<vmem>>
    %dma_wait3A_713 = tpu.memref_squeeze %dma_wait3A_712 : memref<1x400x64xf32, #tpu.memory_space<vmem>> -> memref<400x64xf32, #tpu.memory_space<vmem>>
    tpu.wait_dma2 semaphore(%arg13 : memref<!tpu.dma_semaphore, #tpu.memory_space<semaphore_mem>>) src(%dma_wait3A_713 : memref<400x64xf32, #tpu.memory_space<vmem>>) dst(%dma_wait3A_709 : memref<400x64xf32, #tpu.memory_space<hbm>>)
    %dma_wait3A_714 = arith.constant 0 : i32
    %dma_wait3A_715 = arith.constant 0 : i32
    %dma_wait3A_716 = arith.constant 0 : i32
    %dma_wait3A_717 = tpu.memref_slice %arg10[%dma_wait3A_714, %dma_wait3A_715, %dma_wait3A_716] : memref<2x400x64xf32, #tpu.memory_space<vmem>> -> memref<1x400x64xf32, #tpu.memory_space<vmem>>
    %dma_wait3A_718 = tpu.memref_squeeze %dma_wait3A_717 : memref<1x400x64xf32, #tpu.memory_space<vmem>> -> memref<400x64xf32, #tpu.memory_space<vmem>>
    %dma_wait3A_719 = arith.constant 64 : i32
    %dma_wait3A_720 = tpu.memref_slice %arg6[%add3A_580, %dma_wait3A_719] : memref<204800x128xf32, #tpu.memory_space<hbm>> -> memref<400x64xf32, #tpu.memory_space<hbm>>
    %dma_wait3A_721 = arith.constant 64 : i32
    %dma_wait3A_722 = tpu.memref_slice %arg6[%add3A_580, %dma_wait3A_721] : memref<204800x128xf32, #tpu.memory_space<hbm>> -> memref<400x64xf32, #tpu.memory_space<hbm>>
    %dma_wait3A_723 = arith.constant 0 : i32
    %dma_wait3A_724 = arith.constant 0 : i32
    %dma_wait3A_725 = tpu.memref_slice %arg10[%dma_wait3A_714, %dma_wait3A_723, %dma_wait3A_724] : memref<2x400x64xf32, #tpu.memory_space<vmem>> -> memref<1x400x64xf32, #tpu.memory_space<vmem>>
    %dma_wait3A_726 = tpu.memref_squeeze %dma_wait3A_725 : memref<1x400x64xf32, #tpu.memory_space<vmem>> -> memref<400x64xf32, #tpu.memory_space<vmem>>
    tpu.wait_dma2 semaphore(%arg13 : memref<!tpu.dma_semaphore, #tpu.memory_space<semaphore_mem>>) src(%dma_wait3A_726 : memref<400x64xf32, #tpu.memory_space<vmem>>) dst(%dma_wait3A_722 : memref<400x64xf32, #tpu.memory_space<hbm>>)
    %dma_start3A_727 = arith.constant 0 : i32
    %dma_start3A_728 = arith.constant 0 : i32
    %dma_start3A_729 = arith.constant 0 : i32
    %dma_start3A_730 = tpu.memref_slice %arg9[%dma_start3A_727, %dma_start3A_728, %dma_start3A_729] : memref<2x400x64xf32, #tpu.memory_space<vmem>> -> memref<1x400x64xf32, #tpu.memory_space<vmem>>
    %dma_start3A_731 = tpu.memref_squeeze %dma_start3A_730 : memref<1x400x64xf32, #tpu.memory_space<vmem>> -> memref<400x64xf32, #tpu.memory_space<vmem>>
    %dma_start3A_732 = arith.constant 3200 : i32
    %dma_start3A_733 = tpu.memref_slice %arg7[%dma_start3A_732] : memref<6400xi32, #tpu.memory_space<vmem>> -> memref<400xi32, #tpu.memory_space<vmem>>
    %dma_start3A_734 = arith.constant 0 : i32
    %dma_start3A_735 = arith.constant 0 : i32
    %dma_start3A_736 = tpu.memref_slice %arg2[%dma_start3A_734, %dma_start3A_735] : memref<1016960x64xf32, #tpu.memory_space<hbm>> -> memref<1016960x64xf32, #tpu.memory_space<hbm>>
    tpu.enqueue_indirect_dma source(%dma_start3A_736 : memref<1016960x64xf32, #tpu.memory_space<hbm>>) target(%dma_start3A_731 : memref<400x64xf32, #tpu.memory_space<vmem>>) offsets(%dma_start3A_733 : memref<400xi32, #tpu.memory_space<vmem>>) semaphore(%arg11 : memref<!tpu.dma_semaphore, #tpu.memory_space<semaphore_mem>>)
    %dma_start3A_737 = arith.constant 0 : i32
    %dma_start3A_738 = arith.constant 0 : i32
    %dma_start3A_739 = arith.constant 0 : i32
    %dma_start3A_740 = tpu.memref_slice %arg10[%dma_start3A_737, %dma_start3A_738, %dma_start3A_739] : memref<2x400x64xf32, #tpu.memory_space<vmem>> -> memref<1x400x64xf32, #tpu.memory_space<vmem>>
    %dma_start3A_741 = tpu.memref_squeeze %dma_start3A_740 : memref<1x400x64xf32, #tpu.memory_space<vmem>> -> memref<400x64xf32, #tpu.memory_space<vmem>>
    %dma_start3A_742 = arith.constant 3200 : i32
    %dma_start3A_743 = tpu.memref_slice %arg8[%dma_start3A_742] : memref<6400xi32, #tpu.memory_space<vmem>> -> memref<400xi32, #tpu.memory_space<vmem>>
    %dma_start3A_744 = arith.constant 0 : i32
    %dma_start3A_745 = arith.constant 0 : i32
    %dma_start3A_746 = tpu.memref_slice %arg3[%dma_start3A_744, %dma_start3A_745] : memref<101696x64xf32, #tpu.memory_space<hbm>> -> memref<101696x64xf32, #tpu.memory_space<hbm>>
    tpu.enqueue_indirect_dma source(%dma_start3A_746 : memref<101696x64xf32, #tpu.memory_space<hbm>>) target(%dma_start3A_741 : memref<400x64xf32, #tpu.memory_space<vmem>>) offsets(%dma_start3A_743 : memref<400xi32, #tpu.memory_space<vmem>>) semaphore(%arg11 : memref<!tpu.dma_semaphore, #tpu.memory_space<semaphore_mem>>)
    %dma_wait3A_747 = arith.constant 0 : i32
    %dma_wait3A_748 = arith.constant 0 : i32
    %dma_wait3A_749 = arith.constant 0 : i32
    %dma_wait3A_750 = tpu.memref_slice %arg9[%dma_wait3A_747, %dma_wait3A_748, %dma_wait3A_749] : memref<2x400x64xf32, #tpu.memory_space<vmem>> -> memref<1x400x64xf32, #tpu.memory_space<vmem>>
    %dma_wait3A_751 = tpu.memref_squeeze %dma_wait3A_750 : memref<1x400x64xf32, #tpu.memory_space<vmem>> -> memref<400x64xf32, #tpu.memory_space<vmem>>
    %dma_wait3A_752 = arith.constant 3200 : i32
    %dma_wait3A_753 = tpu.memref_slice %arg7[%dma_wait3A_752] : memref<6400xi32, #tpu.memory_space<vmem>> -> memref<400xi32, #tpu.memory_space<vmem>>
    %dma_wait3A_754 = arith.constant 0 : i32
    %dma_wait3A_755 = arith.constant 0 : i32
    %dma_wait3A_756 = tpu.memref_slice %arg2[%dma_wait3A_754, %dma_wait3A_755] : memref<1016960x64xf32, #tpu.memory_space<hbm>> -> memref<1016960x64xf32, #tpu.memory_space<hbm>>
    tpu.wait_indirect_dma semaphore(%arg11 : memref<!tpu.dma_semaphore, #tpu.memory_space<semaphore_mem>>) src(%dma_wait3A_756 : memref<1016960x64xf32, #tpu.memory_space<hbm>>) dst(%dma_wait3A_751 : memref<400x64xf32, #tpu.memory_space<vmem>>)
    %dma_wait3A_757 = arith.constant 0 : i32
    %dma_wait3A_758 = arith.constant 0 : i32
    %dma_wait3A_759 = arith.constant 0 : i32
    %dma_wait3A_760 = tpu.memref_slice %arg10[%dma_wait3A_757, %dma_wait3A_758, %dma_wait3A_759] : memref<2x400x64xf32, #tpu.memory_space<vmem>> -> memref<1x400x64xf32, #tpu.memory_space<vmem>>
    %dma_wait3A_761 = tpu.memref_squeeze %dma_wait3A_760 : memref<1x400x64xf32, #tpu.memory_space<vmem>> -> memref<400x64xf32, #tpu.memory_space<vmem>>
    %dma_wait3A_762 = arith.constant 3200 : i32
    %dma_wait3A_763 = tpu.memref_slice %arg8[%dma_wait3A_762] : memref<6400xi32, #tpu.memory_space<vmem>> -> memref<400xi32, #tpu.memory_space<vmem>>
    %dma_wait3A_764 = arith.constant 0 : i32
    %dma_wait3A_765 = arith.constant 0 : i32
    %dma_wait3A_766 = tpu.memref_slice %arg3[%dma_wait3A_764, %dma_wait3A_765] : memref<101696x64xf32, #tpu.memory_space<hbm>> -> memref<101696x64xf32, #tpu.memory_space<hbm>>
    tpu.wait_indirect_dma semaphore(%arg11 : memref<!tpu.dma_semaphore, #tpu.memory_space<semaphore_mem>>) src(%dma_wait3A_766 : memref<101696x64xf32, #tpu.memory_space<hbm>>) dst(%dma_wait3A_761 : memref<400x64xf32, #tpu.memory_space<vmem>>)
    %add3A_767 = arith.constant 3200 : i32
    %add3A_768 = arith.addi %mul3A_2, %add3A_767 : i32
    %dma_start3A_769 = arith.constant 0 : i32
    %dma_start3A_770 = arith.constant 0 : i32
    %dma_start3A_771 = arith.constant 0 : i32
    %dma_start3A_772 = tpu.memref_slice %arg9[%dma_start3A_769, %dma_start3A_770, %dma_start3A_771] : memref<2x400x64xf32, #tpu.memory_space<vmem>> -> memref<1x400x64xf32, #tpu.memory_space<vmem>>
    %dma_start3A_773 = tpu.memref_squeeze %dma_start3A_772 : memref<1x400x64xf32, #tpu.memory_space<vmem>> -> memref<400x64xf32, #tpu.memory_space<vmem>>
    %dma_start3A_774 = arith.constant 0 : i32
    %dma_start3A_775 = tpu.memref_slice %arg6[%add3A_768, %dma_start3A_774] : memref<204800x128xf32, #tpu.memory_space<hbm>> -> memref<400x64xf32, #tpu.memory_space<hbm>>
    %dma_start3A_776 = arith.constant 0 : i32
    %dma_start3A_777 = tpu.memref_slice %arg6[%add3A_768, %dma_start3A_776] : memref<204800x128xf32, #tpu.memory_space<hbm>> -> memref<400x64xf32, #tpu.memory_space<hbm>>
    %dma_start3A_778 = arith.constant 0 : i32
    %dma_start3A_779 = arith.constant 0 : i32
    %dma_start3A_780 = tpu.memref_slice %arg9[%dma_start3A_769, %dma_start3A_778, %dma_start3A_779] : memref<2x400x64xf32, #tpu.memory_space<vmem>> -> memref<1x400x64xf32, #tpu.memory_space<vmem>>
    %dma_start3A_781 = tpu.memref_squeeze %dma_start3A_780 : memref<1x400x64xf32, #tpu.memory_space<vmem>> -> memref<400x64xf32, #tpu.memory_space<vmem>>
    tpu.enqueue_dma source(%dma_start3A_781 : memref<400x64xf32, #tpu.memory_space<vmem>>) target(%dma_start3A_777 : memref<400x64xf32, #tpu.memory_space<hbm>>) target_semaphore(%arg13 : memref<!tpu.dma_semaphore, #tpu.memory_space<semaphore_mem>>)
    %dma_start3A_782 = arith.constant 0 : i32
    %dma_start3A_783 = arith.constant 0 : i32
    %dma_start3A_784 = arith.constant 0 : i32
    %dma_start3A_785 = tpu.memref_slice %arg10[%dma_start3A_782, %dma_start3A_783, %dma_start3A_784] : memref<2x400x64xf32, #tpu.memory_space<vmem>> -> memref<1x400x64xf32, #tpu.memory_space<vmem>>
    %dma_start3A_786 = tpu.memref_squeeze %dma_start3A_785 : memref<1x400x64xf32, #tpu.memory_space<vmem>> -> memref<400x64xf32, #tpu.memory_space<vmem>>
    %dma_start3A_787 = arith.constant 64 : i32
    %dma_start3A_788 = tpu.memref_slice %arg6[%add3A_768, %dma_start3A_787] : memref<204800x128xf32, #tpu.memory_space<hbm>> -> memref<400x64xf32, #tpu.memory_space<hbm>>
    %dma_start3A_789 = arith.constant 64 : i32
    %dma_start3A_790 = tpu.memref_slice %arg6[%add3A_768, %dma_start3A_789] : memref<204800x128xf32, #tpu.memory_space<hbm>> -> memref<400x64xf32, #tpu.memory_space<hbm>>
    %dma_start3A_791 = arith.constant 0 : i32
    %dma_start3A_792 = arith.constant 0 : i32
    %dma_start3A_793 = tpu.memref_slice %arg10[%dma_start3A_782, %dma_start3A_791, %dma_start3A_792] : memref<2x400x64xf32, #tpu.memory_space<vmem>> -> memref<1x400x64xf32, #tpu.memory_space<vmem>>
    %dma_start3A_794 = tpu.memref_squeeze %dma_start3A_793 : memref<1x400x64xf32, #tpu.memory_space<vmem>> -> memref<400x64xf32, #tpu.memory_space<vmem>>
    tpu.enqueue_dma source(%dma_start3A_794 : memref<400x64xf32, #tpu.memory_space<vmem>>) target(%dma_start3A_790 : memref<400x64xf32, #tpu.memory_space<hbm>>) target_semaphore(%arg13 : memref<!tpu.dma_semaphore, #tpu.memory_space<semaphore_mem>>)
    %dma_wait3A_795 = arith.constant 1 : i32
    %dma_wait3A_796 = arith.constant 0 : i32
    %dma_wait3A_797 = arith.constant 0 : i32
    %dma_wait3A_798 = tpu.memref_slice %arg9[%dma_wait3A_795, %dma_wait3A_796, %dma_wait3A_797] : memref<2x400x64xf32, #tpu.memory_space<vmem>> -> memref<1x400x64xf32, #tpu.memory_space<vmem>>
    %dma_wait3A_799 = tpu.memref_squeeze %dma_wait3A_798 : memref<1x400x64xf32, #tpu.memory_space<vmem>> -> memref<400x64xf32, #tpu.memory_space<vmem>>
    %dma_wait3A_800 = arith.constant 0 : i32
    %dma_wait3A_801 = tpu.memref_slice %arg6[%add3A_674, %dma_wait3A_800] : memref<204800x128xf32, #tpu.memory_space<hbm>> -> memref<400x64xf32, #tpu.memory_space<hbm>>
    %dma_wait3A_802 = arith.constant 0 : i32
    %dma_wait3A_803 = tpu.memref_slice %arg6[%add3A_674, %dma_wait3A_802] : memref<204800x128xf32, #tpu.memory_space<hbm>> -> memref<400x64xf32, #tpu.memory_space<hbm>>
    %dma_wait3A_804 = arith.constant 0 : i32
    %dma_wait3A_805 = arith.constant 0 : i32
    %dma_wait3A_806 = tpu.memref_slice %arg9[%dma_wait3A_795, %dma_wait3A_804, %dma_wait3A_805] : memref<2x400x64xf32, #tpu.memory_space<vmem>> -> memref<1x400x64xf32, #tpu.memory_space<vmem>>
    %dma_wait3A_807 = tpu.memref_squeeze %dma_wait3A_806 : memref<1x400x64xf32, #tpu.memory_space<vmem>> -> memref<400x64xf32, #tpu.memory_space<vmem>>
    tpu.wait_dma2 semaphore(%arg14 : memref<!tpu.dma_semaphore, #tpu.memory_space<semaphore_mem>>) src(%dma_wait3A_807 : memref<400x64xf32, #tpu.memory_space<vmem>>) dst(%dma_wait3A_803 : memref<400x64xf32, #tpu.memory_space<hbm>>)
    %dma_wait3A_808 = arith.constant 1 : i32
    %dma_wait3A_809 = arith.constant 0 : i32
    %dma_wait3A_810 = arith.constant 0 : i32
    %dma_wait3A_811 = tpu.memref_slice %arg10[%dma_wait3A_808, %dma_wait3A_809, %dma_wait3A_810] : memref<2x400x64xf32, #tpu.memory_space<vmem>> -> memref<1x400x64xf32, #tpu.memory_space<vmem>>
    %dma_wait3A_812 = tpu.memref_squeeze %dma_wait3A_811 : memref<1x400x64xf32, #tpu.memory_space<vmem>> -> memref<400x64xf32, #tpu.memory_space<vmem>>
    %dma_wait3A_813 = arith.constant 64 : i32
    %dma_wait3A_814 = tpu.memref_slice %arg6[%add3A_674, %dma_wait3A_813] : memref<204800x128xf32, #tpu.memory_space<hbm>> -> memref<400x64xf32, #tpu.memory_space<hbm>>
    %dma_wait3A_815 = arith.constant 64 : i32
    %dma_wait3A_816 = tpu.memref_slice %arg6[%add3A_674, %dma_wait3A_815] : memref<204800x128xf32, #tpu.memory_space<hbm>> -> memref<400x64xf32, #tpu.memory_space<hbm>>
    %dma_wait3A_817 = arith.constant 0 : i32
    %dma_wait3A_818 = arith.constant 0 : i32
    %dma_wait3A_819 = tpu.memref_slice %arg10[%dma_wait3A_808, %dma_wait3A_817, %dma_wait3A_818] : memref<2x400x64xf32, #tpu.memory_space<vmem>> -> memref<1x400x64xf32, #tpu.memory_space<vmem>>
    %dma_wait3A_820 = tpu.memref_squeeze %dma_wait3A_819 : memref<1x400x64xf32, #tpu.memory_space<vmem>> -> memref<400x64xf32, #tpu.memory_space<vmem>>
    tpu.wait_dma2 semaphore(%arg14 : memref<!tpu.dma_semaphore, #tpu.memory_space<semaphore_mem>>) src(%dma_wait3A_820 : memref<400x64xf32, #tpu.memory_space<vmem>>) dst(%dma_wait3A_816 : memref<400x64xf32, #tpu.memory_space<hbm>>)
    %dma_start3A_821 = arith.constant 1 : i32
    %dma_start3A_822 = arith.constant 0 : i32
    %dma_start3A_823 = arith.constant 0 : i32
    %dma_start3A_824 = tpu.memref_slice %arg9[%dma_start3A_821, %dma_start3A_822, %dma_start3A_823] : memref<2x400x64xf32, #tpu.memory_space<vmem>> -> memref<1x400x64xf32, #tpu.memory_space<vmem>>
    %dma_start3A_825 = tpu.memref_squeeze %dma_start3A_824 : memref<1x400x64xf32, #tpu.memory_space<vmem>> -> memref<400x64xf32, #tpu.memory_space<vmem>>
    %dma_start3A_826 = arith.constant 3600 : i32
    %dma_start3A_827 = tpu.memref_slice %arg7[%dma_start3A_826] : memref<6400xi32, #tpu.memory_space<vmem>> -> memref<400xi32, #tpu.memory_space<vmem>>
    %dma_start3A_828 = arith.constant 0 : i32
    %dma_start3A_829 = arith.constant 0 : i32
    %dma_start3A_830 = tpu.memref_slice %arg2[%dma_start3A_828, %dma_start3A_829] : memref<1016960x64xf32, #tpu.memory_space<hbm>> -> memref<1016960x64xf32, #tpu.memory_space<hbm>>
    tpu.enqueue_indirect_dma source(%dma_start3A_830 : memref<1016960x64xf32, #tpu.memory_space<hbm>>) target(%dma_start3A_825 : memref<400x64xf32, #tpu.memory_space<vmem>>) offsets(%dma_start3A_827 : memref<400xi32, #tpu.memory_space<vmem>>) semaphore(%arg12 : memref<!tpu.dma_semaphore, #tpu.memory_space<semaphore_mem>>)
    %dma_start3A_831 = arith.constant 1 : i32
    %dma_start3A_832 = arith.constant 0 : i32
    %dma_start3A_833 = arith.constant 0 : i32
    %dma_start3A_834 = tpu.memref_slice %arg10[%dma_start3A_831, %dma_start3A_832, %dma_start3A_833] : memref<2x400x64xf32, #tpu.memory_space<vmem>> -> memref<1x400x64xf32, #tpu.memory_space<vmem>>
    %dma_start3A_835 = tpu.memref_squeeze %dma_start3A_834 : memref<1x400x64xf32, #tpu.memory_space<vmem>> -> memref<400x64xf32, #tpu.memory_space<vmem>>
    %dma_start3A_836 = arith.constant 3600 : i32
    %dma_start3A_837 = tpu.memref_slice %arg8[%dma_start3A_836] : memref<6400xi32, #tpu.memory_space<vmem>> -> memref<400xi32, #tpu.memory_space<vmem>>
    %dma_start3A_838 = arith.constant 0 : i32
    %dma_start3A_839 = arith.constant 0 : i32
    %dma_start3A_840 = tpu.memref_slice %arg3[%dma_start3A_838, %dma_start3A_839] : memref<101696x64xf32, #tpu.memory_space<hbm>> -> memref<101696x64xf32, #tpu.memory_space<hbm>>
    tpu.enqueue_indirect_dma source(%dma_start3A_840 : memref<101696x64xf32, #tpu.memory_space<hbm>>) target(%dma_start3A_835 : memref<400x64xf32, #tpu.memory_space<vmem>>) offsets(%dma_start3A_837 : memref<400xi32, #tpu.memory_space<vmem>>) semaphore(%arg12 : memref<!tpu.dma_semaphore, #tpu.memory_space<semaphore_mem>>)
    %dma_wait3A_841 = arith.constant 1 : i32
    %dma_wait3A_842 = arith.constant 0 : i32
    %dma_wait3A_843 = arith.constant 0 : i32
    %dma_wait3A_844 = tpu.memref_slice %arg9[%dma_wait3A_841, %dma_wait3A_842, %dma_wait3A_843] : memref<2x400x64xf32, #tpu.memory_space<vmem>> -> memref<1x400x64xf32, #tpu.memory_space<vmem>>
    %dma_wait3A_845 = tpu.memref_squeeze %dma_wait3A_844 : memref<1x400x64xf32, #tpu.memory_space<vmem>> -> memref<400x64xf32, #tpu.memory_space<vmem>>
    %dma_wait3A_846 = arith.constant 3600 : i32
    %dma_wait3A_847 = tpu.memref_slice %arg7[%dma_wait3A_846] : memref<6400xi32, #tpu.memory_space<vmem>> -> memref<400xi32, #tpu.memory_space<vmem>>
    %dma_wait3A_848 = arith.constant 0 : i32
    %dma_wait3A_849 = arith.constant 0 : i32
    %dma_wait3A_850 = tpu.memref_slice %arg2[%dma_wait3A_848, %dma_wait3A_849] : memref<1016960x64xf32, #tpu.memory_space<hbm>> -> memref<1016960x64xf32, #tpu.memory_space<hbm>>
    tpu.wait_indirect_dma semaphore(%arg12 : memref<!tpu.dma_semaphore, #tpu.memory_space<semaphore_mem>>) src(%dma_wait3A_850 : memref<1016960x64xf32, #tpu.memory_space<hbm>>) dst(%dma_wait3A_845 : memref<400x64xf32, #tpu.memory_space<vmem>>)
    %dma_wait3A_851 = arith.constant 1 : i32
    %dma_wait3A_852 = arith.constant 0 : i32
    %dma_wait3A_853 = arith.constant 0 : i32
    %dma_wait3A_854 = tpu.memref_slice %arg10[%dma_wait3A_851, %dma_wait3A_852, %dma_wait3A_853] : memref<2x400x64xf32, #tpu.memory_space<vmem>> -> memref<1x400x64xf32, #tpu.memory_space<vmem>>
    %dma_wait3A_855 = tpu.memref_squeeze %dma_wait3A_854 : memref<1x400x64xf32, #tpu.memory_space<vmem>> -> memref<400x64xf32, #tpu.memory_space<vmem>>
    %dma_wait3A_856 = arith.constant 3600 : i32
    %dma_wait3A_857 = tpu.memref_slice %arg8[%dma_wait3A_856] : memref<6400xi32, #tpu.memory_space<vmem>> -> memref<400xi32, #tpu.memory_space<vmem>>
    %dma_wait3A_858 = arith.constant 0 : i32
    %dma_wait3A_859 = arith.constant 0 : i32
    %dma_wait3A_860 = tpu.memref_slice %arg3[%dma_wait3A_858, %dma_wait3A_859] : memref<101696x64xf32, #tpu.memory_space<hbm>> -> memref<101696x64xf32, #tpu.memory_space<hbm>>
    tpu.wait_indirect_dma semaphore(%arg12 : memref<!tpu.dma_semaphore, #tpu.memory_space<semaphore_mem>>) src(%dma_wait3A_860 : memref<101696x64xf32, #tpu.memory_space<hbm>>) dst(%dma_wait3A_855 : memref<400x64xf32, #tpu.memory_space<vmem>>)
    %add3A_861 = arith.constant 3600 : i32
    %add3A_862 = arith.addi %mul3A_2, %add3A_861 : i32
    %dma_start3A_863 = arith.constant 1 : i32
    %dma_start3A_864 = arith.constant 0 : i32
    %dma_start3A_865 = arith.constant 0 : i32
    %dma_start3A_866 = tpu.memref_slice %arg9[%dma_start3A_863, %dma_start3A_864, %dma_start3A_865] : memref<2x400x64xf32, #tpu.memory_space<vmem>> -> memref<1x400x64xf32, #tpu.memory_space<vmem>>
    %dma_start3A_867 = tpu.memref_squeeze %dma_start3A_866 : memref<1x400x64xf32, #tpu.memory_space<vmem>> -> memref<400x64xf32, #tpu.memory_space<vmem>>
    %dma_start3A_868 = arith.constant 0 : i32
    %dma_start3A_869 = tpu.memref_slice %arg6[%add3A_862, %dma_start3A_868] : memref<204800x128xf32, #tpu.memory_space<hbm>> -> memref<400x64xf32, #tpu.memory_space<hbm>>
    %dma_start3A_870 = arith.constant 0 : i32
    %dma_start3A_871 = tpu.memref_slice %arg6[%add3A_862, %dma_start3A_870] : memref<204800x128xf32, #tpu.memory_space<hbm>> -> memref<400x64xf32, #tpu.memory_space<hbm>>
    %dma_start3A_872 = arith.constant 0 : i32
    %dma_start3A_873 = arith.constant 0 : i32
    %dma_start3A_874 = tpu.memref_slice %arg9[%dma_start3A_863, %dma_start3A_872, %dma_start3A_873] : memref<2x400x64xf32, #tpu.memory_space<vmem>> -> memref<1x400x64xf32, #tpu.memory_space<vmem>>
    %dma_start3A_875 = tpu.memref_squeeze %dma_start3A_874 : memref<1x400x64xf32, #tpu.memory_space<vmem>> -> memref<400x64xf32, #tpu.memory_space<vmem>>
    tpu.enqueue_dma source(%dma_start3A_875 : memref<400x64xf32, #tpu.memory_space<vmem>>) target(%dma_start3A_871 : memref<400x64xf32, #tpu.memory_space<hbm>>) target_semaphore(%arg14 : memref<!tpu.dma_semaphore, #tpu.memory_space<semaphore_mem>>)
    %dma_start3A_876 = arith.constant 1 : i32
    %dma_start3A_877 = arith.constant 0 : i32
    %dma_start3A_878 = arith.constant 0 : i32
    %dma_start3A_879 = tpu.memref_slice %arg10[%dma_start3A_876, %dma_start3A_877, %dma_start3A_878] : memref<2x400x64xf32, #tpu.memory_space<vmem>> -> memref<1x400x64xf32, #tpu.memory_space<vmem>>
    %dma_start3A_880 = tpu.memref_squeeze %dma_start3A_879 : memref<1x400x64xf32, #tpu.memory_space<vmem>> -> memref<400x64xf32, #tpu.memory_space<vmem>>
    %dma_start3A_881 = arith.constant 64 : i32
    %dma_start3A_882 = tpu.memref_slice %arg6[%add3A_862, %dma_start3A_881] : memref<204800x128xf32, #tpu.memory_space<hbm>> -> memref<400x64xf32, #tpu.memory_space<hbm>>
    %dma_start3A_883 = arith.constant 64 : i32
    %dma_start3A_884 = tpu.memref_slice %arg6[%add3A_862, %dma_start3A_883] : memref<204800x128xf32, #tpu.memory_space<hbm>> -> memref<400x64xf32, #tpu.memory_space<hbm>>
    %dma_start3A_885 = arith.constant 0 : i32
    %dma_start3A_886 = arith.constant 0 : i32
    %dma_start3A_887 = tpu.memref_slice %arg10[%dma_start3A_876, %dma_start3A_885, %dma_start3A_886] : memref<2x400x64xf32, #tpu.memory_space<vmem>> -> memref<1x400x64xf32, #tpu.memory_space<vmem>>
    %dma_start3A_888 = tpu.memref_squeeze %dma_start3A_887 : memref<1x400x64xf32, #tpu.memory_space<vmem>> -> memref<400x64xf32, #tpu.memory_space<vmem>>
    tpu.enqueue_dma source(%dma_start3A_888 : memref<400x64xf32, #tpu.memory_space<vmem>>) target(%dma_start3A_884 : memref<400x64xf32, #tpu.memory_space<hbm>>) target_semaphore(%arg14 : memref<!tpu.dma_semaphore, #tpu.memory_space<semaphore_mem>>)
    %dma_wait3A_889 = arith.constant 0 : i32
    %dma_wait3A_890 = arith.constant 0 : i32
    %dma_wait3A_891 = arith.constant 0 : i32
    %dma_wait3A_892 = tpu.memref_slice %arg9[%dma_wait3A_889, %dma_wait3A_890, %dma_wait3A_891] : memref<2x400x64xf32, #tpu.memory_space<vmem>> -> memref<1x400x64xf32, #tpu.memory_space<vmem>>
    %dma_wait3A_893 = tpu.memref_squeeze %dma_wait3A_892 : memref<1x400x64xf32, #tpu.memory_space<vmem>> -> memref<400x64xf32, #tpu.memory_space<vmem>>
    %dma_wait3A_894 = arith.constant 0 : i32
    %dma_wait3A_895 = tpu.memref_slice %arg6[%add3A_768, %dma_wait3A_894] : memref<204800x128xf32, #tpu.memory_space<hbm>> -> memref<400x64xf32, #tpu.memory_space<hbm>>
    %dma_wait3A_896 = arith.constant 0 : i32
    %dma_wait3A_897 = tpu.memref_slice %arg6[%add3A_768, %dma_wait3A_896] : memref<204800x128xf32, #tpu.memory_space<hbm>> -> memref<400x64xf32, #tpu.memory_space<hbm>>
    %dma_wait3A_898 = arith.constant 0 : i32
    %dma_wait3A_899 = arith.constant 0 : i32
    %dma_wait3A_900 = tpu.memref_slice %arg9[%dma_wait3A_889, %dma_wait3A_898, %dma_wait3A_899] : memref<2x400x64xf32, #tpu.memory_space<vmem>> -> memref<1x400x64xf32, #tpu.memory_space<vmem>>
    %dma_wait3A_901 = tpu.memref_squeeze %dma_wait3A_900 : memref<1x400x64xf32, #tpu.memory_space<vmem>> -> memref<400x64xf32, #tpu.memory_space<vmem>>
    tpu.wait_dma2 semaphore(%arg13 : memref<!tpu.dma_semaphore, #tpu.memory_space<semaphore_mem>>) src(%dma_wait3A_901 : memref<400x64xf32, #tpu.memory_space<vmem>>) dst(%dma_wait3A_897 : memref<400x64xf32, #tpu.memory_space<hbm>>)
    %dma_wait3A_902 = arith.constant 0 : i32
    %dma_wait3A_903 = arith.constant 0 : i32
    %dma_wait3A_904 = arith.constant 0 : i32
    %dma_wait3A_905 = tpu.memref_slice %arg10[%dma_wait3A_902, %dma_wait3A_903, %dma_wait3A_904] : memref<2x400x64xf32, #tpu.memory_space<vmem>> -> memref<1x400x64xf32, #tpu.memory_space<vmem>>
    %dma_wait3A_906 = tpu.memref_squeeze %dma_wait3A_905 : memref<1x400x64xf32, #tpu.memory_space<vmem>> -> memref<400x64xf32, #tpu.memory_space<vmem>>
    %dma_wait3A_907 = arith.constant 64 : i32
    %dma_wait3A_908 = tpu.memref_slice %arg6[%add3A_768, %dma_wait3A_907] : memref<204800x128xf32, #tpu.memory_space<hbm>> -> memref<400x64xf32, #tpu.memory_space<hbm>>
    %dma_wait3A_909 = arith.constant 64 : i32
    %dma_wait3A_910 = tpu.memref_slice %arg6[%add3A_768, %dma_wait3A_909] : memref<204800x128xf32, #tpu.memory_space<hbm>> -> memref<400x64xf32, #tpu.memory_space<hbm>>
    %dma_wait3A_911 = arith.constant 0 : i32
    %dma_wait3A_912 = arith.constant 0 : i32
    %dma_wait3A_913 = tpu.memref_slice %arg10[%dma_wait3A_902, %dma_wait3A_911, %dma_wait3A_912] : memref<2x400x64xf32, #tpu.memory_space<vmem>> -> memref<1x400x64xf32, #tpu.memory_space<vmem>>
    %dma_wait3A_914 = tpu.memref_squeeze %dma_wait3A_913 : memref<1x400x64xf32, #tpu.memory_space<vmem>> -> memref<400x64xf32, #tpu.memory_space<vmem>>
    tpu.wait_dma2 semaphore(%arg13 : memref<!tpu.dma_semaphore, #tpu.memory_space<semaphore_mem>>) src(%dma_wait3A_914 : memref<400x64xf32, #tpu.memory_space<vmem>>) dst(%dma_wait3A_910 : memref<400x64xf32, #tpu.memory_space<hbm>>)
    %dma_start3A_915 = arith.constant 0 : i32
    %dma_start3A_916 = arith.constant 0 : i32
    %dma_start3A_917 = arith.constant 0 : i32
    %dma_start3A_918 = tpu.memref_slice %arg9[%dma_start3A_915, %dma_start3A_916, %dma_start3A_917] : memref<2x400x64xf32, #tpu.memory_space<vmem>> -> memref<1x400x64xf32, #tpu.memory_space<vmem>>
    %dma_start3A_919 = tpu.memref_squeeze %dma_start3A_918 : memref<1x400x64xf32, #tpu.memory_space<vmem>> -> memref<400x64xf32, #tpu.memory_space<vmem>>
    %dma_start3A_920 = arith.constant 4000 : i32
    %dma_start3A_921 = tpu.memref_slice %arg7[%dma_start3A_920] : memref<6400xi32, #tpu.memory_space<vmem>> -> memref<400xi32, #tpu.memory_space<vmem>>
    %dma_start3A_922 = arith.constant 0 : i32
    %dma_start3A_923 = arith.constant 0 : i32
    %dma_start3A_924 = tpu.memref_slice %arg2[%dma_start3A_922, %dma_start3A_923] : memref<1016960x64xf32, #tpu.memory_space<hbm>> -> memref<1016960x64xf32, #tpu.memory_space<hbm>>
    tpu.enqueue_indirect_dma source(%dma_start3A_924 : memref<1016960x64xf32, #tpu.memory_space<hbm>>) target(%dma_start3A_919 : memref<400x64xf32, #tpu.memory_space<vmem>>) offsets(%dma_start3A_921 : memref<400xi32, #tpu.memory_space<vmem>>) semaphore(%arg11 : memref<!tpu.dma_semaphore, #tpu.memory_space<semaphore_mem>>)
    %dma_start3A_925 = arith.constant 0 : i32
    %dma_start3A_926 = arith.constant 0 : i32
    %dma_start3A_927 = arith.constant 0 : i32
    %dma_start3A_928 = tpu.memref_slice %arg10[%dma_start3A_925, %dma_start3A_926, %dma_start3A_927] : memref<2x400x64xf32, #tpu.memory_space<vmem>> -> memref<1x400x64xf32, #tpu.memory_space<vmem>>
    %dma_start3A_929 = tpu.memref_squeeze %dma_start3A_928 : memref<1x400x64xf32, #tpu.memory_space<vmem>> -> memref<400x64xf32, #tpu.memory_space<vmem>>
    %dma_start3A_930 = arith.constant 4000 : i32
    %dma_start3A_931 = tpu.memref_slice %arg8[%dma_start3A_930] : memref<6400xi32, #tpu.memory_space<vmem>> -> memref<400xi32, #tpu.memory_space<vmem>>
    %dma_start3A_932 = arith.constant 0 : i32
    %dma_start3A_933 = arith.constant 0 : i32
    %dma_start3A_934 = tpu.memref_slice %arg3[%dma_start3A_932, %dma_start3A_933] : memref<101696x64xf32, #tpu.memory_space<hbm>> -> memref<101696x64xf32, #tpu.memory_space<hbm>>
    tpu.enqueue_indirect_dma source(%dma_start3A_934 : memref<101696x64xf32, #tpu.memory_space<hbm>>) target(%dma_start3A_929 : memref<400x64xf32, #tpu.memory_space<vmem>>) offsets(%dma_start3A_931 : memref<400xi32, #tpu.memory_space<vmem>>) semaphore(%arg11 : memref<!tpu.dma_semaphore, #tpu.memory_space<semaphore_mem>>)
    %dma_wait3A_935 = arith.constant 0 : i32
    %dma_wait3A_936 = arith.constant 0 : i32
    %dma_wait3A_937 = arith.constant 0 : i32
    %dma_wait3A_938 = tpu.memref_slice %arg9[%dma_wait3A_935, %dma_wait3A_936, %dma_wait3A_937] : memref<2x400x64xf32, #tpu.memory_space<vmem>> -> memref<1x400x64xf32, #tpu.memory_space<vmem>>
    %dma_wait3A_939 = tpu.memref_squeeze %dma_wait3A_938 : memref<1x400x64xf32, #tpu.memory_space<vmem>> -> memref<400x64xf32, #tpu.memory_space<vmem>>
    %dma_wait3A_940 = arith.constant 4000 : i32
    %dma_wait3A_941 = tpu.memref_slice %arg7[%dma_wait3A_940] : memref<6400xi32, #tpu.memory_space<vmem>> -> memref<400xi32, #tpu.memory_space<vmem>>
    %dma_wait3A_942 = arith.constant 0 : i32
    %dma_wait3A_943 = arith.constant 0 : i32
    %dma_wait3A_944 = tpu.memref_slice %arg2[%dma_wait3A_942, %dma_wait3A_943] : memref<1016960x64xf32, #tpu.memory_space<hbm>> -> memref<1016960x64xf32, #tpu.memory_space<hbm>>
    tpu.wait_indirect_dma semaphore(%arg11 : memref<!tpu.dma_semaphore, #tpu.memory_space<semaphore_mem>>) src(%dma_wait3A_944 : memref<1016960x64xf32, #tpu.memory_space<hbm>>) dst(%dma_wait3A_939 : memref<400x64xf32, #tpu.memory_space<vmem>>)
    %dma_wait3A_945 = arith.constant 0 : i32
    %dma_wait3A_946 = arith.constant 0 : i32
    %dma_wait3A_947 = arith.constant 0 : i32
    %dma_wait3A_948 = tpu.memref_slice %arg10[%dma_wait3A_945, %dma_wait3A_946, %dma_wait3A_947] : memref<2x400x64xf32, #tpu.memory_space<vmem>> -> memref<1x400x64xf32, #tpu.memory_space<vmem>>
    %dma_wait3A_949 = tpu.memref_squeeze %dma_wait3A_948 : memref<1x400x64xf32, #tpu.memory_space<vmem>> -> memref<400x64xf32, #tpu.memory_space<vmem>>
    %dma_wait3A_950 = arith.constant 4000 : i32
    %dma_wait3A_951 = tpu.memref_slice %arg8[%dma_wait3A_950] : memref<6400xi32, #tpu.memory_space<vmem>> -> memref<400xi32, #tpu.memory_space<vmem>>
    %dma_wait3A_952 = arith.constant 0 : i32
    %dma_wait3A_953 = arith.constant 0 : i32
    %dma_wait3A_954 = tpu.memref_slice %arg3[%dma_wait3A_952, %dma_wait3A_953] : memref<101696x64xf32, #tpu.memory_space<hbm>> -> memref<101696x64xf32, #tpu.memory_space<hbm>>
    tpu.wait_indirect_dma semaphore(%arg11 : memref<!tpu.dma_semaphore, #tpu.memory_space<semaphore_mem>>) src(%dma_wait3A_954 : memref<101696x64xf32, #tpu.memory_space<hbm>>) dst(%dma_wait3A_949 : memref<400x64xf32, #tpu.memory_space<vmem>>)
    %add3A_955 = arith.constant 4000 : i32
    %add3A_956 = arith.addi %mul3A_2, %add3A_955 : i32
    %dma_start3A_957 = arith.constant 0 : i32
    %dma_start3A_958 = arith.constant 0 : i32
    %dma_start3A_959 = arith.constant 0 : i32
    %dma_start3A_960 = tpu.memref_slice %arg9[%dma_start3A_957, %dma_start3A_958, %dma_start3A_959] : memref<2x400x64xf32, #tpu.memory_space<vmem>> -> memref<1x400x64xf32, #tpu.memory_space<vmem>>
    %dma_start3A_961 = tpu.memref_squeeze %dma_start3A_960 : memref<1x400x64xf32, #tpu.memory_space<vmem>> -> memref<400x64xf32, #tpu.memory_space<vmem>>
    %dma_start3A_962 = arith.constant 0 : i32
    %dma_start3A_963 = tpu.memref_slice %arg6[%add3A_956, %dma_start3A_962] : memref<204800x128xf32, #tpu.memory_space<hbm>> -> memref<400x64xf32, #tpu.memory_space<hbm>>
    %dma_start3A_964 = arith.constant 0 : i32
    %dma_start3A_965 = tpu.memref_slice %arg6[%add3A_956, %dma_start3A_964] : memref<204800x128xf32, #tpu.memory_space<hbm>> -> memref<400x64xf32, #tpu.memory_space<hbm>>
    %dma_start3A_966 = arith.constant 0 : i32
    %dma_start3A_967 = arith.constant 0 : i32
    %dma_start3A_968 = tpu.memref_slice %arg9[%dma_start3A_957, %dma_start3A_966, %dma_start3A_967] : memref<2x400x64xf32, #tpu.memory_space<vmem>> -> memref<1x400x64xf32, #tpu.memory_space<vmem>>
    %dma_start3A_969 = tpu.memref_squeeze %dma_start3A_968 : memref<1x400x64xf32, #tpu.memory_space<vmem>> -> memref<400x64xf32, #tpu.memory_space<vmem>>
    tpu.enqueue_dma source(%dma_start3A_969 : memref<400x64xf32, #tpu.memory_space<vmem>>) target(%dma_start3A_965 : memref<400x64xf32, #tpu.memory_space<hbm>>) target_semaphore(%arg13 : memref<!tpu.dma_semaphore, #tpu.memory_space<semaphore_mem>>)
    %dma_start3A_970 = arith.constant 0 : i32
    %dma_start3A_971 = arith.constant 0 : i32
    %dma_start3A_972 = arith.constant 0 : i32
    %dma_start3A_973 = tpu.memref_slice %arg10[%dma_start3A_970, %dma_start3A_971, %dma_start3A_972] : memref<2x400x64xf32, #tpu.memory_space<vmem>> -> memref<1x400x64xf32, #tpu.memory_space<vmem>>
    %dma_start3A_974 = tpu.memref_squeeze %dma_start3A_973 : memref<1x400x64xf32, #tpu.memory_space<vmem>> -> memref<400x64xf32, #tpu.memory_space<vmem>>
    %dma_start3A_975 = arith.constant 64 : i32
    %dma_start3A_976 = tpu.memref_slice %arg6[%add3A_956, %dma_start3A_975] : memref<204800x128xf32, #tpu.memory_space<hbm>> -> memref<400x64xf32, #tpu.memory_space<hbm>>
    %dma_start3A_977 = arith.constant 64 : i32
    %dma_start3A_978 = tpu.memref_slice %arg6[%add3A_956, %dma_start3A_977] : memref<204800x128xf32, #tpu.memory_space<hbm>> -> memref<400x64xf32, #tpu.memory_space<hbm>>
    %dma_start3A_979 = arith.constant 0 : i32
    %dma_start3A_980 = arith.constant 0 : i32
    %dma_start3A_981 = tpu.memref_slice %arg10[%dma_start3A_970, %dma_start3A_979, %dma_start3A_980] : memref<2x400x64xf32, #tpu.memory_space<vmem>> -> memref<1x400x64xf32, #tpu.memory_space<vmem>>
    %dma_start3A_982 = tpu.memref_squeeze %dma_start3A_981 : memref<1x400x64xf32, #tpu.memory_space<vmem>> -> memref<400x64xf32, #tpu.memory_space<vmem>>
    tpu.enqueue_dma source(%dma_start3A_982 : memref<400x64xf32, #tpu.memory_space<vmem>>) target(%dma_start3A_978 : memref<400x64xf32, #tpu.memory_space<hbm>>) target_semaphore(%arg13 : memref<!tpu.dma_semaphore, #tpu.memory_space<semaphore_mem>>)
    %dma_wait3A_983 = arith.constant 1 : i32
    %dma_wait3A_984 = arith.constant 0 : i32
    %dma_wait3A_985 = arith.constant 0 : i32
    %dma_wait3A_986 = tpu.memref_slice %arg9[%dma_wait3A_983, %dma_wait3A_984, %dma_wait3A_985] : memref<2x400x64xf32, #tpu.memory_space<vmem>> -> memref<1x400x64xf32, #tpu.memory_space<vmem>>
    %dma_wait3A_987 = tpu.memref_squeeze %dma_wait3A_986 : memref<1x400x64xf32, #tpu.memory_space<vmem>> -> memref<400x64xf32, #tpu.memory_space<vmem>>
    %dma_wait3A_988 = arith.constant 0 : i32
    %dma_wait3A_989 = tpu.memref_slice %arg6[%add3A_862, %dma_wait3A_988] : memref<204800x128xf32, #tpu.memory_space<hbm>> -> memref<400x64xf32, #tpu.memory_space<hbm>>
    %dma_wait3A_990 = arith.constant 0 : i32
    %dma_wait3A_991 = tpu.memref_slice %arg6[%add3A_862, %dma_wait3A_990] : memref<204800x128xf32, #tpu.memory_space<hbm>> -> memref<400x64xf32, #tpu.memory_space<hbm>>
    %dma_wait3A_992 = arith.constant 0 : i32
    %dma_wait3A_993 = arith.constant 0 : i32
    %dma_wait3A_994 = tpu.memref_slice %arg9[%dma_wait3A_983, %dma_wait3A_992, %dma_wait3A_993] : memref<2x400x64xf32, #tpu.memory_space<vmem>> -> memref<1x400x64xf32, #tpu.memory_space<vmem>>
    %dma_wait3A_995 = tpu.memref_squeeze %dma_wait3A_994 : memref<1x400x64xf32, #tpu.memory_space<vmem>> -> memref<400x64xf32, #tpu.memory_space<vmem>>
    tpu.wait_dma2 semaphore(%arg14 : memref<!tpu.dma_semaphore, #tpu.memory_space<semaphore_mem>>) src(%dma_wait3A_995 : memref<400x64xf32, #tpu.memory_space<vmem>>) dst(%dma_wait3A_991 : memref<400x64xf32, #tpu.memory_space<hbm>>)
    %dma_wait3A_996 = arith.constant 1 : i32
    %dma_wait3A_997 = arith.constant 0 : i32
    %dma_wait3A_998 = arith.constant 0 : i32
    %dma_wait3A_999 = tpu.memref_slice %arg10[%dma_wait3A_996, %dma_wait3A_997, %dma_wait3A_998] : memref<2x400x64xf32, #tpu.memory_space<vmem>> -> memref<1x400x64xf32, #tpu.memory_space<vmem>>
    %dma_wait3A_1000 = tpu.memref_squeeze %dma_wait3A_999 : memref<1x400x64xf32, #tpu.memory_space<vmem>> -> memref<400x64xf32, #tpu.memory_space<vmem>>
    %dma_wait3A_1001 = arith.constant 64 : i32
    %dma_wait3A_1002 = tpu.memref_slice %arg6[%add3A_862, %dma_wait3A_1001] : memref<204800x128xf32, #tpu.memory_space<hbm>> -> memref<400x64xf32, #tpu.memory_space<hbm>>
    %dma_wait3A_1003 = arith.constant 64 : i32
    %dma_wait3A_1004 = tpu.memref_slice %arg6[%add3A_862, %dma_wait3A_1003] : memref<204800x128xf32, #tpu.memory_space<hbm>> -> memref<400x64xf32, #tpu.memory_space<hbm>>
    %dma_wait3A_1005 = arith.constant 0 : i32
    %dma_wait3A_1006 = arith.constant 0 : i32
    %dma_wait3A_1007 = tpu.memref_slice %arg10[%dma_wait3A_996, %dma_wait3A_1005, %dma_wait3A_1006] : memref<2x400x64xf32, #tpu.memory_space<vmem>> -> memref<1x400x64xf32, #tpu.memory_space<vmem>>
    %dma_wait3A_1008 = tpu.memref_squeeze %dma_wait3A_1007 : memref<1x400x64xf32, #tpu.memory_space<vmem>> -> memref<400x64xf32, #tpu.memory_space<vmem>>
    tpu.wait_dma2 semaphore(%arg14 : memref<!tpu.dma_semaphore, #tpu.memory_space<semaphore_mem>>) src(%dma_wait3A_1008 : memref<400x64xf32, #tpu.memory_space<vmem>>) dst(%dma_wait3A_1004 : memref<400x64xf32, #tpu.memory_space<hbm>>)
    %dma_start3A_1009 = arith.constant 1 : i32
    %dma_start3A_1010 = arith.constant 0 : i32
    %dma_start3A_1011 = arith.constant 0 : i32
    %dma_start3A_1012 = tpu.memref_slice %arg9[%dma_start3A_1009, %dma_start3A_1010, %dma_start3A_1011] : memref<2x400x64xf32, #tpu.memory_space<vmem>> -> memref<1x400x64xf32, #tpu.memory_space<vmem>>
    %dma_start3A_1013 = tpu.memref_squeeze %dma_start3A_1012 : memref<1x400x64xf32, #tpu.memory_space<vmem>> -> memref<400x64xf32, #tpu.memory_space<vmem>>
    %dma_start3A_1014 = arith.constant 4400 : i32
    %dma_start3A_1015 = tpu.memref_slice %arg7[%dma_start3A_1014] : memref<6400xi32, #tpu.memory_space<vmem>> -> memref<400xi32, #tpu.memory_space<vmem>>
    %dma_start3A_1016 = arith.constant 0 : i32
    %dma_start3A_1017 = arith.constant 0 : i32
    %dma_start3A_1018 = tpu.memref_slice %arg2[%dma_start3A_1016, %dma_start3A_1017] : memref<1016960x64xf32, #tpu.memory_space<hbm>> -> memref<1016960x64xf32, #tpu.memory_space<hbm>>
    tpu.enqueue_indirect_dma source(%dma_start3A_1018 : memref<1016960x64xf32, #tpu.memory_space<hbm>>) target(%dma_start3A_1013 : memref<400x64xf32, #tpu.memory_space<vmem>>) offsets(%dma_start3A_1015 : memref<400xi32, #tpu.memory_space<vmem>>) semaphore(%arg12 : memref<!tpu.dma_semaphore, #tpu.memory_space<semaphore_mem>>)
    %dma_start3A_1019 = arith.constant 1 : i32
    %dma_start3A_1020 = arith.constant 0 : i32
    %dma_start3A_1021 = arith.constant 0 : i32
    %dma_start3A_1022 = tpu.memref_slice %arg10[%dma_start3A_1019, %dma_start3A_1020, %dma_start3A_1021] : memref<2x400x64xf32, #tpu.memory_space<vmem>> -> memref<1x400x64xf32, #tpu.memory_space<vmem>>
    %dma_start3A_1023 = tpu.memref_squeeze %dma_start3A_1022 : memref<1x400x64xf32, #tpu.memory_space<vmem>> -> memref<400x64xf32, #tpu.memory_space<vmem>>
    %dma_start3A_1024 = arith.constant 4400 : i32
    %dma_start3A_1025 = tpu.memref_slice %arg8[%dma_start3A_1024] : memref<6400xi32, #tpu.memory_space<vmem>> -> memref<400xi32, #tpu.memory_space<vmem>>
    %dma_start3A_1026 = arith.constant 0 : i32
    %dma_start3A_1027 = arith.constant 0 : i32
    %dma_start3A_1028 = tpu.memref_slice %arg3[%dma_start3A_1026, %dma_start3A_1027] : memref<101696x64xf32, #tpu.memory_space<hbm>> -> memref<101696x64xf32, #tpu.memory_space<hbm>>
    tpu.enqueue_indirect_dma source(%dma_start3A_1028 : memref<101696x64xf32, #tpu.memory_space<hbm>>) target(%dma_start3A_1023 : memref<400x64xf32, #tpu.memory_space<vmem>>) offsets(%dma_start3A_1025 : memref<400xi32, #tpu.memory_space<vmem>>) semaphore(%arg12 : memref<!tpu.dma_semaphore, #tpu.memory_space<semaphore_mem>>)
    %dma_wait3A_1029 = arith.constant 1 : i32
    %dma_wait3A_1030 = arith.constant 0 : i32
    %dma_wait3A_1031 = arith.constant 0 : i32
    %dma_wait3A_1032 = tpu.memref_slice %arg9[%dma_wait3A_1029, %dma_wait3A_1030, %dma_wait3A_1031] : memref<2x400x64xf32, #tpu.memory_space<vmem>> -> memref<1x400x64xf32, #tpu.memory_space<vmem>>
    %dma_wait3A_1033 = tpu.memref_squeeze %dma_wait3A_1032 : memref<1x400x64xf32, #tpu.memory_space<vmem>> -> memref<400x64xf32, #tpu.memory_space<vmem>>
    %dma_wait3A_1034 = arith.constant 4400 : i32
    %dma_wait3A_1035 = tpu.memref_slice %arg7[%dma_wait3A_1034] : memref<6400xi32, #tpu.memory_space<vmem>> -> memref<400xi32, #tpu.memory_space<vmem>>
    %dma_wait3A_1036 = arith.constant 0 : i32
    %dma_wait3A_1037 = arith.constant 0 : i32
    %dma_wait3A_1038 = tpu.memref_slice %arg2[%dma_wait3A_1036, %dma_wait3A_1037] : memref<1016960x64xf32, #tpu.memory_space<hbm>> -> memref<1016960x64xf32, #tpu.memory_space<hbm>>
    tpu.wait_indirect_dma semaphore(%arg12 : memref<!tpu.dma_semaphore, #tpu.memory_space<semaphore_mem>>) src(%dma_wait3A_1038 : memref<1016960x64xf32, #tpu.memory_space<hbm>>) dst(%dma_wait3A_1033 : memref<400x64xf32, #tpu.memory_space<vmem>>)
    %dma_wait3A_1039 = arith.constant 1 : i32
    %dma_wait3A_1040 = arith.constant 0 : i32
    %dma_wait3A_1041 = arith.constant 0 : i32
    %dma_wait3A_1042 = tpu.memref_slice %arg10[%dma_wait3A_1039, %dma_wait3A_1040, %dma_wait3A_1041] : memref<2x400x64xf32, #tpu.memory_space<vmem>> -> memref<1x400x64xf32, #tpu.memory_space<vmem>>
    %dma_wait3A_1043 = tpu.memref_squeeze %dma_wait3A_1042 : memref<1x400x64xf32, #tpu.memory_space<vmem>> -> memref<400x64xf32, #tpu.memory_space<vmem>>
    %dma_wait3A_1044 = arith.constant 4400 : i32
    %dma_wait3A_1045 = tpu.memref_slice %arg8[%dma_wait3A_1044] : memref<6400xi32, #tpu.memory_space<vmem>> -> memref<400xi32, #tpu.memory_space<vmem>>
    %dma_wait3A_1046 = arith.constant 0 : i32
    %dma_wait3A_1047 = arith.constant 0 : i32
    %dma_wait3A_1048 = tpu.memref_slice %arg3[%dma_wait3A_1046, %dma_wait3A_1047] : memref<101696x64xf32, #tpu.memory_space<hbm>> -> memref<101696x64xf32, #tpu.memory_space<hbm>>
    tpu.wait_indirect_dma semaphore(%arg12 : memref<!tpu.dma_semaphore, #tpu.memory_space<semaphore_mem>>) src(%dma_wait3A_1048 : memref<101696x64xf32, #tpu.memory_space<hbm>>) dst(%dma_wait3A_1043 : memref<400x64xf32, #tpu.memory_space<vmem>>)
    %add3A_1049 = arith.constant 4400 : i32
    %add3A_1050 = arith.addi %mul3A_2, %add3A_1049 : i32
    %dma_start3A_1051 = arith.constant 1 : i32
    %dma_start3A_1052 = arith.constant 0 : i32
    %dma_start3A_1053 = arith.constant 0 : i32
    %dma_start3A_1054 = tpu.memref_slice %arg9[%dma_start3A_1051, %dma_start3A_1052, %dma_start3A_1053] : memref<2x400x64xf32, #tpu.memory_space<vmem>> -> memref<1x400x64xf32, #tpu.memory_space<vmem>>
    %dma_start3A_1055 = tpu.memref_squeeze %dma_start3A_1054 : memref<1x400x64xf32, #tpu.memory_space<vmem>> -> memref<400x64xf32, #tpu.memory_space<vmem>>
    %dma_start3A_1056 = arith.constant 0 : i32
    %dma_start3A_1057 = tpu.memref_slice %arg6[%add3A_1050, %dma_start3A_1056] : memref<204800x128xf32, #tpu.memory_space<hbm>> -> memref<400x64xf32, #tpu.memory_space<hbm>>
    %dma_start3A_1058 = arith.constant 0 : i32
    %dma_start3A_1059 = tpu.memref_slice %arg6[%add3A_1050, %dma_start3A_1058] : memref<204800x128xf32, #tpu.memory_space<hbm>> -> memref<400x64xf32, #tpu.memory_space<hbm>>
    %dma_start3A_1060 = arith.constant 0 : i32
    %dma_start3A_1061 = arith.constant 0 : i32
    %dma_start3A_1062 = tpu.memref_slice %arg9[%dma_start3A_1051, %dma_start3A_1060, %dma_start3A_1061] : memref<2x400x64xf32, #tpu.memory_space<vmem>> -> memref<1x400x64xf32, #tpu.memory_space<vmem>>
    %dma_start3A_1063 = tpu.memref_squeeze %dma_start3A_1062 : memref<1x400x64xf32, #tpu.memory_space<vmem>> -> memref<400x64xf32, #tpu.memory_space<vmem>>
    tpu.enqueue_dma source(%dma_start3A_1063 : memref<400x64xf32, #tpu.memory_space<vmem>>) target(%dma_start3A_1059 : memref<400x64xf32, #tpu.memory_space<hbm>>) target_semaphore(%arg14 : memref<!tpu.dma_semaphore, #tpu.memory_space<semaphore_mem>>)
    %dma_start3A_1064 = arith.constant 1 : i32
    %dma_start3A_1065 = arith.constant 0 : i32
    %dma_start3A_1066 = arith.constant 0 : i32
    %dma_start3A_1067 = tpu.memref_slice %arg10[%dma_start3A_1064, %dma_start3A_1065, %dma_start3A_1066] : memref<2x400x64xf32, #tpu.memory_space<vmem>> -> memref<1x400x64xf32, #tpu.memory_space<vmem>>
    %dma_start3A_1068 = tpu.memref_squeeze %dma_start3A_1067 : memref<1x400x64xf32, #tpu.memory_space<vmem>> -> memref<400x64xf32, #tpu.memory_space<vmem>>
    %dma_start3A_1069 = arith.constant 64 : i32
    %dma_start3A_1070 = tpu.memref_slice %arg6[%add3A_1050, %dma_start3A_1069] : memref<204800x128xf32, #tpu.memory_space<hbm>> -> memref<400x64xf32, #tpu.memory_space<hbm>>
    %dma_start3A_1071 = arith.constant 64 : i32
    %dma_start3A_1072 = tpu.memref_slice %arg6[%add3A_1050, %dma_start3A_1071] : memref<204800x128xf32, #tpu.memory_space<hbm>> -> memref<400x64xf32, #tpu.memory_space<hbm>>
    %dma_start3A_1073 = arith.constant 0 : i32
    %dma_start3A_1074 = arith.constant 0 : i32
    %dma_start3A_1075 = tpu.memref_slice %arg10[%dma_start3A_1064, %dma_start3A_1073, %dma_start3A_1074] : memref<2x400x64xf32, #tpu.memory_space<vmem>> -> memref<1x400x64xf32, #tpu.memory_space<vmem>>
    %dma_start3A_1076 = tpu.memref_squeeze %dma_start3A_1075 : memref<1x400x64xf32, #tpu.memory_space<vmem>> -> memref<400x64xf32, #tpu.memory_space<vmem>>
    tpu.enqueue_dma source(%dma_start3A_1076 : memref<400x64xf32, #tpu.memory_space<vmem>>) target(%dma_start3A_1072 : memref<400x64xf32, #tpu.memory_space<hbm>>) target_semaphore(%arg14 : memref<!tpu.dma_semaphore, #tpu.memory_space<semaphore_mem>>)
    %dma_wait3A_1077 = arith.constant 0 : i32
    %dma_wait3A_1078 = arith.constant 0 : i32
    %dma_wait3A_1079 = arith.constant 0 : i32
    %dma_wait3A_1080 = tpu.memref_slice %arg9[%dma_wait3A_1077, %dma_wait3A_1078, %dma_wait3A_1079] : memref<2x400x64xf32, #tpu.memory_space<vmem>> -> memref<1x400x64xf32, #tpu.memory_space<vmem>>
    %dma_wait3A_1081 = tpu.memref_squeeze %dma_wait3A_1080 : memref<1x400x64xf32, #tpu.memory_space<vmem>> -> memref<400x64xf32, #tpu.memory_space<vmem>>
    %dma_wait3A_1082 = arith.constant 0 : i32
    %dma_wait3A_1083 = tpu.memref_slice %arg6[%add3A_956, %dma_wait3A_1082] : memref<204800x128xf32, #tpu.memory_space<hbm>> -> memref<400x64xf32, #tpu.memory_space<hbm>>
    %dma_wait3A_1084 = arith.constant 0 : i32
    %dma_wait3A_1085 = tpu.memref_slice %arg6[%add3A_956, %dma_wait3A_1084] : memref<204800x128xf32, #tpu.memory_space<hbm>> -> memref<400x64xf32, #tpu.memory_space<hbm>>
    %dma_wait3A_1086 = arith.constant 0 : i32
    %dma_wait3A_1087 = arith.constant 0 : i32
    %dma_wait3A_1088 = tpu.memref_slice %arg9[%dma_wait3A_1077, %dma_wait3A_1086, %dma_wait3A_1087] : memref<2x400x64xf32, #tpu.memory_space<vmem>> -> memref<1x400x64xf32, #tpu.memory_space<vmem>>
    %dma_wait3A_1089 = tpu.memref_squeeze %dma_wait3A_1088 : memref<1x400x64xf32, #tpu.memory_space<vmem>> -> memref<400x64xf32, #tpu.memory_space<vmem>>
    tpu.wait_dma2 semaphore(%arg13 : memref<!tpu.dma_semaphore, #tpu.memory_space<semaphore_mem>>) src(%dma_wait3A_1089 : memref<400x64xf32, #tpu.memory_space<vmem>>) dst(%dma_wait3A_1085 : memref<400x64xf32, #tpu.memory_space<hbm>>)
    %dma_wait3A_1090 = arith.constant 0 : i32
    %dma_wait3A_1091 = arith.constant 0 : i32
    %dma_wait3A_1092 = arith.constant 0 : i32
    %dma_wait3A_1093 = tpu.memref_slice %arg10[%dma_wait3A_1090, %dma_wait3A_1091, %dma_wait3A_1092] : memref<2x400x64xf32, #tpu.memory_space<vmem>> -> memref<1x400x64xf32, #tpu.memory_space<vmem>>
    %dma_wait3A_1094 = tpu.memref_squeeze %dma_wait3A_1093 : memref<1x400x64xf32, #tpu.memory_space<vmem>> -> memref<400x64xf32, #tpu.memory_space<vmem>>
    %dma_wait3A_1095 = arith.constant 64 : i32
    %dma_wait3A_1096 = tpu.memref_slice %arg6[%add3A_956, %dma_wait3A_1095] : memref<204800x128xf32, #tpu.memory_space<hbm>> -> memref<400x64xf32, #tpu.memory_space<hbm>>
    %dma_wait3A_1097 = arith.constant 64 : i32
    %dma_wait3A_1098 = tpu.memref_slice %arg6[%add3A_956, %dma_wait3A_1097] : memref<204800x128xf32, #tpu.memory_space<hbm>> -> memref<400x64xf32, #tpu.memory_space<hbm>>
    %dma_wait3A_1099 = arith.constant 0 : i32
    %dma_wait3A_1100 = arith.constant 0 : i32
    %dma_wait3A_1101 = tpu.memref_slice %arg10[%dma_wait3A_1090, %dma_wait3A_1099, %dma_wait3A_1100] : memref<2x400x64xf32, #tpu.memory_space<vmem>> -> memref<1x400x64xf32, #tpu.memory_space<vmem>>
    %dma_wait3A_1102 = tpu.memref_squeeze %dma_wait3A_1101 : memref<1x400x64xf32, #tpu.memory_space<vmem>> -> memref<400x64xf32, #tpu.memory_space<vmem>>
    tpu.wait_dma2 semaphore(%arg13 : memref<!tpu.dma_semaphore, #tpu.memory_space<semaphore_mem>>) src(%dma_wait3A_1102 : memref<400x64xf32, #tpu.memory_space<vmem>>) dst(%dma_wait3A_1098 : memref<400x64xf32, #tpu.memory_space<hbm>>)
    %dma_start3A_1103 = arith.constant 0 : i32
    %dma_start3A_1104 = arith.constant 0 : i32
    %dma_start3A_1105 = arith.constant 0 : i32
    %dma_start3A_1106 = tpu.memref_slice %arg9[%dma_start3A_1103, %dma_start3A_1104, %dma_start3A_1105] : memref<2x400x64xf32, #tpu.memory_space<vmem>> -> memref<1x400x64xf32, #tpu.memory_space<vmem>>
    %dma_start3A_1107 = tpu.memref_squeeze %dma_start3A_1106 : memref<1x400x64xf32, #tpu.memory_space<vmem>> -> memref<400x64xf32, #tpu.memory_space<vmem>>
    %dma_start3A_1108 = arith.constant 4800 : i32
    %dma_start3A_1109 = tpu.memref_slice %arg7[%dma_start3A_1108] : memref<6400xi32, #tpu.memory_space<vmem>> -> memref<400xi32, #tpu.memory_space<vmem>>
    %dma_start3A_1110 = arith.constant 0 : i32
    %dma_start3A_1111 = arith.constant 0 : i32
    %dma_start3A_1112 = tpu.memref_slice %arg2[%dma_start3A_1110, %dma_start3A_1111] : memref<1016960x64xf32, #tpu.memory_space<hbm>> -> memref<1016960x64xf32, #tpu.memory_space<hbm>>
    tpu.enqueue_indirect_dma source(%dma_start3A_1112 : memref<1016960x64xf32, #tpu.memory_space<hbm>>) target(%dma_start3A_1107 : memref<400x64xf32, #tpu.memory_space<vmem>>) offsets(%dma_start3A_1109 : memref<400xi32, #tpu.memory_space<vmem>>) semaphore(%arg11 : memref<!tpu.dma_semaphore, #tpu.memory_space<semaphore_mem>>)
    %dma_start3A_1113 = arith.constant 0 : i32
    %dma_start3A_1114 = arith.constant 0 : i32
    %dma_start3A_1115 = arith.constant 0 : i32
    %dma_start3A_1116 = tpu.memref_slice %arg10[%dma_start3A_1113, %dma_start3A_1114, %dma_start3A_1115] : memref<2x400x64xf32, #tpu.memory_space<vmem>> -> memref<1x400x64xf32, #tpu.memory_space<vmem>>
    %dma_start3A_1117 = tpu.memref_squeeze %dma_start3A_1116 : memref<1x400x64xf32, #tpu.memory_space<vmem>> -> memref<400x64xf32, #tpu.memory_space<vmem>>
    %dma_start3A_1118 = arith.constant 4800 : i32
    %dma_start3A_1119 = tpu.memref_slice %arg8[%dma_start3A_1118] : memref<6400xi32, #tpu.memory_space<vmem>> -> memref<400xi32, #tpu.memory_space<vmem>>
    %dma_start3A_1120 = arith.constant 0 : i32
    %dma_start3A_1121 = arith.constant 0 : i32
    %dma_start3A_1122 = tpu.memref_slice %arg3[%dma_start3A_1120, %dma_start3A_1121] : memref<101696x64xf32, #tpu.memory_space<hbm>> -> memref<101696x64xf32, #tpu.memory_space<hbm>>
    tpu.enqueue_indirect_dma source(%dma_start3A_1122 : memref<101696x64xf32, #tpu.memory_space<hbm>>) target(%dma_start3A_1117 : memref<400x64xf32, #tpu.memory_space<vmem>>) offsets(%dma_start3A_1119 : memref<400xi32, #tpu.memory_space<vmem>>) semaphore(%arg11 : memref<!tpu.dma_semaphore, #tpu.memory_space<semaphore_mem>>)
    %dma_wait3A_1123 = arith.constant 0 : i32
    %dma_wait3A_1124 = arith.constant 0 : i32
    %dma_wait3A_1125 = arith.constant 0 : i32
    %dma_wait3A_1126 = tpu.memref_slice %arg9[%dma_wait3A_1123, %dma_wait3A_1124, %dma_wait3A_1125] : memref<2x400x64xf32, #tpu.memory_space<vmem>> -> memref<1x400x64xf32, #tpu.memory_space<vmem>>
    %dma_wait3A_1127 = tpu.memref_squeeze %dma_wait3A_1126 : memref<1x400x64xf32, #tpu.memory_space<vmem>> -> memref<400x64xf32, #tpu.memory_space<vmem>>
    %dma_wait3A_1128 = arith.constant 4800 : i32
    %dma_wait3A_1129 = tpu.memref_slice %arg7[%dma_wait3A_1128] : memref<6400xi32, #tpu.memory_space<vmem>> -> memref<400xi32, #tpu.memory_space<vmem>>
    %dma_wait3A_1130 = arith.constant 0 : i32
    %dma_wait3A_1131 = arith.constant 0 : i32
    %dma_wait3A_1132 = tpu.memref_slice %arg2[%dma_wait3A_1130, %dma_wait3A_1131] : memref<1016960x64xf32, #tpu.memory_space<hbm>> -> memref<1016960x64xf32, #tpu.memory_space<hbm>>
    tpu.wait_indirect_dma semaphore(%arg11 : memref<!tpu.dma_semaphore, #tpu.memory_space<semaphore_mem>>) src(%dma_wait3A_1132 : memref<1016960x64xf32, #tpu.memory_space<hbm>>) dst(%dma_wait3A_1127 : memref<400x64xf32, #tpu.memory_space<vmem>>)
    %dma_wait3A_1133 = arith.constant 0 : i32
    %dma_wait3A_1134 = arith.constant 0 : i32
    %dma_wait3A_1135 = arith.constant 0 : i32
    %dma_wait3A_1136 = tpu.memref_slice %arg10[%dma_wait3A_1133, %dma_wait3A_1134, %dma_wait3A_1135] : memref<2x400x64xf32, #tpu.memory_space<vmem>> -> memref<1x400x64xf32, #tpu.memory_space<vmem>>
    %dma_wait3A_1137 = tpu.memref_squeeze %dma_wait3A_1136 : memref<1x400x64xf32, #tpu.memory_space<vmem>> -> memref<400x64xf32, #tpu.memory_space<vmem>>
    %dma_wait3A_1138 = arith.constant 4800 : i32
    %dma_wait3A_1139 = tpu.memref_slice %arg8[%dma_wait3A_1138] : memref<6400xi32, #tpu.memory_space<vmem>> -> memref<400xi32, #tpu.memory_space<vmem>>
    %dma_wait3A_1140 = arith.constant 0 : i32
    %dma_wait3A_1141 = arith.constant 0 : i32
    %dma_wait3A_1142 = tpu.memref_slice %arg3[%dma_wait3A_1140, %dma_wait3A_1141] : memref<101696x64xf32, #tpu.memory_space<hbm>> -> memref<101696x64xf32, #tpu.memory_space<hbm>>
    tpu.wait_indirect_dma semaphore(%arg11 : memref<!tpu.dma_semaphore, #tpu.memory_space<semaphore_mem>>) src(%dma_wait3A_1142 : memref<101696x64xf32, #tpu.memory_space<hbm>>) dst(%dma_wait3A_1137 : memref<400x64xf32, #tpu.memory_space<vmem>>)
    %add3A_1143 = arith.constant 4800 : i32
    %add3A_1144 = arith.addi %mul3A_2, %add3A_1143 : i32
    %dma_start3A_1145 = arith.constant 0 : i32
    %dma_start3A_1146 = arith.constant 0 : i32
    %dma_start3A_1147 = arith.constant 0 : i32
    %dma_start3A_1148 = tpu.memref_slice %arg9[%dma_start3A_1145, %dma_start3A_1146, %dma_start3A_1147] : memref<2x400x64xf32, #tpu.memory_space<vmem>> -> memref<1x400x64xf32, #tpu.memory_space<vmem>>
    %dma_start3A_1149 = tpu.memref_squeeze %dma_start3A_1148 : memref<1x400x64xf32, #tpu.memory_space<vmem>> -> memref<400x64xf32, #tpu.memory_space<vmem>>
    %dma_start3A_1150 = arith.constant 0 : i32
    %dma_start3A_1151 = tpu.memref_slice %arg6[%add3A_1144, %dma_start3A_1150] : memref<204800x128xf32, #tpu.memory_space<hbm>> -> memref<400x64xf32, #tpu.memory_space<hbm>>
    %dma_start3A_1152 = arith.constant 0 : i32
    %dma_start3A_1153 = tpu.memref_slice %arg6[%add3A_1144, %dma_start3A_1152] : memref<204800x128xf32, #tpu.memory_space<hbm>> -> memref<400x64xf32, #tpu.memory_space<hbm>>
    %dma_start3A_1154 = arith.constant 0 : i32
    %dma_start3A_1155 = arith.constant 0 : i32
    %dma_start3A_1156 = tpu.memref_slice %arg9[%dma_start3A_1145, %dma_start3A_1154, %dma_start3A_1155] : memref<2x400x64xf32, #tpu.memory_space<vmem>> -> memref<1x400x64xf32, #tpu.memory_space<vmem>>
    %dma_start3A_1157 = tpu.memref_squeeze %dma_start3A_1156 : memref<1x400x64xf32, #tpu.memory_space<vmem>> -> memref<400x64xf32, #tpu.memory_space<vmem>>
    tpu.enqueue_dma source(%dma_start3A_1157 : memref<400x64xf32, #tpu.memory_space<vmem>>) target(%dma_start3A_1153 : memref<400x64xf32, #tpu.memory_space<hbm>>) target_semaphore(%arg13 : memref<!tpu.dma_semaphore, #tpu.memory_space<semaphore_mem>>)
    %dma_start3A_1158 = arith.constant 0 : i32
    %dma_start3A_1159 = arith.constant 0 : i32
    %dma_start3A_1160 = arith.constant 0 : i32
    %dma_start3A_1161 = tpu.memref_slice %arg10[%dma_start3A_1158, %dma_start3A_1159, %dma_start3A_1160] : memref<2x400x64xf32, #tpu.memory_space<vmem>> -> memref<1x400x64xf32, #tpu.memory_space<vmem>>
    %dma_start3A_1162 = tpu.memref_squeeze %dma_start3A_1161 : memref<1x400x64xf32, #tpu.memory_space<vmem>> -> memref<400x64xf32, #tpu.memory_space<vmem>>
    %dma_start3A_1163 = arith.constant 64 : i32
    %dma_start3A_1164 = tpu.memref_slice %arg6[%add3A_1144, %dma_start3A_1163] : memref<204800x128xf32, #tpu.memory_space<hbm>> -> memref<400x64xf32, #tpu.memory_space<hbm>>
    %dma_start3A_1165 = arith.constant 64 : i32
    %dma_start3A_1166 = tpu.memref_slice %arg6[%add3A_1144, %dma_start3A_1165] : memref<204800x128xf32, #tpu.memory_space<hbm>> -> memref<400x64xf32, #tpu.memory_space<hbm>>
    %dma_start3A_1167 = arith.constant 0 : i32
    %dma_start3A_1168 = arith.constant 0 : i32
    %dma_start3A_1169 = tpu.memref_slice %arg10[%dma_start3A_1158, %dma_start3A_1167, %dma_start3A_1168] : memref<2x400x64xf32, #tpu.memory_space<vmem>> -> memref<1x400x64xf32, #tpu.memory_space<vmem>>
    %dma_start3A_1170 = tpu.memref_squeeze %dma_start3A_1169 : memref<1x400x64xf32, #tpu.memory_space<vmem>> -> memref<400x64xf32, #tpu.memory_space<vmem>>
    tpu.enqueue_dma source(%dma_start3A_1170 : memref<400x64xf32, #tpu.memory_space<vmem>>) target(%dma_start3A_1166 : memref<400x64xf32, #tpu.memory_space<hbm>>) target_semaphore(%arg13 : memref<!tpu.dma_semaphore, #tpu.memory_space<semaphore_mem>>)
    %dma_wait3A_1171 = arith.constant 1 : i32
    %dma_wait3A_1172 = arith.constant 0 : i32
    %dma_wait3A_1173 = arith.constant 0 : i32
    %dma_wait3A_1174 = tpu.memref_slice %arg9[%dma_wait3A_1171, %dma_wait3A_1172, %dma_wait3A_1173] : memref<2x400x64xf32, #tpu.memory_space<vmem>> -> memref<1x400x64xf32, #tpu.memory_space<vmem>>
    %dma_wait3A_1175 = tpu.memref_squeeze %dma_wait3A_1174 : memref<1x400x64xf32, #tpu.memory_space<vmem>> -> memref<400x64xf32, #tpu.memory_space<vmem>>
    %dma_wait3A_1176 = arith.constant 0 : i32
    %dma_wait3A_1177 = tpu.memref_slice %arg6[%add3A_1050, %dma_wait3A_1176] : memref<204800x128xf32, #tpu.memory_space<hbm>> -> memref<400x64xf32, #tpu.memory_space<hbm>>
    %dma_wait3A_1178 = arith.constant 0 : i32
    %dma_wait3A_1179 = tpu.memref_slice %arg6[%add3A_1050, %dma_wait3A_1178] : memref<204800x128xf32, #tpu.memory_space<hbm>> -> memref<400x64xf32, #tpu.memory_space<hbm>>
    %dma_wait3A_1180 = arith.constant 0 : i32
    %dma_wait3A_1181 = arith.constant 0 : i32
    %dma_wait3A_1182 = tpu.memref_slice %arg9[%dma_wait3A_1171, %dma_wait3A_1180, %dma_wait3A_1181] : memref<2x400x64xf32, #tpu.memory_space<vmem>> -> memref<1x400x64xf32, #tpu.memory_space<vmem>>
    %dma_wait3A_1183 = tpu.memref_squeeze %dma_wait3A_1182 : memref<1x400x64xf32, #tpu.memory_space<vmem>> -> memref<400x64xf32, #tpu.memory_space<vmem>>
    tpu.wait_dma2 semaphore(%arg14 : memref<!tpu.dma_semaphore, #tpu.memory_space<semaphore_mem>>) src(%dma_wait3A_1183 : memref<400x64xf32, #tpu.memory_space<vmem>>) dst(%dma_wait3A_1179 : memref<400x64xf32, #tpu.memory_space<hbm>>)
    %dma_wait3A_1184 = arith.constant 1 : i32
    %dma_wait3A_1185 = arith.constant 0 : i32
    %dma_wait3A_1186 = arith.constant 0 : i32
    %dma_wait3A_1187 = tpu.memref_slice %arg10[%dma_wait3A_1184, %dma_wait3A_1185, %dma_wait3A_1186] : memref<2x400x64xf32, #tpu.memory_space<vmem>> -> memref<1x400x64xf32, #tpu.memory_space<vmem>>
    %dma_wait3A_1188 = tpu.memref_squeeze %dma_wait3A_1187 : memref<1x400x64xf32, #tpu.memory_space<vmem>> -> memref<400x64xf32, #tpu.memory_space<vmem>>
    %dma_wait3A_1189 = arith.constant 64 : i32
    %dma_wait3A_1190 = tpu.memref_slice %arg6[%add3A_1050, %dma_wait3A_1189] : memref<204800x128xf32, #tpu.memory_space<hbm>> -> memref<400x64xf32, #tpu.memory_space<hbm>>
    %dma_wait3A_1191 = arith.constant 64 : i32
    %dma_wait3A_1192 = tpu.memref_slice %arg6[%add3A_1050, %dma_wait3A_1191] : memref<204800x128xf32, #tpu.memory_space<hbm>> -> memref<400x64xf32, #tpu.memory_space<hbm>>
    %dma_wait3A_1193 = arith.constant 0 : i32
    %dma_wait3A_1194 = arith.constant 0 : i32
    %dma_wait3A_1195 = tpu.memref_slice %arg10[%dma_wait3A_1184, %dma_wait3A_1193, %dma_wait3A_1194] : memref<2x400x64xf32, #tpu.memory_space<vmem>> -> memref<1x400x64xf32, #tpu.memory_space<vmem>>
    %dma_wait3A_1196 = tpu.memref_squeeze %dma_wait3A_1195 : memref<1x400x64xf32, #tpu.memory_space<vmem>> -> memref<400x64xf32, #tpu.memory_space<vmem>>
    tpu.wait_dma2 semaphore(%arg14 : memref<!tpu.dma_semaphore, #tpu.memory_space<semaphore_mem>>) src(%dma_wait3A_1196 : memref<400x64xf32, #tpu.memory_space<vmem>>) dst(%dma_wait3A_1192 : memref<400x64xf32, #tpu.memory_space<hbm>>)
    %dma_start3A_1197 = arith.constant 1 : i32
    %dma_start3A_1198 = arith.constant 0 : i32
    %dma_start3A_1199 = arith.constant 0 : i32
    %dma_start3A_1200 = tpu.memref_slice %arg9[%dma_start3A_1197, %dma_start3A_1198, %dma_start3A_1199] : memref<2x400x64xf32, #tpu.memory_space<vmem>> -> memref<1x400x64xf32, #tpu.memory_space<vmem>>
    %dma_start3A_1201 = tpu.memref_squeeze %dma_start3A_1200 : memref<1x400x64xf32, #tpu.memory_space<vmem>> -> memref<400x64xf32, #tpu.memory_space<vmem>>
    %dma_start3A_1202 = arith.constant 5200 : i32
    %dma_start3A_1203 = tpu.memref_slice %arg7[%dma_start3A_1202] : memref<6400xi32, #tpu.memory_space<vmem>> -> memref<400xi32, #tpu.memory_space<vmem>>
    %dma_start3A_1204 = arith.constant 0 : i32
    %dma_start3A_1205 = arith.constant 0 : i32
    %dma_start3A_1206 = tpu.memref_slice %arg2[%dma_start3A_1204, %dma_start3A_1205] : memref<1016960x64xf32, #tpu.memory_space<hbm>> -> memref<1016960x64xf32, #tpu.memory_space<hbm>>
    tpu.enqueue_indirect_dma source(%dma_start3A_1206 : memref<1016960x64xf32, #tpu.memory_space<hbm>>) target(%dma_start3A_1201 : memref<400x64xf32, #tpu.memory_space<vmem>>) offsets(%dma_start3A_1203 : memref<400xi32, #tpu.memory_space<vmem>>) semaphore(%arg12 : memref<!tpu.dma_semaphore, #tpu.memory_space<semaphore_mem>>)
    %dma_start3A_1207 = arith.constant 1 : i32
    %dma_start3A_1208 = arith.constant 0 : i32
    %dma_start3A_1209 = arith.constant 0 : i32
    %dma_start3A_1210 = tpu.memref_slice %arg10[%dma_start3A_1207, %dma_start3A_1208, %dma_start3A_1209] : memref<2x400x64xf32, #tpu.memory_space<vmem>> -> memref<1x400x64xf32, #tpu.memory_space<vmem>>
    %dma_start3A_1211 = tpu.memref_squeeze %dma_start3A_1210 : memref<1x400x64xf32, #tpu.memory_space<vmem>> -> memref<400x64xf32, #tpu.memory_space<vmem>>
    %dma_start3A_1212 = arith.constant 5200 : i32
    %dma_start3A_1213 = tpu.memref_slice %arg8[%dma_start3A_1212] : memref<6400xi32, #tpu.memory_space<vmem>> -> memref<400xi32, #tpu.memory_space<vmem>>
    %dma_start3A_1214 = arith.constant 0 : i32
    %dma_start3A_1215 = arith.constant 0 : i32
    %dma_start3A_1216 = tpu.memref_slice %arg3[%dma_start3A_1214, %dma_start3A_1215] : memref<101696x64xf32, #tpu.memory_space<hbm>> -> memref<101696x64xf32, #tpu.memory_space<hbm>>
    tpu.enqueue_indirect_dma source(%dma_start3A_1216 : memref<101696x64xf32, #tpu.memory_space<hbm>>) target(%dma_start3A_1211 : memref<400x64xf32, #tpu.memory_space<vmem>>) offsets(%dma_start3A_1213 : memref<400xi32, #tpu.memory_space<vmem>>) semaphore(%arg12 : memref<!tpu.dma_semaphore, #tpu.memory_space<semaphore_mem>>)
    %dma_wait3A_1217 = arith.constant 1 : i32
    %dma_wait3A_1218 = arith.constant 0 : i32
    %dma_wait3A_1219 = arith.constant 0 : i32
    %dma_wait3A_1220 = tpu.memref_slice %arg9[%dma_wait3A_1217, %dma_wait3A_1218, %dma_wait3A_1219] : memref<2x400x64xf32, #tpu.memory_space<vmem>> -> memref<1x400x64xf32, #tpu.memory_space<vmem>>
    %dma_wait3A_1221 = tpu.memref_squeeze %dma_wait3A_1220 : memref<1x400x64xf32, #tpu.memory_space<vmem>> -> memref<400x64xf32, #tpu.memory_space<vmem>>
    %dma_wait3A_1222 = arith.constant 5200 : i32
    %dma_wait3A_1223 = tpu.memref_slice %arg7[%dma_wait3A_1222] : memref<6400xi32, #tpu.memory_space<vmem>> -> memref<400xi32, #tpu.memory_space<vmem>>
    %dma_wait3A_1224 = arith.constant 0 : i32
    %dma_wait3A_1225 = arith.constant 0 : i32
    %dma_wait3A_1226 = tpu.memref_slice %arg2[%dma_wait3A_1224, %dma_wait3A_1225] : memref<1016960x64xf32, #tpu.memory_space<hbm>> -> memref<1016960x64xf32, #tpu.memory_space<hbm>>
    tpu.wait_indirect_dma semaphore(%arg12 : memref<!tpu.dma_semaphore, #tpu.memory_space<semaphore_mem>>) src(%dma_wait3A_1226 : memref<1016960x64xf32, #tpu.memory_space<hbm>>) dst(%dma_wait3A_1221 : memref<400x64xf32, #tpu.memory_space<vmem>>)
    %dma_wait3A_1227 = arith.constant 1 : i32
    %dma_wait3A_1228 = arith.constant 0 : i32
    %dma_wait3A_1229 = arith.constant 0 : i32
    %dma_wait3A_1230 = tpu.memref_slice %arg10[%dma_wait3A_1227, %dma_wait3A_1228, %dma_wait3A_1229] : memref<2x400x64xf32, #tpu.memory_space<vmem>> -> memref<1x400x64xf32, #tpu.memory_space<vmem>>
    %dma_wait3A_1231 = tpu.memref_squeeze %dma_wait3A_1230 : memref<1x400x64xf32, #tpu.memory_space<vmem>> -> memref<400x64xf32, #tpu.memory_space<vmem>>
    %dma_wait3A_1232 = arith.constant 5200 : i32
    %dma_wait3A_1233 = tpu.memref_slice %arg8[%dma_wait3A_1232] : memref<6400xi32, #tpu.memory_space<vmem>> -> memref<400xi32, #tpu.memory_space<vmem>>
    %dma_wait3A_1234 = arith.constant 0 : i32
    %dma_wait3A_1235 = arith.constant 0 : i32
    %dma_wait3A_1236 = tpu.memref_slice %arg3[%dma_wait3A_1234, %dma_wait3A_1235] : memref<101696x64xf32, #tpu.memory_space<hbm>> -> memref<101696x64xf32, #tpu.memory_space<hbm>>
    tpu.wait_indirect_dma semaphore(%arg12 : memref<!tpu.dma_semaphore, #tpu.memory_space<semaphore_mem>>) src(%dma_wait3A_1236 : memref<101696x64xf32, #tpu.memory_space<hbm>>) dst(%dma_wait3A_1231 : memref<400x64xf32, #tpu.memory_space<vmem>>)
    %add3A_1237 = arith.constant 5200 : i32
    %add3A_1238 = arith.addi %mul3A_2, %add3A_1237 : i32
    %dma_start3A_1239 = arith.constant 1 : i32
    %dma_start3A_1240 = arith.constant 0 : i32
    %dma_start3A_1241 = arith.constant 0 : i32
    %dma_start3A_1242 = tpu.memref_slice %arg9[%dma_start3A_1239, %dma_start3A_1240, %dma_start3A_1241] : memref<2x400x64xf32, #tpu.memory_space<vmem>> -> memref<1x400x64xf32, #tpu.memory_space<vmem>>
    %dma_start3A_1243 = tpu.memref_squeeze %dma_start3A_1242 : memref<1x400x64xf32, #tpu.memory_space<vmem>> -> memref<400x64xf32, #tpu.memory_space<vmem>>
    %dma_start3A_1244 = arith.constant 0 : i32
    %dma_start3A_1245 = tpu.memref_slice %arg6[%add3A_1238, %dma_start3A_1244] : memref<204800x128xf32, #tpu.memory_space<hbm>> -> memref<400x64xf32, #tpu.memory_space<hbm>>
    %dma_start3A_1246 = arith.constant 0 : i32
    %dma_start3A_1247 = tpu.memref_slice %arg6[%add3A_1238, %dma_start3A_1246] : memref<204800x128xf32, #tpu.memory_space<hbm>> -> memref<400x64xf32, #tpu.memory_space<hbm>>
    %dma_start3A_1248 = arith.constant 0 : i32
    %dma_start3A_1249 = arith.constant 0 : i32
    %dma_start3A_1250 = tpu.memref_slice %arg9[%dma_start3A_1239, %dma_start3A_1248, %dma_start3A_1249] : memref<2x400x64xf32, #tpu.memory_space<vmem>> -> memref<1x400x64xf32, #tpu.memory_space<vmem>>
    %dma_start3A_1251 = tpu.memref_squeeze %dma_start3A_1250 : memref<1x400x64xf32, #tpu.memory_space<vmem>> -> memref<400x64xf32, #tpu.memory_space<vmem>>
    tpu.enqueue_dma source(%dma_start3A_1251 : memref<400x64xf32, #tpu.memory_space<vmem>>) target(%dma_start3A_1247 : memref<400x64xf32, #tpu.memory_space<hbm>>) target_semaphore(%arg14 : memref<!tpu.dma_semaphore, #tpu.memory_space<semaphore_mem>>)
    %dma_start3A_1252 = arith.constant 1 : i32
    %dma_start3A_1253 = arith.constant 0 : i32
    %dma_start3A_1254 = arith.constant 0 : i32
    %dma_start3A_1255 = tpu.memref_slice %arg10[%dma_start3A_1252, %dma_start3A_1253, %dma_start3A_1254] : memref<2x400x64xf32, #tpu.memory_space<vmem>> -> memref<1x400x64xf32, #tpu.memory_space<vmem>>
    %dma_start3A_1256 = tpu.memref_squeeze %dma_start3A_1255 : memref<1x400x64xf32, #tpu.memory_space<vmem>> -> memref<400x64xf32, #tpu.memory_space<vmem>>
    %dma_start3A_1257 = arith.constant 64 : i32
    %dma_start3A_1258 = tpu.memref_slice %arg6[%add3A_1238, %dma_start3A_1257] : memref<204800x128xf32, #tpu.memory_space<hbm>> -> memref<400x64xf32, #tpu.memory_space<hbm>>
    %dma_start3A_1259 = arith.constant 64 : i32
    %dma_start3A_1260 = tpu.memref_slice %arg6[%add3A_1238, %dma_start3A_1259] : memref<204800x128xf32, #tpu.memory_space<hbm>> -> memref<400x64xf32, #tpu.memory_space<hbm>>
    %dma_start3A_1261 = arith.constant 0 : i32
    %dma_start3A_1262 = arith.constant 0 : i32
    %dma_start3A_1263 = tpu.memref_slice %arg10[%dma_start3A_1252, %dma_start3A_1261, %dma_start3A_1262] : memref<2x400x64xf32, #tpu.memory_space<vmem>> -> memref<1x400x64xf32, #tpu.memory_space<vmem>>
    %dma_start3A_1264 = tpu.memref_squeeze %dma_start3A_1263 : memref<1x400x64xf32, #tpu.memory_space<vmem>> -> memref<400x64xf32, #tpu.memory_space<vmem>>
    tpu.enqueue_dma source(%dma_start3A_1264 : memref<400x64xf32, #tpu.memory_space<vmem>>) target(%dma_start3A_1260 : memref<400x64xf32, #tpu.memory_space<hbm>>) target_semaphore(%arg14 : memref<!tpu.dma_semaphore, #tpu.memory_space<semaphore_mem>>)
    %dma_wait3A_1265 = arith.constant 0 : i32
    %dma_wait3A_1266 = arith.constant 0 : i32
    %dma_wait3A_1267 = arith.constant 0 : i32
    %dma_wait3A_1268 = tpu.memref_slice %arg9[%dma_wait3A_1265, %dma_wait3A_1266, %dma_wait3A_1267] : memref<2x400x64xf32, #tpu.memory_space<vmem>> -> memref<1x400x64xf32, #tpu.memory_space<vmem>>
    %dma_wait3A_1269 = tpu.memref_squeeze %dma_wait3A_1268 : memref<1x400x64xf32, #tpu.memory_space<vmem>> -> memref<400x64xf32, #tpu.memory_space<vmem>>
    %dma_wait3A_1270 = arith.constant 0 : i32
    %dma_wait3A_1271 = tpu.memref_slice %arg6[%add3A_1144, %dma_wait3A_1270] : memref<204800x128xf32, #tpu.memory_space<hbm>> -> memref<400x64xf32, #tpu.memory_space<hbm>>
    %dma_wait3A_1272 = arith.constant 0 : i32
    %dma_wait3A_1273 = tpu.memref_slice %arg6[%add3A_1144, %dma_wait3A_1272] : memref<204800x128xf32, #tpu.memory_space<hbm>> -> memref<400x64xf32, #tpu.memory_space<hbm>>
    %dma_wait3A_1274 = arith.constant 0 : i32
    %dma_wait3A_1275 = arith.constant 0 : i32
    %dma_wait3A_1276 = tpu.memref_slice %arg9[%dma_wait3A_1265, %dma_wait3A_1274, %dma_wait3A_1275] : memref<2x400x64xf32, #tpu.memory_space<vmem>> -> memref<1x400x64xf32, #tpu.memory_space<vmem>>
    %dma_wait3A_1277 = tpu.memref_squeeze %dma_wait3A_1276 : memref<1x400x64xf32, #tpu.memory_space<vmem>> -> memref<400x64xf32, #tpu.memory_space<vmem>>
    tpu.wait_dma2 semaphore(%arg13 : memref<!tpu.dma_semaphore, #tpu.memory_space<semaphore_mem>>) src(%dma_wait3A_1277 : memref<400x64xf32, #tpu.memory_space<vmem>>) dst(%dma_wait3A_1273 : memref<400x64xf32, #tpu.memory_space<hbm>>)
    %dma_wait3A_1278 = arith.constant 0 : i32
    %dma_wait3A_1279 = arith.constant 0 : i32
    %dma_wait3A_1280 = arith.constant 0 : i32
    %dma_wait3A_1281 = tpu.memref_slice %arg10[%dma_wait3A_1278, %dma_wait3A_1279, %dma_wait3A_1280] : memref<2x400x64xf32, #tpu.memory_space<vmem>> -> memref<1x400x64xf32, #tpu.memory_space<vmem>>
    %dma_wait3A_1282 = tpu.memref_squeeze %dma_wait3A_1281 : memref<1x400x64xf32, #tpu.memory_space<vmem>> -> memref<400x64xf32, #tpu.memory_space<vmem>>
    %dma_wait3A_1283 = arith.constant 64 : i32
    %dma_wait3A_1284 = tpu.memref_slice %arg6[%add3A_1144, %dma_wait3A_1283] : memref<204800x128xf32, #tpu.memory_space<hbm>> -> memref<400x64xf32, #tpu.memory_space<hbm>>
    %dma_wait3A_1285 = arith.constant 64 : i32
    %dma_wait3A_1286 = tpu.memref_slice %arg6[%add3A_1144, %dma_wait3A_1285] : memref<204800x128xf32, #tpu.memory_space<hbm>> -> memref<400x64xf32, #tpu.memory_space<hbm>>
    %dma_wait3A_1287 = arith.constant 0 : i32
    %dma_wait3A_1288 = arith.constant 0 : i32
    %dma_wait3A_1289 = tpu.memref_slice %arg10[%dma_wait3A_1278, %dma_wait3A_1287, %dma_wait3A_1288] : memref<2x400x64xf32, #tpu.memory_space<vmem>> -> memref<1x400x64xf32, #tpu.memory_space<vmem>>
    %dma_wait3A_1290 = tpu.memref_squeeze %dma_wait3A_1289 : memref<1x400x64xf32, #tpu.memory_space<vmem>> -> memref<400x64xf32, #tpu.memory_space<vmem>>
    tpu.wait_dma2 semaphore(%arg13 : memref<!tpu.dma_semaphore, #tpu.memory_space<semaphore_mem>>) src(%dma_wait3A_1290 : memref<400x64xf32, #tpu.memory_space<vmem>>) dst(%dma_wait3A_1286 : memref<400x64xf32, #tpu.memory_space<hbm>>)
    %dma_start3A_1291 = arith.constant 0 : i32
    %dma_start3A_1292 = arith.constant 0 : i32
    %dma_start3A_1293 = arith.constant 0 : i32
    %dma_start3A_1294 = tpu.memref_slice %arg9[%dma_start3A_1291, %dma_start3A_1292, %dma_start3A_1293] : memref<2x400x64xf32, #tpu.memory_space<vmem>> -> memref<1x400x64xf32, #tpu.memory_space<vmem>>
    %dma_start3A_1295 = tpu.memref_squeeze %dma_start3A_1294 : memref<1x400x64xf32, #tpu.memory_space<vmem>> -> memref<400x64xf32, #tpu.memory_space<vmem>>
    %dma_start3A_1296 = arith.constant 5600 : i32
    %dma_start3A_1297 = tpu.memref_slice %arg7[%dma_start3A_1296] : memref<6400xi32, #tpu.memory_space<vmem>> -> memref<400xi32, #tpu.memory_space<vmem>>
    %dma_start3A_1298 = arith.constant 0 : i32
    %dma_start3A_1299 = arith.constant 0 : i32
    %dma_start3A_1300 = tpu.memref_slice %arg2[%dma_start3A_1298, %dma_start3A_1299] : memref<1016960x64xf32, #tpu.memory_space<hbm>> -> memref<1016960x64xf32, #tpu.memory_space<hbm>>
    tpu.enqueue_indirect_dma source(%dma_start3A_1300 : memref<1016960x64xf32, #tpu.memory_space<hbm>>) target(%dma_start3A_1295 : memref<400x64xf32, #tpu.memory_space<vmem>>) offsets(%dma_start3A_1297 : memref<400xi32, #tpu.memory_space<vmem>>) semaphore(%arg11 : memref<!tpu.dma_semaphore, #tpu.memory_space<semaphore_mem>>)
    %dma_start3A_1301 = arith.constant 0 : i32
    %dma_start3A_1302 = arith.constant 0 : i32
    %dma_start3A_1303 = arith.constant 0 : i32
    %dma_start3A_1304 = tpu.memref_slice %arg10[%dma_start3A_1301, %dma_start3A_1302, %dma_start3A_1303] : memref<2x400x64xf32, #tpu.memory_space<vmem>> -> memref<1x400x64xf32, #tpu.memory_space<vmem>>
    %dma_start3A_1305 = tpu.memref_squeeze %dma_start3A_1304 : memref<1x400x64xf32, #tpu.memory_space<vmem>> -> memref<400x64xf32, #tpu.memory_space<vmem>>
    %dma_start3A_1306 = arith.constant 5600 : i32
    %dma_start3A_1307 = tpu.memref_slice %arg8[%dma_start3A_1306] : memref<6400xi32, #tpu.memory_space<vmem>> -> memref<400xi32, #tpu.memory_space<vmem>>
    %dma_start3A_1308 = arith.constant 0 : i32
    %dma_start3A_1309 = arith.constant 0 : i32
    %dma_start3A_1310 = tpu.memref_slice %arg3[%dma_start3A_1308, %dma_start3A_1309] : memref<101696x64xf32, #tpu.memory_space<hbm>> -> memref<101696x64xf32, #tpu.memory_space<hbm>>
    tpu.enqueue_indirect_dma source(%dma_start3A_1310 : memref<101696x64xf32, #tpu.memory_space<hbm>>) target(%dma_start3A_1305 : memref<400x64xf32, #tpu.memory_space<vmem>>) offsets(%dma_start3A_1307 : memref<400xi32, #tpu.memory_space<vmem>>) semaphore(%arg11 : memref<!tpu.dma_semaphore, #tpu.memory_space<semaphore_mem>>)
    %dma_wait3A_1311 = arith.constant 0 : i32
    %dma_wait3A_1312 = arith.constant 0 : i32
    %dma_wait3A_1313 = arith.constant 0 : i32
    %dma_wait3A_1314 = tpu.memref_slice %arg9[%dma_wait3A_1311, %dma_wait3A_1312, %dma_wait3A_1313] : memref<2x400x64xf32, #tpu.memory_space<vmem>> -> memref<1x400x64xf32, #tpu.memory_space<vmem>>
    %dma_wait3A_1315 = tpu.memref_squeeze %dma_wait3A_1314 : memref<1x400x64xf32, #tpu.memory_space<vmem>> -> memref<400x64xf32, #tpu.memory_space<vmem>>
    %dma_wait3A_1316 = arith.constant 5600 : i32
    %dma_wait3A_1317 = tpu.memref_slice %arg7[%dma_wait3A_1316] : memref<6400xi32, #tpu.memory_space<vmem>> -> memref<400xi32, #tpu.memory_space<vmem>>
    %dma_wait3A_1318 = arith.constant 0 : i32
    %dma_wait3A_1319 = arith.constant 0 : i32
    %dma_wait3A_1320 = tpu.memref_slice %arg2[%dma_wait3A_1318, %dma_wait3A_1319] : memref<1016960x64xf32, #tpu.memory_space<hbm>> -> memref<1016960x64xf32, #tpu.memory_space<hbm>>
    tpu.wait_indirect_dma semaphore(%arg11 : memref<!tpu.dma_semaphore, #tpu.memory_space<semaphore_mem>>) src(%dma_wait3A_1320 : memref<1016960x64xf32, #tpu.memory_space<hbm>>) dst(%dma_wait3A_1315 : memref<400x64xf32, #tpu.memory_space<vmem>>)
    %dma_wait3A_1321 = arith.constant 0 : i32
    %dma_wait3A_1322 = arith.constant 0 : i32
    %dma_wait3A_1323 = arith.constant 0 : i32
    %dma_wait3A_1324 = tpu.memref_slice %arg10[%dma_wait3A_1321, %dma_wait3A_1322, %dma_wait3A_1323] : memref<2x400x64xf32, #tpu.memory_space<vmem>> -> memref<1x400x64xf32, #tpu.memory_space<vmem>>
    %dma_wait3A_1325 = tpu.memref_squeeze %dma_wait3A_1324 : memref<1x400x64xf32, #tpu.memory_space<vmem>> -> memref<400x64xf32, #tpu.memory_space<vmem>>
    %dma_wait3A_1326 = arith.constant 5600 : i32
    %dma_wait3A_1327 = tpu.memref_slice %arg8[%dma_wait3A_1326] : memref<6400xi32, #tpu.memory_space<vmem>> -> memref<400xi32, #tpu.memory_space<vmem>>
    %dma_wait3A_1328 = arith.constant 0 : i32
    %dma_wait3A_1329 = arith.constant 0 : i32
    %dma_wait3A_1330 = tpu.memref_slice %arg3[%dma_wait3A_1328, %dma_wait3A_1329] : memref<101696x64xf32, #tpu.memory_space<hbm>> -> memref<101696x64xf32, #tpu.memory_space<hbm>>
    tpu.wait_indirect_dma semaphore(%arg11 : memref<!tpu.dma_semaphore, #tpu.memory_space<semaphore_mem>>) src(%dma_wait3A_1330 : memref<101696x64xf32, #tpu.memory_space<hbm>>) dst(%dma_wait3A_1325 : memref<400x64xf32, #tpu.memory_space<vmem>>)
    %add3A_1331 = arith.constant 5600 : i32
    %add3A_1332 = arith.addi %mul3A_2, %add3A_1331 : i32
    %dma_start3A_1333 = arith.constant 0 : i32
    %dma_start3A_1334 = arith.constant 0 : i32
    %dma_start3A_1335 = arith.constant 0 : i32
    %dma_start3A_1336 = tpu.memref_slice %arg9[%dma_start3A_1333, %dma_start3A_1334, %dma_start3A_1335] : memref<2x400x64xf32, #tpu.memory_space<vmem>> -> memref<1x400x64xf32, #tpu.memory_space<vmem>>
    %dma_start3A_1337 = tpu.memref_squeeze %dma_start3A_1336 : memref<1x400x64xf32, #tpu.memory_space<vmem>> -> memref<400x64xf32, #tpu.memory_space<vmem>>
    %dma_start3A_1338 = arith.constant 0 : i32
    %dma_start3A_1339 = tpu.memref_slice %arg6[%add3A_1332, %dma_start3A_1338] : memref<204800x128xf32, #tpu.memory_space<hbm>> -> memref<400x64xf32, #tpu.memory_space<hbm>>
    %dma_start3A_1340 = arith.constant 0 : i32
    %dma_start3A_1341 = tpu.memref_slice %arg6[%add3A_1332, %dma_start3A_1340] : memref<204800x128xf32, #tpu.memory_space<hbm>> -> memref<400x64xf32, #tpu.memory_space<hbm>>
    %dma_start3A_1342 = arith.constant 0 : i32
    %dma_start3A_1343 = arith.constant 0 : i32
    %dma_start3A_1344 = tpu.memref_slice %arg9[%dma_start3A_1333, %dma_start3A_1342, %dma_start3A_1343] : memref<2x400x64xf32, #tpu.memory_space<vmem>> -> memref<1x400x64xf32, #tpu.memory_space<vmem>>
    %dma_start3A_1345 = tpu.memref_squeeze %dma_start3A_1344 : memref<1x400x64xf32, #tpu.memory_space<vmem>> -> memref<400x64xf32, #tpu.memory_space<vmem>>
    tpu.enqueue_dma source(%dma_start3A_1345 : memref<400x64xf32, #tpu.memory_space<vmem>>) target(%dma_start3A_1341 : memref<400x64xf32, #tpu.memory_space<hbm>>) target_semaphore(%arg13 : memref<!tpu.dma_semaphore, #tpu.memory_space<semaphore_mem>>)
    %dma_start3A_1346 = arith.constant 0 : i32
    %dma_start3A_1347 = arith.constant 0 : i32
    %dma_start3A_1348 = arith.constant 0 : i32
    %dma_start3A_1349 = tpu.memref_slice %arg10[%dma_start3A_1346, %dma_start3A_1347, %dma_start3A_1348] : memref<2x400x64xf32, #tpu.memory_space<vmem>> -> memref<1x400x64xf32, #tpu.memory_space<vmem>>
    %dma_start3A_1350 = tpu.memref_squeeze %dma_start3A_1349 : memref<1x400x64xf32, #tpu.memory_space<vmem>> -> memref<400x64xf32, #tpu.memory_space<vmem>>
    %dma_start3A_1351 = arith.constant 64 : i32
    %dma_start3A_1352 = tpu.memref_slice %arg6[%add3A_1332, %dma_start3A_1351] : memref<204800x128xf32, #tpu.memory_space<hbm>> -> memref<400x64xf32, #tpu.memory_space<hbm>>
    %dma_start3A_1353 = arith.constant 64 : i32
    %dma_start3A_1354 = tpu.memref_slice %arg6[%add3A_1332, %dma_start3A_1353] : memref<204800x128xf32, #tpu.memory_space<hbm>> -> memref<400x64xf32, #tpu.memory_space<hbm>>
    %dma_start3A_1355 = arith.constant 0 : i32
    %dma_start3A_1356 = arith.constant 0 : i32
    %dma_start3A_1357 = tpu.memref_slice %arg10[%dma_start3A_1346, %dma_start3A_1355, %dma_start3A_1356] : memref<2x400x64xf32, #tpu.memory_space<vmem>> -> memref<1x400x64xf32, #tpu.memory_space<vmem>>
    %dma_start3A_1358 = tpu.memref_squeeze %dma_start3A_1357 : memref<1x400x64xf32, #tpu.memory_space<vmem>> -> memref<400x64xf32, #tpu.memory_space<vmem>>
    tpu.enqueue_dma source(%dma_start3A_1358 : memref<400x64xf32, #tpu.memory_space<vmem>>) target(%dma_start3A_1354 : memref<400x64xf32, #tpu.memory_space<hbm>>) target_semaphore(%arg13 : memref<!tpu.dma_semaphore, #tpu.memory_space<semaphore_mem>>)
    %dma_wait3A_1359 = arith.constant 1 : i32
    %dma_wait3A_1360 = arith.constant 0 : i32
    %dma_wait3A_1361 = arith.constant 0 : i32
    %dma_wait3A_1362 = tpu.memref_slice %arg9[%dma_wait3A_1359, %dma_wait3A_1360, %dma_wait3A_1361] : memref<2x400x64xf32, #tpu.memory_space<vmem>> -> memref<1x400x64xf32, #tpu.memory_space<vmem>>
    %dma_wait3A_1363 = tpu.memref_squeeze %dma_wait3A_1362 : memref<1x400x64xf32, #tpu.memory_space<vmem>> -> memref<400x64xf32, #tpu.memory_space<vmem>>
    %dma_wait3A_1364 = arith.constant 0 : i32
    %dma_wait3A_1365 = tpu.memref_slice %arg6[%add3A_1238, %dma_wait3A_1364] : memref<204800x128xf32, #tpu.memory_space<hbm>> -> memref<400x64xf32, #tpu.memory_space<hbm>>
    %dma_wait3A_1366 = arith.constant 0 : i32
    %dma_wait3A_1367 = tpu.memref_slice %arg6[%add3A_1238, %dma_wait3A_1366] : memref<204800x128xf32, #tpu.memory_space<hbm>> -> memref<400x64xf32, #tpu.memory_space<hbm>>
    %dma_wait3A_1368 = arith.constant 0 : i32
    %dma_wait3A_1369 = arith.constant 0 : i32
    %dma_wait3A_1370 = tpu.memref_slice %arg9[%dma_wait3A_1359, %dma_wait3A_1368, %dma_wait3A_1369] : memref<2x400x64xf32, #tpu.memory_space<vmem>> -> memref<1x400x64xf32, #tpu.memory_space<vmem>>
    %dma_wait3A_1371 = tpu.memref_squeeze %dma_wait3A_1370 : memref<1x400x64xf32, #tpu.memory_space<vmem>> -> memref<400x64xf32, #tpu.memory_space<vmem>>
    tpu.wait_dma2 semaphore(%arg14 : memref<!tpu.dma_semaphore, #tpu.memory_space<semaphore_mem>>) src(%dma_wait3A_1371 : memref<400x64xf32, #tpu.memory_space<vmem>>) dst(%dma_wait3A_1367 : memref<400x64xf32, #tpu.memory_space<hbm>>)
    %dma_wait3A_1372 = arith.constant 1 : i32
    %dma_wait3A_1373 = arith.constant 0 : i32
    %dma_wait3A_1374 = arith.constant 0 : i32
    %dma_wait3A_1375 = tpu.memref_slice %arg10[%dma_wait3A_1372, %dma_wait3A_1373, %dma_wait3A_1374] : memref<2x400x64xf32, #tpu.memory_space<vmem>> -> memref<1x400x64xf32, #tpu.memory_space<vmem>>
    %dma_wait3A_1376 = tpu.memref_squeeze %dma_wait3A_1375 : memref<1x400x64xf32, #tpu.memory_space<vmem>> -> memref<400x64xf32, #tpu.memory_space<vmem>>
    %dma_wait3A_1377 = arith.constant 64 : i32
    %dma_wait3A_1378 = tpu.memref_slice %arg6[%add3A_1238, %dma_wait3A_1377] : memref<204800x128xf32, #tpu.memory_space<hbm>> -> memref<400x64xf32, #tpu.memory_space<hbm>>
    %dma_wait3A_1379 = arith.constant 64 : i32
    %dma_wait3A_1380 = tpu.memref_slice %arg6[%add3A_1238, %dma_wait3A_1379] : memref<204800x128xf32, #tpu.memory_space<hbm>> -> memref<400x64xf32, #tpu.memory_space<hbm>>
    %dma_wait3A_1381 = arith.constant 0 : i32
    %dma_wait3A_1382 = arith.constant 0 : i32
    %dma_wait3A_1383 = tpu.memref_slice %arg10[%dma_wait3A_1372, %dma_wait3A_1381, %dma_wait3A_1382] : memref<2x400x64xf32, #tpu.memory_space<vmem>> -> memref<1x400x64xf32, #tpu.memory_space<vmem>>
    %dma_wait3A_1384 = tpu.memref_squeeze %dma_wait3A_1383 : memref<1x400x64xf32, #tpu.memory_space<vmem>> -> memref<400x64xf32, #tpu.memory_space<vmem>>
    tpu.wait_dma2 semaphore(%arg14 : memref<!tpu.dma_semaphore, #tpu.memory_space<semaphore_mem>>) src(%dma_wait3A_1384 : memref<400x64xf32, #tpu.memory_space<vmem>>) dst(%dma_wait3A_1380 : memref<400x64xf32, #tpu.memory_space<hbm>>)
    %dma_start3A_1385 = arith.constant 1 : i32
    %dma_start3A_1386 = arith.constant 0 : i32
    %dma_start3A_1387 = arith.constant 0 : i32
    %dma_start3A_1388 = tpu.memref_slice %arg9[%dma_start3A_1385, %dma_start3A_1386, %dma_start3A_1387] : memref<2x400x64xf32, #tpu.memory_space<vmem>> -> memref<1x400x64xf32, #tpu.memory_space<vmem>>
    %dma_start3A_1389 = tpu.memref_squeeze %dma_start3A_1388 : memref<1x400x64xf32, #tpu.memory_space<vmem>> -> memref<400x64xf32, #tpu.memory_space<vmem>>
    %dma_start3A_1390 = arith.constant 6000 : i32
    %dma_start3A_1391 = tpu.memref_slice %arg7[%dma_start3A_1390] : memref<6400xi32, #tpu.memory_space<vmem>> -> memref<400xi32, #tpu.memory_space<vmem>>
    %dma_start3A_1392 = arith.constant 0 : i32
    %dma_start3A_1393 = arith.constant 0 : i32
    %dma_start3A_1394 = tpu.memref_slice %arg2[%dma_start3A_1392, %dma_start3A_1393] : memref<1016960x64xf32, #tpu.memory_space<hbm>> -> memref<1016960x64xf32, #tpu.memory_space<hbm>>
    tpu.enqueue_indirect_dma source(%dma_start3A_1394 : memref<1016960x64xf32, #tpu.memory_space<hbm>>) target(%dma_start3A_1389 : memref<400x64xf32, #tpu.memory_space<vmem>>) offsets(%dma_start3A_1391 : memref<400xi32, #tpu.memory_space<vmem>>) semaphore(%arg12 : memref<!tpu.dma_semaphore, #tpu.memory_space<semaphore_mem>>)
    %dma_start3A_1395 = arith.constant 1 : i32
    %dma_start3A_1396 = arith.constant 0 : i32
    %dma_start3A_1397 = arith.constant 0 : i32
    %dma_start3A_1398 = tpu.memref_slice %arg10[%dma_start3A_1395, %dma_start3A_1396, %dma_start3A_1397] : memref<2x400x64xf32, #tpu.memory_space<vmem>> -> memref<1x400x64xf32, #tpu.memory_space<vmem>>
    %dma_start3A_1399 = tpu.memref_squeeze %dma_start3A_1398 : memref<1x400x64xf32, #tpu.memory_space<vmem>> -> memref<400x64xf32, #tpu.memory_space<vmem>>
    %dma_start3A_1400 = arith.constant 6000 : i32
    %dma_start3A_1401 = tpu.memref_slice %arg8[%dma_start3A_1400] : memref<6400xi32, #tpu.memory_space<vmem>> -> memref<400xi32, #tpu.memory_space<vmem>>
    %dma_start3A_1402 = arith.constant 0 : i32
    %dma_start3A_1403 = arith.constant 0 : i32
    %dma_start3A_1404 = tpu.memref_slice %arg3[%dma_start3A_1402, %dma_start3A_1403] : memref<101696x64xf32, #tpu.memory_space<hbm>> -> memref<101696x64xf32, #tpu.memory_space<hbm>>
    tpu.enqueue_indirect_dma source(%dma_start3A_1404 : memref<101696x64xf32, #tpu.memory_space<hbm>>) target(%dma_start3A_1399 : memref<400x64xf32, #tpu.memory_space<vmem>>) offsets(%dma_start3A_1401 : memref<400xi32, #tpu.memory_space<vmem>>) semaphore(%arg12 : memref<!tpu.dma_semaphore, #tpu.memory_space<semaphore_mem>>)
    %dma_wait3A_1405 = arith.constant 1 : i32
    %dma_wait3A_1406 = arith.constant 0 : i32
    %dma_wait3A_1407 = arith.constant 0 : i32
    %dma_wait3A_1408 = tpu.memref_slice %arg9[%dma_wait3A_1405, %dma_wait3A_1406, %dma_wait3A_1407] : memref<2x400x64xf32, #tpu.memory_space<vmem>> -> memref<1x400x64xf32, #tpu.memory_space<vmem>>
    %dma_wait3A_1409 = tpu.memref_squeeze %dma_wait3A_1408 : memref<1x400x64xf32, #tpu.memory_space<vmem>> -> memref<400x64xf32, #tpu.memory_space<vmem>>
    %dma_wait3A_1410 = arith.constant 6000 : i32
    %dma_wait3A_1411 = tpu.memref_slice %arg7[%dma_wait3A_1410] : memref<6400xi32, #tpu.memory_space<vmem>> -> memref<400xi32, #tpu.memory_space<vmem>>
    %dma_wait3A_1412 = arith.constant 0 : i32
    %dma_wait3A_1413 = arith.constant 0 : i32
    %dma_wait3A_1414 = tpu.memref_slice %arg2[%dma_wait3A_1412, %dma_wait3A_1413] : memref<1016960x64xf32, #tpu.memory_space<hbm>> -> memref<1016960x64xf32, #tpu.memory_space<hbm>>
    tpu.wait_indirect_dma semaphore(%arg12 : memref<!tpu.dma_semaphore, #tpu.memory_space<semaphore_mem>>) src(%dma_wait3A_1414 : memref<1016960x64xf32, #tpu.memory_space<hbm>>) dst(%dma_wait3A_1409 : memref<400x64xf32, #tpu.memory_space<vmem>>)
    %dma_wait3A_1415 = arith.constant 1 : i32
    %dma_wait3A_1416 = arith.constant 0 : i32
    %dma_wait3A_1417 = arith.constant 0 : i32
    %dma_wait3A_1418 = tpu.memref_slice %arg10[%dma_wait3A_1415, %dma_wait3A_1416, %dma_wait3A_1417] : memref<2x400x64xf32, #tpu.memory_space<vmem>> -> memref<1x400x64xf32, #tpu.memory_space<vmem>>
    %dma_wait3A_1419 = tpu.memref_squeeze %dma_wait3A_1418 : memref<1x400x64xf32, #tpu.memory_space<vmem>> -> memref<400x64xf32, #tpu.memory_space<vmem>>
    %dma_wait3A_1420 = arith.constant 6000 : i32
    %dma_wait3A_1421 = tpu.memref_slice %arg8[%dma_wait3A_1420] : memref<6400xi32, #tpu.memory_space<vmem>> -> memref<400xi32, #tpu.memory_space<vmem>>
    %dma_wait3A_1422 = arith.constant 0 : i32
    %dma_wait3A_1423 = arith.constant 0 : i32
    %dma_wait3A_1424 = tpu.memref_slice %arg3[%dma_wait3A_1422, %dma_wait3A_1423] : memref<101696x64xf32, #tpu.memory_space<hbm>> -> memref<101696x64xf32, #tpu.memory_space<hbm>>
    tpu.wait_indirect_dma semaphore(%arg12 : memref<!tpu.dma_semaphore, #tpu.memory_space<semaphore_mem>>) src(%dma_wait3A_1424 : memref<101696x64xf32, #tpu.memory_space<hbm>>) dst(%dma_wait3A_1419 : memref<400x64xf32, #tpu.memory_space<vmem>>)
    %add3A_1425 = arith.constant 6000 : i32
    %add3A_1426 = arith.addi %mul3A_2, %add3A_1425 : i32
    %dma_start3A_1427 = arith.constant 1 : i32
    %dma_start3A_1428 = arith.constant 0 : i32
    %dma_start3A_1429 = arith.constant 0 : i32
    %dma_start3A_1430 = tpu.memref_slice %arg9[%dma_start3A_1427, %dma_start3A_1428, %dma_start3A_1429] : memref<2x400x64xf32, #tpu.memory_space<vmem>> -> memref<1x400x64xf32, #tpu.memory_space<vmem>>
    %dma_start3A_1431 = tpu.memref_squeeze %dma_start3A_1430 : memref<1x400x64xf32, #tpu.memory_space<vmem>> -> memref<400x64xf32, #tpu.memory_space<vmem>>
    %dma_start3A_1432 = arith.constant 0 : i32
    %dma_start3A_1433 = tpu.memref_slice %arg6[%add3A_1426, %dma_start3A_1432] : memref<204800x128xf32, #tpu.memory_space<hbm>> -> memref<400x64xf32, #tpu.memory_space<hbm>>
    %dma_start3A_1434 = arith.constant 0 : i32
    %dma_start3A_1435 = tpu.memref_slice %arg6[%add3A_1426, %dma_start3A_1434] : memref<204800x128xf32, #tpu.memory_space<hbm>> -> memref<400x64xf32, #tpu.memory_space<hbm>>
    %dma_start3A_1436 = arith.constant 0 : i32
    %dma_start3A_1437 = arith.constant 0 : i32
    %dma_start3A_1438 = tpu.memref_slice %arg9[%dma_start3A_1427, %dma_start3A_1436, %dma_start3A_1437] : memref<2x400x64xf32, #tpu.memory_space<vmem>> -> memref<1x400x64xf32, #tpu.memory_space<vmem>>
    %dma_start3A_1439 = tpu.memref_squeeze %dma_start3A_1438 : memref<1x400x64xf32, #tpu.memory_space<vmem>> -> memref<400x64xf32, #tpu.memory_space<vmem>>
    tpu.enqueue_dma source(%dma_start3A_1439 : memref<400x64xf32, #tpu.memory_space<vmem>>) target(%dma_start3A_1435 : memref<400x64xf32, #tpu.memory_space<hbm>>) target_semaphore(%arg14 : memref<!tpu.dma_semaphore, #tpu.memory_space<semaphore_mem>>)
    %dma_start3A_1440 = arith.constant 1 : i32
    %dma_start3A_1441 = arith.constant 0 : i32
    %dma_start3A_1442 = arith.constant 0 : i32
    %dma_start3A_1443 = tpu.memref_slice %arg10[%dma_start3A_1440, %dma_start3A_1441, %dma_start3A_1442] : memref<2x400x64xf32, #tpu.memory_space<vmem>> -> memref<1x400x64xf32, #tpu.memory_space<vmem>>
    %dma_start3A_1444 = tpu.memref_squeeze %dma_start3A_1443 : memref<1x400x64xf32, #tpu.memory_space<vmem>> -> memref<400x64xf32, #tpu.memory_space<vmem>>
    %dma_start3A_1445 = arith.constant 64 : i32
    %dma_start3A_1446 = tpu.memref_slice %arg6[%add3A_1426, %dma_start3A_1445] : memref<204800x128xf32, #tpu.memory_space<hbm>> -> memref<400x64xf32, #tpu.memory_space<hbm>>
    %dma_start3A_1447 = arith.constant 64 : i32
    %dma_start3A_1448 = tpu.memref_slice %arg6[%add3A_1426, %dma_start3A_1447] : memref<204800x128xf32, #tpu.memory_space<hbm>> -> memref<400x64xf32, #tpu.memory_space<hbm>>
    %dma_start3A_1449 = arith.constant 0 : i32
    %dma_start3A_1450 = arith.constant 0 : i32
    %dma_start3A_1451 = tpu.memref_slice %arg10[%dma_start3A_1440, %dma_start3A_1449, %dma_start3A_1450] : memref<2x400x64xf32, #tpu.memory_space<vmem>> -> memref<1x400x64xf32, #tpu.memory_space<vmem>>
    %dma_start3A_1452 = tpu.memref_squeeze %dma_start3A_1451 : memref<1x400x64xf32, #tpu.memory_space<vmem>> -> memref<400x64xf32, #tpu.memory_space<vmem>>
    tpu.enqueue_dma source(%dma_start3A_1452 : memref<400x64xf32, #tpu.memory_space<vmem>>) target(%dma_start3A_1448 : memref<400x64xf32, #tpu.memory_space<hbm>>) target_semaphore(%arg14 : memref<!tpu.dma_semaphore, #tpu.memory_space<semaphore_mem>>)
    %dma_wait3A_1453 = arith.constant 0 : i32
    %dma_wait3A_1454 = arith.constant 0 : i32
    %dma_wait3A_1455 = arith.constant 0 : i32
    %dma_wait3A_1456 = tpu.memref_slice %arg9[%dma_wait3A_1453, %dma_wait3A_1454, %dma_wait3A_1455] : memref<2x400x64xf32, #tpu.memory_space<vmem>> -> memref<1x400x64xf32, #tpu.memory_space<vmem>>
    %dma_wait3A_1457 = tpu.memref_squeeze %dma_wait3A_1456 : memref<1x400x64xf32, #tpu.memory_space<vmem>> -> memref<400x64xf32, #tpu.memory_space<vmem>>
    %dma_wait3A_1458 = arith.constant 0 : i32
    %dma_wait3A_1459 = tpu.memref_slice %arg6[%add3A_1332, %dma_wait3A_1458] : memref<204800x128xf32, #tpu.memory_space<hbm>> -> memref<400x64xf32, #tpu.memory_space<hbm>>
    %dma_wait3A_1460 = arith.constant 0 : i32
    %dma_wait3A_1461 = tpu.memref_slice %arg6[%add3A_1332, %dma_wait3A_1460] : memref<204800x128xf32, #tpu.memory_space<hbm>> -> memref<400x64xf32, #tpu.memory_space<hbm>>
    %dma_wait3A_1462 = arith.constant 0 : i32
    %dma_wait3A_1463 = arith.constant 0 : i32
    %dma_wait3A_1464 = tpu.memref_slice %arg9[%dma_wait3A_1453, %dma_wait3A_1462, %dma_wait3A_1463] : memref<2x400x64xf32, #tpu.memory_space<vmem>> -> memref<1x400x64xf32, #tpu.memory_space<vmem>>
    %dma_wait3A_1465 = tpu.memref_squeeze %dma_wait3A_1464 : memref<1x400x64xf32, #tpu.memory_space<vmem>> -> memref<400x64xf32, #tpu.memory_space<vmem>>
    tpu.wait_dma2 semaphore(%arg13 : memref<!tpu.dma_semaphore, #tpu.memory_space<semaphore_mem>>) src(%dma_wait3A_1465 : memref<400x64xf32, #tpu.memory_space<vmem>>) dst(%dma_wait3A_1461 : memref<400x64xf32, #tpu.memory_space<hbm>>)
    %dma_wait3A_1466 = arith.constant 0 : i32
    %dma_wait3A_1467 = arith.constant 0 : i32
    %dma_wait3A_1468 = arith.constant 0 : i32
    %dma_wait3A_1469 = tpu.memref_slice %arg10[%dma_wait3A_1466, %dma_wait3A_1467, %dma_wait3A_1468] : memref<2x400x64xf32, #tpu.memory_space<vmem>> -> memref<1x400x64xf32, #tpu.memory_space<vmem>>
    %dma_wait3A_1470 = tpu.memref_squeeze %dma_wait3A_1469 : memref<1x400x64xf32, #tpu.memory_space<vmem>> -> memref<400x64xf32, #tpu.memory_space<vmem>>
    %dma_wait3A_1471 = arith.constant 64 : i32
    %dma_wait3A_1472 = tpu.memref_slice %arg6[%add3A_1332, %dma_wait3A_1471] : memref<204800x128xf32, #tpu.memory_space<hbm>> -> memref<400x64xf32, #tpu.memory_space<hbm>>
    %dma_wait3A_1473 = arith.constant 64 : i32
    %dma_wait3A_1474 = tpu.memref_slice %arg6[%add3A_1332, %dma_wait3A_1473] : memref<204800x128xf32, #tpu.memory_space<hbm>> -> memref<400x64xf32, #tpu.memory_space<hbm>>
    %dma_wait3A_1475 = arith.constant 0 : i32
    %dma_wait3A_1476 = arith.constant 0 : i32
    %dma_wait3A_1477 = tpu.memref_slice %arg10[%dma_wait3A_1466, %dma_wait3A_1475, %dma_wait3A_1476] : memref<2x400x64xf32, #tpu.memory_space<vmem>> -> memref<1x400x64xf32, #tpu.memory_space<vmem>>
    %dma_wait3A_1478 = tpu.memref_squeeze %dma_wait3A_1477 : memref<1x400x64xf32, #tpu.memory_space<vmem>> -> memref<400x64xf32, #tpu.memory_space<vmem>>
    tpu.wait_dma2 semaphore(%arg13 : memref<!tpu.dma_semaphore, #tpu.memory_space<semaphore_mem>>) src(%dma_wait3A_1478 : memref<400x64xf32, #tpu.memory_space<vmem>>) dst(%dma_wait3A_1474 : memref<400x64xf32, #tpu.memory_space<hbm>>)
    %dma_wait3A_1479 = arith.constant 1 : i32
    %dma_wait3A_1480 = arith.constant 0 : i32
    %dma_wait3A_1481 = arith.constant 0 : i32
    %dma_wait3A_1482 = tpu.memref_slice %arg9[%dma_wait3A_1479, %dma_wait3A_1480, %dma_wait3A_1481] : memref<2x400x64xf32, #tpu.memory_space<vmem>> -> memref<1x400x64xf32, #tpu.memory_space<vmem>>
    %dma_wait3A_1483 = tpu.memref_squeeze %dma_wait3A_1482 : memref<1x400x64xf32, #tpu.memory_space<vmem>> -> memref<400x64xf32, #tpu.memory_space<vmem>>
    %dma_wait3A_1484 = arith.constant 0 : i32
    %dma_wait3A_1485 = tpu.memref_slice %arg6[%add3A_1426, %dma_wait3A_1484] : memref<204800x128xf32, #tpu.memory_space<hbm>> -> memref<400x64xf32, #tpu.memory_space<hbm>>
    %dma_wait3A_1486 = arith.constant 0 : i32
    %dma_wait3A_1487 = tpu.memref_slice %arg6[%add3A_1426, %dma_wait3A_1486] : memref<204800x128xf32, #tpu.memory_space<hbm>> -> memref<400x64xf32, #tpu.memory_space<hbm>>
    %dma_wait3A_1488 = arith.constant 0 : i32
    %dma_wait3A_1489 = arith.constant 0 : i32
    %dma_wait3A_1490 = tpu.memref_slice %arg9[%dma_wait3A_1479, %dma_wait3A_1488, %dma_wait3A_1489] : memref<2x400x64xf32, #tpu.memory_space<vmem>> -> memref<1x400x64xf32, #tpu.memory_space<vmem>>
    %dma_wait3A_1491 = tpu.memref_squeeze %dma_wait3A_1490 : memref<1x400x64xf32, #tpu.memory_space<vmem>> -> memref<400x64xf32, #tpu.memory_space<vmem>>
    tpu.wait_dma2 semaphore(%arg14 : memref<!tpu.dma_semaphore, #tpu.memory_space<semaphore_mem>>) src(%dma_wait3A_1491 : memref<400x64xf32, #tpu.memory_space<vmem>>) dst(%dma_wait3A_1487 : memref<400x64xf32, #tpu.memory_space<hbm>>)
    %dma_wait3A_1492 = arith.constant 1 : i32
    %dma_wait3A_1493 = arith.constant 0 : i32
    %dma_wait3A_1494 = arith.constant 0 : i32
    %dma_wait3A_1495 = tpu.memref_slice %arg10[%dma_wait3A_1492, %dma_wait3A_1493, %dma_wait3A_1494] : memref<2x400x64xf32, #tpu.memory_space<vmem>> -> memref<1x400x64xf32, #tpu.memory_space<vmem>>
    %dma_wait3A_1496 = tpu.memref_squeeze %dma_wait3A_1495 : memref<1x400x64xf32, #tpu.memory_space<vmem>> -> memref<400x64xf32, #tpu.memory_space<vmem>>
    %dma_wait3A_1497 = arith.constant 64 : i32
    %dma_wait3A_1498 = tpu.memref_slice %arg6[%add3A_1426, %dma_wait3A_1497] : memref<204800x128xf32, #tpu.memory_space<hbm>> -> memref<400x64xf32, #tpu.memory_space<hbm>>
    %dma_wait3A_1499 = arith.constant 64 : i32
    %dma_wait3A_1500 = tpu.memref_slice %arg6[%add3A_1426, %dma_wait3A_1499] : memref<204800x128xf32, #tpu.memory_space<hbm>> -> memref<400x64xf32, #tpu.memory_space<hbm>>
    %dma_wait3A_1501 = arith.constant 0 : i32
    %dma_wait3A_1502 = arith.constant 0 : i32
    %dma_wait3A_1503 = tpu.memref_slice %arg10[%dma_wait3A_1492, %dma_wait3A_1501, %dma_wait3A_1502] : memref<2x400x64xf32, #tpu.memory_space<vmem>> -> memref<1x400x64xf32, #tpu.memory_space<vmem>>
    %dma_wait3A_1504 = tpu.memref_squeeze %dma_wait3A_1503 : memref<1x400x64xf32, #tpu.memory_space<vmem>> -> memref<400x64xf32, #tpu.memory_space<vmem>>
    tpu.wait_dma2 semaphore(%arg14 : memref<!tpu.dma_semaphore, #tpu.memory_space<semaphore_mem>>) src(%dma_wait3A_1504 : memref<400x64xf32, #tpu.memory_space<vmem>>) dst(%dma_wait3A_1500 : memref<400x64xf32, #tpu.memory_space<hbm>>)
    return
  }
}

module attributes {stable_mosaic.version = 14 : i64} {
  func.func @_tr_body(%arg0: i32, %arg1: memref<64x8192xf32, #tpu.memory_space<vmem>>, %arg2: memref<64x8192xf32, #tpu.memory_space<vmem>>, %arg3: memref<8192x128xf32, #tpu.memory_space<vmem>>) attributes {dimension_semantics = [#tpu.dimension_semantics<arbitrary>], iteration_bounds = array<i64: 7>, scalar_prefetch = 0 : i64, scratch_operands = 0 : i64, tpu.core_type = #tpu.core_type<tc>, window_params = [{transform_indices = @transform_0, window_bounds = array<i64: 64, 8192>}, {transform_indices = @transform_1, window_bounds = array<i64: 64, 8192>}, {transform_indices = @transform_2, window_bounds = array<i64: 8192, 128>}]} {
    %get3A = arith.constant 0 : index
    %get3A_0 = arith.constant 0 : index
    %get3A_1 = vector.load %arg1[%get3A, %get3A_0] : memref<64x8192xf32, #tpu.memory_space<vmem>>, vector<64x8192xf32>
    %transpose3A = tpu.transpose %get3A_1, [1, 0] : vector<64x8192xf32> -> vector<8192x64xf32>
    %swap3A = arith.constant 0 : index
    %swap3A_2 = arith.constant 0 : index
    %swap3A_3 = vector.load %arg3[%swap3A, %swap3A_2] : memref<8192x128xf32, #tpu.memory_space<vmem>>, vector<8192x64xf32>
    tpu.vector_store %arg3[%swap3A, %swap3A_2], %transpose3A {strides = array<i32>} : memref<8192x128xf32, #tpu.memory_space<vmem>>, vector<8192x64xf32>,
    %get3A_4 = arith.constant 0 : index
    %get3A_5 = arith.constant 0 : index
    %get3A_6 = vector.load %arg2[%get3A_4, %get3A_5] : memref<64x8192xf32, #tpu.memory_space<vmem>>, vector<64x8192xf32>
    %transpose3A_7 = tpu.transpose %get3A_6, [1, 0] : vector<64x8192xf32> -> vector<8192x64xf32>
    %swap3A_8 = arith.constant 0 : index
    %swap3A_9 = arith.constant 64 : index
    %swap3A_10 = vector.load %arg3[%swap3A_8, %swap3A_9] : memref<8192x128xf32, #tpu.memory_space<vmem>>, vector<8192x64xf32>
    tpu.vector_store %arg3[%swap3A_8, %swap3A_9], %transpose3A_7 {strides = array<i32>} : memref<8192x128xf32, #tpu.memory_space<vmem>>, vector<8192x64xf32>,
    return
  }
  func.func @transform_0(%arg0: i32) -> (i32, i32) {
    %c0_i32 = arith.constant 0 : i32
    %c0_i32_0 = arith.constant 0 : i32
    return %c0_i32, %arg0 : i32, i32
  }
  func.func @transform_1(%arg0: i32) -> (i32, i32) {
    %add3A = arith.constant 6 : i32
    %add3A_0 = arith.addi %arg0, %add3A : i32
    %c0_i32 = arith.constant 0 : i32
    %c0_i32_1 = arith.constant 0 : i32
    return %c0_i32, %add3A_0 : i32, i32
  }
  func.func @transform_2(%arg0: i32) -> (i32, i32) {
    %c0_i32 = arith.constant 0 : i32
    %c0_i32_0 = arith.constant 0 : i32
    return %arg0, %c0_i32 : i32, i32
  }
}

module attributes {stable_mosaic.version = 14 : i64} {
  func.func @_tr_body(%arg0: i32, %arg1: memref<64x24576xf32, #tpu.memory_space<vmem>>, %arg2: memref<64x24576xf32, #tpu.memory_space<vmem>>, %arg3: memref<24576x128xf32, #tpu.memory_space<vmem>>) attributes {dimension_semantics = [#tpu.dimension_semantics<arbitrary>], iteration_bounds = array<i64: 21>, scalar_prefetch = 0 : i64, scratch_operands = 0 : i64, tpu.core_type = #tpu.core_type<tc>, window_params = [{transform_indices = @transform_0, window_bounds = array<i64: 64, 24576>}, {transform_indices = @transform_1, window_bounds = array<i64: 64, 24576>}, {transform_indices = @transform_2, window_bounds = array<i64: 24576, 128>}]} {
    %get3A = arith.constant 0 : index
    %get3A_0 = arith.constant 0 : index
    %get3A_1 = vector.load %arg1[%get3A, %get3A_0] : memref<64x24576xf32, #tpu.memory_space<vmem>>, vector<64x24576xf32>
    %transpose3A = tpu.transpose %get3A_1, [1, 0] : vector<64x24576xf32> -> vector<24576x64xf32>
    %swap3A = arith.constant 0 : index
    %swap3A_2 = arith.constant 0 : index
    %swap3A_3 = vector.load %arg3[%swap3A, %swap3A_2] : memref<24576x128xf32, #tpu.memory_space<vmem>>, vector<24576x64xf32>
    tpu.vector_store %arg3[%swap3A, %swap3A_2], %transpose3A {strides = array<i32>} : memref<24576x128xf32, #tpu.memory_space<vmem>>, vector<24576x64xf32>,
    %get3A_4 = arith.constant 0 : index
    %get3A_5 = arith.constant 0 : index
    %get3A_6 = vector.load %arg2[%get3A_4, %get3A_5] : memref<64x24576xf32, #tpu.memory_space<vmem>>, vector<64x24576xf32>
    %transpose3A_7 = tpu.transpose %get3A_6, [1, 0] : vector<64x24576xf32> -> vector<24576x64xf32>
    %swap3A_8 = arith.constant 0 : index
    %swap3A_9 = arith.constant 64 : index
    %swap3A_10 = vector.load %arg3[%swap3A_8, %swap3A_9] : memref<24576x128xf32, #tpu.memory_space<vmem>>, vector<24576x64xf32>
    tpu.vector_store %arg3[%swap3A_8, %swap3A_9], %transpose3A_7 {strides = array<i32>} : memref<24576x128xf32, #tpu.memory_space<vmem>>, vector<24576x64xf32>,
    return
  }
  func.func @transform_0(%arg0: i32) -> (i32, i32) {
    %c0_i32 = arith.constant 0 : i32
    %c0_i32_0 = arith.constant 0 : i32
    return %c0_i32, %arg0 : i32, i32
  }
  func.func @transform_1(%arg0: i32) -> (i32, i32) {
    %add3A = arith.constant 20 : i32
    %add3A_0 = arith.addi %arg0, %add3A : i32
    %c0_i32 = arith.constant 0 : i32
    %c0_i32_1 = arith.constant 0 : i32
    return %c0_i32, %add3A_0 : i32, i32
  }
  func.func @transform_2(%arg0: i32) -> (i32, i32) {
    %c0_i32 = arith.constant 0 : i32
    %c0_i32_0 = arith.constant 0 : i32
    return %arg0, %c0_i32 : i32, i32
  }
}

</mosaic_0001>

<sc_bundles>
// kernel: kernel.5.cloned.1.call-start
scs
__scs_entry_jumppad:
0x0: {  	(pc) =	sbr.rel $0x88, $3  }
0x1: {  	(tag) =	ssettag $0x0;
	lr =	simm.s32 $0x1  }
0x2: {  	[smem:$0x3F9D] =	sst lr;
	_ =	strace $0xD0000000  }
0x3: {  	_ = 	snop  }
0x4: {  	_ = 	snop  }
0x5: {  	_ = 	snop  }
0x6: {  	_ = 	snop  }
0x7: {  	_ = 	snop  }
__scs_overlays_trampoline_lowered:
0x8: {  	[smem:$0x3FAC] =	sst s0  }
0x9: {  	[smem:$0x3FAD] =	sst s1  }
0xa: {  	[smem:$0x3FAE] =	sst s2  }
0xb: {  	[smem:$0x3FAF] =	sst s3  }
0xc: {  	[smem:$0x3FB0] =	sst s4  }
0xd: {  	[smem:$0x3FB1] =	sst s5  }
0xe: {  	[smem:$0x3FB2] =	sst s6  }
0xf: {  	[smem:$0x3FB3] =	sst s7  }
0x10: {  	[smem:$0x3FB4] =	sst s8  }
0x11: {  	[smem:$0x3FB5] =	sst s9;
	s0 =	simm.s32 @!p0 $0x0  }
0x12: {  	s1 =	sld [smem:$0x3F9B];
	s0 =	simm.s32 @p0 $0x1  }
0x13: {  	[smem:$0x3FB6] =	sst s0;
	s0 =	simm.s32 @!p1 $0x0  }
0x14: {  	s2 =	sld [smem:$0x3F9A];
	s0 =	simm.s32 @p1 $0x1  }
0x15: {  	[smem:$0x3FB7] =	sst s0;
	s0 =	simm.s32 @!p2 $0x0  }
0x16: {  	s3 =	sld [smem:$0x3FDB];
	s0 =	simm.s32 @p2 $0x1  }
0x17: {  	s4 =	simm.s32 $0x1BF5;
	[smem:$0x3FB9] =	sst s0  }
0x18: {  	s0 =	sld [smem:$0x3F9C];
	_ =	swait.ge [sflag:s4], $0x0  }
0x19: {  	s7 =	sld [smem:$0x3F9D]  }
0x1a: {  	s8 =	sadd.s32 $0xFFFFE003, lr  }
0x1b: {  	s9 =	sadd.s32 $0xFFFFFEF7, lr;
	s5 =	simm.s32 $0xFFFFFFFF;
	p2 =	slt.u32 s8, $0xFFFFF086  }
0x1c: {  	p1 =	slt.u32 s9, $0xF7A;
	s5 =	simm.s32 @!p2 $0x0  }
0x1d: {  	s5 =	simm.s32 @p1 $0x1;
	p0 =	seq.s32 s7, s2  }
0x1e: {  	s7 =	smul.u32 @!p0 $0xF7A, s2;
	p2 =	seq.s32 @!p0 s5, $0x0  }
0x1f: {  	s9 =	smul.u32 $0xF7A, s1;
	s8 =	simm.s32 @!p0 $0x1BF5;
	p2 =	por !p2, p0  }
0x20: {  	[sflag:s8] =	ssyncset.s32 @!p0 $0xFFFFF086;
	s6 =	sadd.s32 @!p0 s3, s7;
	s7 =	simm.s32 @!p0 $0x108  }
0x21: {  	s3 =	sadd.s32 s3, s9;
	s6 =	sadd.s32 @!p0 $0x88, s6;
	s7 =	simm.s32 @p2 $0x1082  }
0x22: {  	[simem:s7], [sflag:s8] =	dma.local @!p0 [hbm:s6], $0xF7A  }
0x23: {  	s9 =	sor.u32 $0xD0000000, s2;
	s6 =	simm.s32 $0x108;
	_ =	swait.ge @!p0 [sflag:s8], $0x0  }
0x24: {  	s3 =	sadd.s32 $0x88, s3;
	s6 =	simm.s32 @!p1 $0x1082;
	[sflag:s4] =	ssyncset.s32 $0xFFFFF086  }
0x25: {  	[simem:s6], [sflag:s4] =	dma.local [hbm:s3], $0xF7A  }
0x26: {  	[smem:$0x3F9D] =	sst s1;
	(tag) =	ssettag s2;
	_ =	strace s9  }
0x27: {  	s1 =	sld [smem:$0x3FAD]  }
0x28: {  	s2 =	sld [smem:$0x3FAE]  }
0x29: {  	s4 =	sld [smem:$0x3FB0]  }
0x2a: {  	p0 =	seq.s32 s5, $0x0;
	s5 =	sld [smem:$0x3FB1]  }
0x2b: {  	s6 =	sld [smem:$0x3FB2]  }
0x2c: {  	s7 =	sld [smem:$0x3FB3]  }
0x2d: {  	s3 =	simm.s32 $0x108;
	s8 =	sld [smem:$0x3FB4]  }
0x2e: {  	s3 =	simm.s32 @!p0 $0x1082;
	s9 =	sld [smem:$0x3FB5]  }
0x2f: {  	lr =	sadd.s32 s0, s3;
	s0 =	sld [smem:$0x3FAC]  }
0x30: {  	s3 =	sld [smem:$0x3FAF]  }
0x31: {  	[smem:$0x3FB8] =	sst s10  }
0x32: {  	s10 =	sld [smem:$0x3FB6];
	_ =	sdelay $0x3  }
0x33: {  	p0 =	seq.s32 s10, $0x1;
	s10 =	sld [smem:$0x3FB8];
	_ =	sdelay $0x3  }
0x34: {  	[smem:$0x3FB8] =	sst s10  }
0x35: {  	s10 =	sld [smem:$0x3FB7];
	_ =	sdelay $0x3  }
0x36: {  	p1 =	seq.s32 s10, $0x1;
	s10 =	sld [smem:$0x3FB8];
	_ =	sdelay $0x3  }
0x37: {  	[smem:$0x3FB8] =	sst s10  }
0x38: {  	s10 =	sld [smem:$0x3FB9]  }
0x39: {  	_ = 	snop;
	(pc) =	sbr.ind lr, $3  }
0x3a: {  	_ = 	snop  }
0x3b: {  	_ = 	snop  }
0x3c: {  	p2 =	seq.s32 s10, $0x1;
	s10 =	sld [smem:$0x3FB8]  }
0x3d: {  	_ =	shalt  }
0x3e: {  	_ =	shalt  }
0x3f: {  	_ =	shalt  }
0x40: {  	_ =	shalt  }
0x41: {  	_ =	shalt  }
0x42: {  	_ =	shalt  }
0x43: {  	_ =	shalt  }
0x44: {  	_ =	shalt  }
0x45: {  	_ =	shalt  }
0x46: {  	_ =	shalt  }
0x47: {  	_ =	shalt  }
0x48: {  	_ =	shalt  }
0x49: {  	_ =	shalt  }
0x4a: {  	_ =	shalt  }
0x4b: {  	_ =	shalt  }
0x4c: {  	_ =	shalt  }
0x4d: {  	_ =	shalt  }
0x4e: {  	_ =	shalt  }
0x4f: {  	_ =	shalt  }
0x50: {  	_ =	shalt  }
0x51: {  	_ =	shalt  }
0x52: {  	_ =	shalt  }
0x53: {  	_ =	shalt  }
0x54: {  	_ =	shalt  }
0x55: {  	_ =	shalt  }
0x56: {  	_ =	shalt  }
0x57: {  	_ =	shalt  }
0x58: {  	_ =	shalt  }
0x59: {  	_ =	shalt  }
0x5a: {  	_ =	shalt  }
0x5b: {  	_ =	shalt  }
0x5c: {  	_ =	shalt  }
0x5d: {  	_ =	shalt  }
0x5e: {  	_ =	shalt  }
0x5f: {  	_ =	shalt  }
0x60: {  	_ =	shalt  }
0x61: {  	_ =	shalt  }
0x62: {  	_ =	shalt  }
0x63: {  	_ =	shalt  }
0x64: {  	_ =	shalt  }
0x65: {  	_ =	shalt  }
0x66: {  	_ =	shalt  }
0x67: {  	_ =	shalt  }
0x68: {  	_ =	shalt  }
0x69: {  	_ =	shalt  }
0x6a: {  	_ =	shalt  }
0x6b: {  	_ =	shalt  }
0x6c: {  	_ =	shalt  }
0x6d: {  	_ =	shalt  }
0x6e: {  	_ =	shalt  }
0x6f: {  	_ =	shalt  }
0x70: {  	_ =	shalt  }
0x71: {  	_ =	shalt  }
0x72: {  	_ =	shalt  }
0x73: {  	_ =	shalt  }
0x74: {  	_ =	shalt  }
0x75: {  	_ =	shalt  }
0x76: {  	_ =	shalt  }
0x77: {  	_ =	shalt  }
0x78: {  	_ =	shalt  }
0x79: {  	_ =	shalt  }
0x7a: {  	_ =	shalt  }
0x7b: {  	_ =	shalt  }
0x7c: {  	_ =	shalt  }
0x7d: {  	_ =	shalt  }
0x7e: {  	_ =	shalt  }
0x7f: {  	_ =	shalt  }
0x80: {  	_ =	shalt  }
0x81: {  	_ =	shalt  }
0x82: {  	_ =	shalt  }
0x83: {  	_ =	shalt  }
0x84: {  	_ =	shalt  }
0x85: {  	_ =	shalt  }
0x86: {  	_ =	shalt  }
0x87: {  	_ =	shalt  }
.Lfunc_end0:
.L_simem_size_0:
called_computation_lowered:
.L_overlay_start_0:
0x88: {  	s2 =	sld [smem:$0x3FD9]  }
0x89: {  	s3 =	sld [smem:$0x3FFE];
	_ =	sdelay $0x1  }
0x8a: {  	s1 =	srdreg.scid  }
0x8b: {  	s0 =	sand.u32 $0x1, s1  }
0x8c: {  	s17 =	sshll.u32 s0, $0xA;
	s2 =	sadd.s32 s3, s2  }
0x8d: {  	s2 =	sadd.s32 s2, s17  }
0x8e: {  	[smem:$0x3FC4] =	sst s2  }
0x8f: {  	_ = 	snop  }
0x90: {  	s2 =	sld [smem:$0x3FD0];
	(tm) =	ssettm $0x1  }
0x91: {  	s18 =	sld [smem:$0x3FFB];
	_ =	sdelay $0x3  }
0x92: {  	_ =	strace s18  }
0x93: {  	s3 =	sld [smem:$0x3FFC];
	_ =	sdelay $0x3  }
0x94: {  	_ =	strace s3  }
0x95: {  	s3 =	sld [smem:$0x3FFD];
	_ =	sdelay $0x3  }
0x96: {  	_ =	strace s3  }
0x97: {  	_ =	strace $0x8FFFFFFF  }
0x98: {  	s19 =	sld [smem:$0x3FDB];
	_ =	sdelay $0x1  }
0x99: {  	s4 =	simm.s32 $_scs_section_size  }
0x9a: {  	s5 =	simm.s32 $_size__tile_overlayer_lowered;
	s6 =	simm.s32 $_tile_overlayer_lowered  }
0x9b: {  	s22 =	simm.s32 $0x1BFF;
	s21 =	sshll.u32 s6, $0x1;
	s3 =	sadd.s32 s4, s19  }
0x9c: {  	s7 =	simm.s32 $0x0;
	s20 =	sshll.u32 s5, $0x1;
	s5 =	sadd.s32 s21, s3  }
0x9d: {  	[timem:s7], [sflag:s22] =	dma.local [hbm:s5], s20  }
0x9e: {  	_ =	swait.ge [sflag:s22], s20  }
0x9f: {  	s4 =	ssub.s32 $0x0, s20;
	[sflag:s22] =	ssyncset.done $0x0  }
0xa0: {  	[sflag:s22] =	ssyncadd.s32 s4;
	_ =	sdelay $0x1  }
0xa1: {  	s23 =	simm.s32 $0x1B8B  }
0xa2: {  	_ =	swait.ge [sflag:s23], $0x1  }
0xa3: {  	[sflag:s23] =	ssyncset.done $0x0  }
0xa4: {  	s25 =	simm.s32 $0x1B8E;
	s24 =	sld [smem:$0x3FFE];
	[sflag:s23] =	ssyncadd.s32 $0xFFFFFFFF  }
0xa5: {  	s26 =	simm.s32 $execute0_lowered;
	[smem:$0x3FD2] =	sst s25  }
0xa6: {  	s5 =	sshll.u32 s26, $0x1;
	_ =	strace $0x80000046;
	[dreg:$0x1] =	wrdreg $0xFFFFFFFF  }
0xa7: {  	s28 =	simm.s32 $_size_execute0_lowered;
	s3 =	sadd.s32 s3, s5;
	[dreg:$0x0] =	wrdreg $0x0  }
0xa8: {  	s5 =	sshll.u32 s28, $0x1;
	[dreg:$0x2] =	wrdreg s3  }
0xa9: {  	[dreg:$0x3] =	wrdreg s5  }
0xaa: {  	[dreg:$0x4] =	wrdreg $0xC0  }
0xab: {  	_ =	task [dreg:s7], $0x5FFFF  }
0xac: {  	[dreg:$0x1] =	wrdreg $0xFFFFFFFF  }
0xad: {  	[dreg:$0x0] =	wrdreg $0x60  }
0xae: {  	[dreg:$0x2] =	wrdreg s24  }
0xaf: {  	[dreg:$0x3] =	wrdreg s2  }
0xb0: {  	[dreg:$0x4] =	wrdreg $0x9  }
0xb1: {  	_ =	task.clear_ibuf [dreg:s7], $0x5FFFF;
	_ =	strace $0x90000046  }
0xb2: {  	s29 =	simm.s32 $0x9;
	_ =	strace $0x80000048  }
0xb3: {  	_ =	swait.ge [sflag:s29], $0x1  }
0xb4: {  	[sflag:s29] =	ssyncadd.s32 $0xFFFFFFFF  }
0xb5: {  	_ =	strace $0x90000048  }
0xb6: {  	_ =	sfence  }
0xb7: {  	s30 =	sld [smem:$0x0];
	_ =	sdelay $0x2  }
0xb8: {  	s31 =	sshll.u32 s1, $0xD;
	s1 =	sshrl.u32 s1, $0x2  }
0xb9: {  	s3 =	sand.u32 $0x4000, s31;
	s1 =	sadd.s32 s1, s30  }
0xba: {  	s0 =	sor.u32 s3, s0;
	s1 =	sshll.u32 s1, $0x11  }
0xbb: {  	s0 =	sor.u32 s1, s0  }
0xbc: {  	s0 =	sadd.s32 $0x8F2B, s0  }
0xbd: {  	[sflag:s0] =	ssyncadd.remote.s32 $0x1  }
0xbe: {  	_ =	sfence.sel $0xFFFF  }
0xbf: {  	[dreg:$0x0] =	wrdreg $0xFFFFFFFF;
	(pc) =	sbr.abs _section_cstart, $3  }
0xc0: {  	[dreg:$0x1] =	wrdreg $0xFFFFFFFF  }
0xc1: {  	_ =	task.clear_ibuf [dreg:s7], $0x2FFFF;
	_ =	strace $0x9FFFFFFF  }
0xc2: {  	(tm) =	ssettm $0x7FFFFFFF  }
0xc3: {  	_ =	shalt  }
tec
execute0_lowered:
.L_overlay_start_1:
0x0: {  	(tag) =	ssettag $0x1  }
0x1: {  	s0 =	srdreg.scid;
	s15 =	stileid.u32  }
0x2: {  	s1 =	sand.u32 $0x1, s0;
	s24 =	sshll.u32 s15, $0x1  }
0x3: {  	s0 =	sor.u32 s1, s24  }
0x4: {  	s3 =	rddreg [dreg:$0x0];
	s4 =	smul.u32 $0x320, s0  }
0x5: {  	s2 =	rddreg [dreg:$0x1];
	s29 =	simm.s32 $0x0;
	s0 =	smul.u32 $0xC8000, s0  }
0x6: {  	[smem:$0x7FF] =	sst s29;
	s4 =	sadd.s32 s4, s3  }
0x7: {  	_ =	strace $0x80000047;
	s0 =	sshrl.u32 s0, $0x3;
	s5 =	sadd.s32 $0x400, s4  }
0x8: {  	s4 =	sadd.s32 $0x6800, s4;
	s28 =	sadd.s32 s2, s0;
	[dreg:$0x3] =	wrdreg s5  }
0x9: {  	[dreg:$0x4] =	wrdreg s4;
	s0 =	sadd.s32 $0x8, s28  }
0xa: {  	s25 =	sadd.s32 $0x1900, s28;
	[dreg:$0x5] =	wrdreg s0  }
0xb: {  	s26 =	sadd.s32 $0x1908, s28;
	[dreg:$0x6] =	wrdreg s25  }
0xc: {  	s2 =	sadd.s32 $0x3200, s28;
	[dreg:$0x7] =	wrdreg s26  }
0xd: {  	s4 =	sadd.s32 $0x3208, s28;
	[dreg:$0x8] =	wrdreg s2  }
0xe: {  	s5 =	sadd.s32 $0x4B00, s28;
	[dreg:$0x9] =	wrdreg s4  }
0xf: {  	s6 =	sadd.s32 $0x4B08, s28;
	[dreg:$0xa] =	wrdreg s5  }
0x10: {  	s7 =	sadd.s32 $0x6400, s28;
	[dreg:$0xb] =	wrdreg s6  }
0x11: {  	s8 =	sadd.s32 $0x6408, s28;
	[dreg:$0xc] =	wrdreg s7  }
0x12: {  	s9 =	sadd.s32 $0x7D00, s28;
	[dreg:$0xd] =	wrdreg s8  }
0x13: {  	s10 =	sadd.s32 $0x7D08, s28;
	[dreg:$0xe] =	wrdreg s9  }
0x14: {  	s11 =	sadd.s32 $0x9600, s28;
	[dreg:$0xf] =	wrdreg s10  }
0x15: {  	s12 =	sadd.s32 $0x9608, s28;
	[dreg:$0x10] =	wrdreg s11  }
0x16: {  	s13 =	sadd.s32 $0xAF00, s28;
	[dreg:$0x11] =	wrdreg s12  }
0x17: {  	s14 =	sadd.s32 $0xAF08, s28;
	[dreg:$0x12] =	wrdreg s13  }
0x18: {  	s16 =	sadd.s32 $0xC800, s28;
	[dreg:$0x13] =	wrdreg s14  }
0x19: {  	s17 =	sadd.s32 $0xC808, s28;
	[dreg:$0x14] =	wrdreg s16  }
0x1a: {  	s18 =	sadd.s32 $0xE100, s28;
	[dreg:$0x15] =	wrdreg s17  }
0x1b: {  	s19 =	sadd.s32 $0xE108, s28;
	[dreg:$0x16] =	wrdreg s18  }
0x1c: {  	s20 =	sadd.s32 $0xFA00, s28;
	[dreg:$0x17] =	wrdreg s19  }
0x1d: {  	s21 =	sadd.s32 $0xFA08, s28;
	[dreg:$0x18] =	wrdreg s20  }
0x1e: {  	s22 =	sadd.s32 $0x11300, s28;
	[dreg:$0x19] =	wrdreg s21  }
0x1f: {  	s23 =	sadd.s32 $0x11308, s28;
	[dreg:$0x1a] =	wrdreg s22  }
0x20: {  	s24 =	sadd.s32 $0x12C00, s28;
	[dreg:$0x1b] =	wrdreg s23  }
0x21: {  	[dreg:$0x1c] =	wrdreg s24  }
0x22: {  	s25 =	sadd.s32 $0x12C08, s28;
	s0 =	rddreg [dreg:$0x3]  }
0x23: {  	s26 =	sadd.s32 $0x14500, s28;
	[dreg:$0x1d] =	wrdreg s25  }
0x24: {  	s2 =	sadd.s32 $0x14508, s28;
	[dreg:$0x1e] =	wrdreg s26  }
0x25: {  	s4 =	sadd.s32 $0x15E00, s28;
	[dreg:$0x1f] =	wrdreg s2  }
0x26: {  	s5 =	sadd.s32 $0x15E08, s28;
	[smem:$0x7E9] =	sst s4  }
0x27: {  	s6 =	sadd.s32 $0x17700, s28;
	[smem:$0x7EA] =	sst s5  }
0x28: {  	s7 =	sadd.s32 $0x17708, s28;
	[smem:$0x7EB] =	sst s6  }
0x29: {  	s30 =	simm.s32 $0x5;
	s8 =	simm.s32 $0x1A90;
	[smem:$0x7EC] =	sst s7  }
0x2a: {  	s31 =	simm.s32 $0x1900;
	s9 =	simm.s32 $0x320;
	[smem:$0x7ED] =	sst s8  }
0x2b: {  	p0 =	por $0x0, $0x0;
	s11 =	simm.s32 $0x1C20;
	[smem:$0x7EE] =	sst s9  }
0x2c: {  	s1 =	ssub.s32 $0x2, s1;
	s12 =	simm.s32 $0x4B0;
	[smem:$0x7EF] =	sst s11  }
0x2d: {  	s10 =	sshrl.u32 s1, $0x1;
	s13 =	simm.s32 $0x1DB0;
	[smem:$0x7F0] =	sst s12  }
0x2e: {  	s14 =	simm.s32 $0x640;
	s16 =	simm.s32 $0x1F40;
	[smem:$0x7F1] =	sst s13  }
0x2f: {  	s17 =	simm.s32 $0x7D0;
	s18 =	simm.s32 $0x20D0;
	[smem:$0x7F2] =	sst s14  }
0x30: {  	s19 =	simm.s32 $0x960;
	s20 =	simm.s32 $0x2260;
	[smem:$0x7F3] =	sst s16  }
0x31: {  	s21 =	simm.s32 $0xAF0;
	s22 =	simm.s32 $0x23F0;
	[smem:$0x7F4] =	sst s17  }
0x32: {  	s23 =	simm.s32 $0xC80;
	s24 =	simm.s32 $0x2580;
	[smem:$0x7F5] =	sst s18  }
0x33: {  	s2 =	sadd.s32 $0xD3600, s3;
	s3 =	sadd.s32 $0xCC00, s3;
	[smem:$0x7F6] =	sst s19  }
0x34: {  	s1 =	ssub.s32 s1, s10;
	s4 =	simm.s32 $0x190;
	[smem:$0x7F7] =	sst s20  }
0x35: {  	s11 =	simm.s32 $0x3200;
	s12 =	simm.s32 $0xFA00;
	[smem:$0x7F8] =	sst s21  }
0x36: {  	s14 =	simm.s32 $0x1;
	s5 =	simm.s32 $0x40;
	[smem:$0x7F9] =	sst s22  }
0x37: {  	s6 =	simm.s32 $0x80;
	s8 =	simm.s32 $0x9600;
	[smem:$0x7FA] =	sst s23  }
0x38: {  	s9 =	simm.s32 $0x15E00;
	s13 =	simm.s32 $0x2;
	[smem:$0x7FB] =	sst s24  }
0x39: {  	s25 =	simm.s32 $0xE10;
	s10 =	simm.s32 $0x3;
	s1 =	smax.u32 s1, $0x1  }
0x3a: {  	s26 =	simm.s32 $0x2710;
	s7 =	simm.s32 $0x4;
	p1 =	sne.s32 s1, $0x1  }
.Ltmp0:
0x3b: {  	s22 =	simm.s32 $0x28A0;
	s24 =	simm.s32 $0x1130;
	(pc) =	sbr.rel @!p1 .LBB2_1-.Ltmp0, $4  }
0x3c: {  	s23 =	simm.s32 $0x2BC0;
	s20 =	simm.s32 $0x1450;
	s21 =	simm.s32 $0x2D50  }
0x3d: {  	s18 =	simm.s32 $0x15E0;
	s19 =	simm.s32 $0x2EE0;
	[smem:$0x7FC] =	sst s25  }
0x3e: {  	s16 =	simm.s32 $0x1770;
	s17 =	simm.s32 $0x3070;
	[smem:$0x7FD] =	sst s26  }
0x3f: {  	s26 =	simm.s32 $0xFA0;
	s25 =	simm.s32 $0x2A30;
	s1 =	sadd.s32 $0xFFFFFFFF, s1  }
0x40: {  	[tilespmem:s29], [sflag:$0x5] =	stream.linear.gather [hbm4b:s0+s29], $0x1900, $0x38;
	[tilespmem:$0x1C200] =	vst v63  }
0x41: {  	_ =	swait.ge [sflag:s30], $0x1900  }
0x42: {  	[sflag:s30] =	ssyncset.done $0x0  }
0x43: {  	s15 =	rddreg [dreg:$0x4];
	[sflag:s30] =	ssyncadd.s32 $0xFFFFE700  }
0x44: {  	[tilespmem:s31], [sflag:$0x5] =	stream.linear.gather [hbm4b:s15+s29], $0x1900, $0x38;
	[tilespmem:$0x1C200] =	vst v63  }
0x45: {  	_ =	swait.ge [sflag:s30], $0x1900  }
0x46: {  	[sflag:s30] =	ssyncset.done $0x0  }
0x47: {  	[sflag:s30] =	ssyncadd.s32 $0xFFFFE700  }
0x48: {  	[tilespmem:s11], [sflag:$0x1] =	stream.indirect.gather [hbm4b:s2+s4], $0x40, s29, s4, $0xb8;
	[tilespmem:$0x1C200] =	vst v63  }
0x49: {  	_ = 	snop  }
0x4a: {  	[tilespmem:s12], [sflag:$0x1] =	stream.indirect.gather [hbm4b:s3+s4], $0x40, s31, s4, $0xb8;
	[tilespmem:$0x1C200] =	vst v63  }
0x4b: {  	_ =	swait.ge [sflag:s14], $0x6400  }
0x4c: {  	[sflag:s14] =	ssyncset.done $0x0  }
0x4d: {  	[sflag:s14] =	ssyncadd.s32 $0xFFFF9C00  }
0x4e: {  	_ =	swait.ge [sflag:s14], $0x6400  }
0x4f: {  	[sflag:s14] =	ssyncset.done $0x0  }
0x50: {  	[sflag:s14] =	ssyncadd.s32 $0xFFFF9C00  }
0x51: {  	[hbm4b:s28+s5] =	stream.strided.scatter [tilespmem:s11], [sflag:$0x3], $0x6400, s6, s5, $0x38;
	[tilespmem:$0x1C200] =	vst v63  }
0x52: {  	s15 =	rddreg [dreg:$0x5]  }
0x53: {  	[hbm4b:s15+s5] =	stream.strided.scatter [tilespmem:s12], [sflag:$0x3], $0x6400, s6, s5, $0x38;
	[tilespmem:$0x1C200] =	vst v63  }
0x54: {  	s15 =	sld [smem:$0x7ED]  }
0x55: {  	[tilespmem:s8], [sflag:$0x2] =	stream.indirect.gather [hbm4b:s2+s4], $0x40, s4, s4, $0xb8;
	[tilespmem:$0x1C200] =	vst v63  }
0x56: {  	_ = 	snop  }
0x57: {  	[tilespmem:s9], [sflag:$0x2] =	stream.indirect.gather [hbm4b:s3+s4], $0x40, s15, s4, $0xb8;
	[tilespmem:$0x1C200] =	vst v63  }
0x58: {  	_ =	swait.ge [sflag:s13], $0x6400  }
0x59: {  	[sflag:s13] =	ssyncset.done $0x0  }
0x5a: {  	[sflag:s13] =	ssyncadd.s32 $0xFFFF9C00  }
0x5b: {  	_ =	swait.ge [sflag:s13], $0x6400  }
0x5c: {  	[sflag:s13] =	ssyncset.done $0x0  }
0x5d: {  	s0 =	rddreg [dreg:$0x6];
	[sflag:s13] =	ssyncadd.s32 $0xFFFF9C00  }
0x5e: {  	[hbm4b:s0+s5] =	stream.strided.scatter [tilespmem:s8], [sflag:$0x4], $0x6400, s6, s5, $0x38;
	[tilespmem:$0x1C200] =	vst v63  }
0x5f: {  	s15 =	smov.u32 s1;
	s1 =	rddreg [dreg:$0x7]  }
0x60: {  	[hbm4b:s1+s5] =	stream.strided.scatter [tilespmem:s9], [sflag:$0x4], $0x6400, s6, s5, $0x38;
	[tilespmem:$0x1C200] =	vst v63  }
0x61: {  	_ =	swait.ge [sflag:s10], $0x6400  }
0x62: {  	[sflag:s10] =	ssyncset.done $0x0  }
0x63: {  	[sflag:s10] =	ssyncadd.s32 $0xFFFF9C00  }
0x64: {  	_ =	swait.ge [sflag:s10], $0x6400  }
0x65: {  	s0 =	sld [smem:$0x7EE]  }
0x66: {  	[sflag:s10] =	ssyncset.done $0x0  }
0x67: {  	s1 =	sld [smem:$0x7EF];
	[sflag:s10] =	ssyncadd.s32 $0xFFFF9C00  }
0x68: {  	[tilespmem:s11], [sflag:$0x1] =	stream.indirect.gather [hbm4b:s2+s4], $0x40, s0, s4, $0xb8;
	[tilespmem:$0x1C200] =	vst v63  }
0x69: {  	_ = 	snop  }
0x6a: {  	[tilespmem:s12], [sflag:$0x1] =	stream.indirect.gather [hbm4b:s3+s4], $0x40, s1, s4, $0xb8;
	[tilespmem:$0x1C200] =	vst v63  }
0x6b: {  	_ =	swait.ge [sflag:s14], $0x6400  }
0x6c: {  	[sflag:s14] =	ssyncset.done $0x0  }
0x6d: {  	[sflag:s14] =	ssyncadd.s32 $0xFFFF9C00  }
0x6e: {  	_ =	swait.ge [sflag:s14], $0x6400  }
0x6f: {  	[sflag:s14] =	ssyncset.done $0x0  }
0x70: {  	s0 =	rddreg [dreg:$0x8];
	[sflag:s14] =	ssyncadd.s32 $0xFFFF9C00  }
0x71: {  	[hbm4b:s0+s5] =	stream.strided.scatter [tilespmem:s11], [sflag:$0x3], $0x6400, s6, s5, $0x38;
	[tilespmem:$0x1C200] =	vst v63  }
0x72: {  	s1 =	rddreg [dreg:$0x9]  }
0x73: {  	[hbm4b:s1+s5] =	stream.strided.scatter [tilespmem:s12], [sflag:$0x3], $0x6400, s6, s5, $0x38;
	[tilespmem:$0x1C200] =	vst v63  }
0x74: {  	_ =	swait.ge [sflag:s7], $0x6400  }
0x75: {  	[sflag:s7] =	ssyncset.done $0x0  }
0x76: {  	[sflag:s7] =	ssyncadd.s32 $0xFFFF9C00  }
0x77: {  	_ =	swait.ge [sflag:s7], $0x6400  }
0x78: {  	s0 =	sld [smem:$0x7F0]  }
0x79: {  	[sflag:s7] =	ssyncset.done $0x0  }
0x7a: {  	s1 =	sld [smem:$0x7F1];
	[sflag:s7] =	ssyncadd.s32 $0xFFFF9C00  }
0x7b: {  	[tilespmem:s8], [sflag:$0x2] =	stream.indirect.gather [hbm4b:s2+s4], $0x40, s0, s4, $0xb8;
	[tilespmem:$0x1C200] =	vst v63  }
0x7c: {  	_ = 	snop  }
0x7d: {  	[tilespmem:s9], [sflag:$0x2] =	stream.indirect.gather [hbm4b:s3+s4], $0x40, s1, s4, $0xb8;
	[tilespmem:$0x1C200] =	vst v63  }
0x7e: {  	_ =	swait.ge [sflag:s13], $0x6400  }
0x7f: {  	[sflag:s13] =	ssyncset.done $0x0  }
0x80: {  	[sflag:s13] =	ssyncadd.s32 $0xFFFF9C00  }
0x81: {  	_ =	swait.ge [sflag:s13], $0x6400  }
0x82: {  	[sflag:s13] =	ssyncset.done $0x0  }
0x83: {  	s0 =	rddreg [dreg:$0xa];
	[sflag:s13] =	ssyncadd.s32 $0xFFFF9C00  }
0x84: {  	[hbm4b:s0+s5] =	stream.strided.scatter [tilespmem:s8], [sflag:$0x4], $0x6400, s6, s5, $0x38;
	[tilespmem:$0x1C200] =	vst v63  }
0x85: {  	s1 =	rddreg [dreg:$0xb]  }
0x86: {  	[hbm4b:s1+s5] =	stream.strided.scatter [tilespmem:s9], [sflag:$0x4], $0x6400, s6, s5, $0x38;
	[tilespmem:$0x1C200] =	vst v63  }
0x87: {  	_ =	swait.ge [sflag:s10], $0x6400  }
0x88: {  	[sflag:s10] =	ssyncset.done $0x0  }
0x89: {  	[sflag:s10] =	ssyncadd.s32 $0xFFFF9C00  }
0x8a: {  	_ =	swait.ge [sflag:s10], $0x6400  }
0x8b: {  	s0 =	sld [smem:$0x7F2]  }
0x8c: {  	[sflag:s10] =	ssyncset.done $0x0  }
0x8d: {  	s1 =	sld [smem:$0x7F3];
	[sflag:s10] =	ssyncadd.s32 $0xFFFF9C00  }
0x8e: {  	[tilespmem:s11], [sflag:$0x1] =	stream.indirect.gather [hbm4b:s2+s4], $0x40, s0, s4, $0xb8;
	[tilespmem:$0x1C200] =	vst v63  }
0x8f: {  	_ = 	snop  }
0x90: {  	[tilespmem:s12], [sflag:$0x1] =	stream.indirect.gather [hbm4b:s3+s4], $0x40, s1, s4, $0xb8;
	[tilespmem:$0x1C200] =	vst v63  }
0x91: {  	_ =	swait.ge [sflag:s14], $0x6400  }
0x92: {  	[sflag:s14] =	ssyncset.done $0x0  }
0x93: {  	[sflag:s14] =	ssyncadd.s32 $0xFFFF9C00  }
0x94: {  	_ =	swait.ge [sflag:s14], $0x6400  }
0x95: {  	[sflag:s14] =	ssyncset.done $0x0  }
0x96: {  	s0 =	rddreg [dreg:$0xc];
	[sflag:s14] =	ssyncadd.s32 $0xFFFF9C00  }
0x97: {  	[hbm4b:s0+s5] =	stream.strided.scatter [tilespmem:s11], [sflag:$0x3], $0x6400, s6, s5, $0x38;
	[tilespmem:$0x1C200] =	vst v63  }
0x98: {  	s1 =	rddreg [dreg:$0xd]  }
0x99: {  	[hbm4b:s1+s5] =	stream.strided.scatter [tilespmem:s12], [sflag:$0x3], $0x6400, s6, s5, $0x38;
	[tilespmem:$0x1C200] =	vst v63  }
0x9a: {  	_ =	swait.ge [sflag:s7], $0x6400  }
0x9b: {  	[sflag:s7] =	ssyncset.done $0x0  }
0x9c: {  	[sflag:s7] =	ssyncadd.s32 $0xFFFF9C00  }
0x9d: {  	_ =	swait.ge [sflag:s7], $0x6400  }
0x9e: {  	s0 =	sld [smem:$0x7F4]  }
0x9f: {  	[sflag:s7] =	ssyncset.done $0x0  }
0xa0: {  	s1 =	sld [smem:$0x7F5];
	[sflag:s7] =	ssyncadd.s32 $0xFFFF9C00  }
0xa1: {  	[tilespmem:s8], [sflag:$0x2] =	stream.indirect.gather [hbm4b:s2+s4], $0x40, s0, s4, $0xb8;
	[tilespmem:$0x1C200] =	vst v63  }
0xa2: {  	_ = 	snop  }
0xa3: {  	[tilespmem:s9], [sflag:$0x2] =	stream.indirect.gather [hbm4b:s3+s4], $0x40, s1, s4, $0xb8;
	[tilespmem:$0x1C200] =	vst v63  }
0xa4: {  	_ =	swait.ge [sflag:s13], $0x6400  }
0xa5: {  	[sflag:s13] =	ssyncset.done $0x0  }
0xa6: {  	[sflag:s13] =	ssyncadd.s32 $0xFFFF9C00  }
0xa7: {  	_ =	swait.ge [sflag:s13], $0x6400  }
0xa8: {  	[sflag:s13] =	ssyncset.done $0x0  }
0xa9: {  	s0 =	rddreg [dreg:$0xe];
	[sflag:s13] =	ssyncadd.s32 $0xFFFF9C00  }
0xaa: {  	[hbm4b:s0+s5] =	stream.strided.scatter [tilespmem:s8], [sflag:$0x4], $0x6400, s6, s5, $0x38;
	[tilespmem:$0x1C200] =	vst v63  }
0xab: {  	s1 =	rddreg [dreg:$0xf]  }
0xac: {  	[hbm4b:s1+s5] =	stream.strided.scatter [tilespmem:s9], [sflag:$0x4], $0x6400, s6, s5, $0x38;
	[tilespmem:$0x1C200] =	vst v63  }
0xad: {  	_ =	swait.ge [sflag:s10], $0x6400  }
0xae: {  	[sflag:s10] =	ssyncset.done $0x0  }
0xaf: {  	[sflag:s10] =	ssyncadd.s32 $0xFFFF9C00  }
0xb0: {  	_ =	swait.ge [sflag:s10], $0x6400  }
0xb1: {  	s0 =	sld [smem:$0x7F6]  }
0xb2: {  	[sflag:s10] =	ssyncset.done $0x0  }
0xb3: {  	s1 =	sld [smem:$0x7F7];
	[sflag:s10] =	ssyncadd.s32 $0xFFFF9C00  }
0xb4: {  	[tilespmem:s11], [sflag:$0x1] =	stream.indirect.gather [hbm4b:s2+s4], $0x40, s0, s4, $0xb8;
	[tilespmem:$0x1C200] =	vst v63  }
0xb5: {  	_ = 	snop  }
0xb6: {  	[tilespmem:s12], [sflag:$0x1] =	stream.indirect.gather [hbm4b:s3+s4], $0x40, s1, s4, $0xb8;
	[tilespmem:$0x1C200] =	vst v63  }
0xb7: {  	_ =	swait.ge [sflag:s14], $0x6400  }
0xb8: {  	[sflag:s14] =	ssyncset.done $0x0  }
0xb9: {  	[sflag:s14] =	ssyncadd.s32 $0xFFFF9C00  }
0xba: {  	_ =	swait.ge [sflag:s14], $0x6400  }
0xbb: {  	[sflag:s14] =	ssyncset.done $0x0  }
0xbc: {  	s0 =	rddreg [dreg:$0x10];
	[sflag:s14] =	ssyncadd.s32 $0xFFFF9C00  }
0xbd: {  	[hbm4b:s0+s5] =	stream.strided.scatter [tilespmem:s11], [sflag:$0x3], $0x6400, s6, s5, $0x38;
	[tilespmem:$0x1C200] =	vst v63  }
0xbe: {  	s1 =	rddreg [dreg:$0x11]  }
0xbf: {  	[hbm4b:s1+s5] =	stream.strided.scatter [tilespmem:s12], [sflag:$0x3], $0x6400, s6, s5, $0x38;
	[tilespmem:$0x1C200] =	vst v63  }
0xc0: {  	_ =	swait.ge [sflag:s7], $0x6400  }
0xc1: {  	[sflag:s7] =	ssyncset.done $0x0  }
0xc2: {  	[sflag:s7] =	ssyncadd.s32 $0xFFFF9C00  }
0xc3: {  	_ =	swait.ge [sflag:s7], $0x6400  }
0xc4: {  	s0 =	sld [smem:$0x7F8]  }
0xc5: {  	[sflag:s7] =	ssyncset.done $0x0  }
0xc6: {  	s1 =	sld [smem:$0x7F9];
	[sflag:s7] =	ssyncadd.s32 $0xFFFF9C00  }
0xc7: {  	[tilespmem:s8], [sflag:$0x2] =	stream.indirect.gather [hbm4b:s2+s4], $0x40, s0, s4, $0xb8;
	[tilespmem:$0x1C200] =	vst v63  }
0xc8: {  	_ = 	snop  }
0xc9: {  	[tilespmem:s9], [sflag:$0x2] =	stream.indirect.gather [hbm4b:s3+s4], $0x40, s1, s4, $0xb8;
	[tilespmem:$0x1C200] =	vst v63  }
0xca: {  	_ =	swait.ge [sflag:s13], $0x6400  }
0xcb: {  	[sflag:s13] =	ssyncset.done $0x0  }
0xcc: {  	[sflag:s13] =	ssyncadd.s32 $0xFFFF9C00  }
0xcd: {  	_ =	swait.ge [sflag:s13], $0x6400  }
0xce: {  	[sflag:s13] =	ssyncset.done $0x0  }
0xcf: {  	s0 =	rddreg [dreg:$0x12];
	[sflag:s13] =	ssyncadd.s32 $0xFFFF9C00  }
0xd0: {  	[hbm4b:s0+s5] =	stream.strided.scatter [tilespmem:s8], [sflag:$0x4], $0x6400, s6, s5, $0x38;
	[tilespmem:$0x1C200] =	vst v63  }
0xd1: {  	s1 =	rddreg [dreg:$0x13]  }
0xd2: {  	[hbm4b:s1+s5] =	stream.strided.scatter [tilespmem:s9], [sflag:$0x4], $0x6400, s6, s5, $0x38;
	[tilespmem:$0x1C200] =	vst v63  }
0xd3: {  	_ =	swait.ge [sflag:s10], $0x6400  }
0xd4: {  	[sflag:s10] =	ssyncset.done $0x0  }
0xd5: {  	[sflag:s10] =	ssyncadd.s32 $0xFFFF9C00  }
0xd6: {  	_ =	swait.ge [sflag:s10], $0x6400  }
0xd7: {  	s0 =	sld [smem:$0x7FA]  }
0xd8: {  	[sflag:s10] =	ssyncset.done $0x0  }
0xd9: {  	s1 =	sld [smem:$0x7FB];
	[sflag:s10] =	ssyncadd.s32 $0xFFFF9C00  }
0xda: {  	[tilespmem:s11], [sflag:$0x1] =	stream.indirect.gather [hbm4b:s2+s4], $0x40, s0, s4, $0xb8;
	[tilespmem:$0x1C200] =	vst v63  }
0xdb: {  	_ = 	snop  }
0xdc: {  	[tilespmem:s12], [sflag:$0x1] =	stream.indirect.gather [hbm4b:s3+s4], $0x40, s1, s4, $0xb8;
	[tilespmem:$0x1C200] =	vst v63  }
0xdd: {  	_ =	swait.ge [sflag:s14], $0x6400  }
0xde: {  	[sflag:s14] =	ssyncset.done $0x0  }
0xdf: {  	[sflag:s14] =	ssyncadd.s32 $0xFFFF9C00  }
0xe0: {  	_ =	swait.ge [sflag:s14], $0x6400  }
0xe1: {  	[sflag:s14] =	ssyncset.done $0x0  }
0xe2: {  	s0 =	rddreg [dreg:$0x14];
	[sflag:s14] =	ssyncadd.s32 $0xFFFF9C00  }
0xe3: {  	[hbm4b:s0+s5] =	stream.strided.scatter [tilespmem:s11], [sflag:$0x3], $0x6400, s6, s5, $0x38;
	[tilespmem:$0x1C200] =	vst v63  }
0xe4: {  	s1 =	rddreg [dreg:$0x15]  }
0xe5: {  	[hbm4b:s1+s5] =	stream.strided.scatter [tilespmem:s12], [sflag:$0x3], $0x6400, s6, s5, $0x38;
	[tilespmem:$0x1C200] =	vst v63  }
0xe6: {  	_ =	swait.ge [sflag:s7], $0x6400  }
0xe7: {  	[sflag:s7] =	ssyncset.done $0x0  }
0xe8: {  	[sflag:s7] =	ssyncadd.s32 $0xFFFF9C00  }
0xe9: {  	_ =	swait.ge [sflag:s7], $0x6400  }
0xea: {  	s0 =	sld [smem:$0x7FC]  }
0xeb: {  	[sflag:s7] =	ssyncset.done $0x0  }
0xec: {  	s1 =	sld [smem:$0x7FD];
	[sflag:s7] =	ssyncadd.s32 $0xFFFF9C00  }
0xed: {  	[tilespmem:s8], [sflag:$0x2] =	stream.indirect.gather [hbm4b:s2+s4], $0x40, s0, s4, $0xb8;
	[tilespmem:$0x1C200] =	vst v63  }
0xee: {  	_ = 	snop  }
0xef: {  	[tilespmem:s9], [sflag:$0x2] =	stream.indirect.gather [hbm4b:s3+s4], $0x40, s1, s4, $0xb8;
	[tilespmem:$0x1C200] =	vst v63  }
0xf0: {  	_ =	swait.ge [sflag:s13], $0x6400  }
0xf1: {  	[sflag:s13] =	ssyncset.done $0x0  }
0xf2: {  	[sflag:s13] =	ssyncadd.s32 $0xFFFF9C00  }
0xf3: {  	_ =	swait.ge [sflag:s13], $0x6400  }
0xf4: {  	[sflag:s13] =	ssyncset.done $0x0  }
0xf5: {  	s0 =	rddreg [dreg:$0x16];
	[sflag:s13] =	ssyncadd.s32 $0xFFFF9C00  }
0xf6: {  	[hbm4b:s0+s5] =	stream.strided.scatter [tilespmem:s8], [sflag:$0x4], $0x6400, s6, s5, $0x38;
	[tilespmem:$0x1C200] =	vst v63  }
0xf7: {  	s1 =	rddreg [dreg:$0x17]  }
0xf8: {  	[hbm4b:s1+s5] =	stream.strided.scatter [tilespmem:s9], [sflag:$0x4], $0x6400, s6, s5, $0x38;
	[tilespmem:$0x1C200] =	vst v63  }
0xf9: {  	_ =	swait.ge [sflag:s10], $0x6400  }
0xfa: {  	[sflag:s10] =	ssyncset.done $0x0  }
0xfb: {  	[sflag:s10] =	ssyncadd.s32 $0xFFFF9C00  }
0xfc: {  	_ =	swait.ge [sflag:s10], $0x6400  }
0xfd: {  	[sflag:s10] =	ssyncset.done $0x0  }
0xfe: {  	[sflag:s10] =	ssyncadd.s32 $0xFFFF9C00  }
0xff: {  	[tilespmem:s11], [sflag:$0x1] =	stream.indirect.gather [hbm4b:s2+s4], $0x40, s26, s4, $0xb8;
	[tilespmem:$0x1C200] =	vst v63  }
0x100: {  	_ = 	snop  }
0x101: {  	[tilespmem:s12], [sflag:$0x1] =	stream.indirect.gather [hbm4b:s3+s4], $0x40, s22, s4, $0xb8;
	[tilespmem:$0x1C200] =	vst v63  }
0x102: {  	_ =	swait.ge [sflag:s14], $0x6400  }
0x103: {  	[sflag:s14] =	ssyncset.done $0x0  }
0x104: {  	[sflag:s14] =	ssyncadd.s32 $0xFFFF9C00  }
0x105: {  	_ =	swait.ge [sflag:s14], $0x6400  }
0x106: {  	[sflag:s14] =	ssyncset.done $0x0  }
0x107: {  	s0 =	rddreg [dreg:$0x18];
	[sflag:s14] =	ssyncadd.s32 $0xFFFF9C00  }
0x108: {  	[hbm4b:s0+s5] =	stream.strided.scatter [tilespmem:s11], [sflag:$0x3], $0x6400, s6, s5, $0x38;
	[tilespmem:$0x1C200] =	vst v63  }
0x109: {  	s1 =	rddreg [dreg:$0x19]  }
0x10a: {  	[hbm4b:s1+s5] =	stream.strided.scatter [tilespmem:s12], [sflag:$0x3], $0x6400, s6, s5, $0x38;
	[tilespmem:$0x1C200] =	vst v63  }
0x10b: {  	_ =	swait.ge [sflag:s7], $0x6400  }
0x10c: {  	[sflag:s7] =	ssyncset.done $0x0  }
0x10d: {  	[sflag:s7] =	ssyncadd.s32 $0xFFFF9C00  }
0x10e: {  	_ =	swait.ge [sflag:s7], $0x6400  }
0x10f: {  	[sflag:s7] =	ssyncset.done $0x0  }
0x110: {  	[sflag:s7] =	ssyncadd.s32 $0xFFFF9C00  }
0x111: {  	[tilespmem:s8], [sflag:$0x2] =	stream.indirect.gather [hbm4b:s2+s4], $0x40, s24, s4, $0xb8;
	[tilespmem:$0x1C200] =	vst v63  }
0x112: {  	_ = 	snop  }
0x113: {  	[tilespmem:s9], [sflag:$0x2] =	stream.indirect.gather [hbm4b:s3+s4], $0x40, s25, s4, $0xb8;
	[tilespmem:$0x1C200] =	vst v63  }
0x114: {  	_ =	swait.ge [sflag:s13], $0x6400  }
0x115: {  	[sflag:s13] =	ssyncset.done $0x0  }
0x116: {  	[sflag:s13] =	ssyncadd.s32 $0xFFFF9C00  }
0x117: {  	_ =	swait.ge [sflag:s13], $0x6400  }
0x118: {  	[sflag:s13] =	ssyncset.done $0x0  }
0x119: {  	s0 =	rddreg [dreg:$0x1a];
	[sflag:s13] =	ssyncadd.s32 $0xFFFF9C00  }
0x11a: {  	[hbm4b:s0+s5] =	stream.strided.scatter [tilespmem:s8], [sflag:$0x4], $0x6400, s6, s5, $0x38;
	[tilespmem:$0x1C200] =	vst v63  }
0x11b: {  	s1 =	rddreg [dreg:$0x1b]  }
0x11c: {  	[hbm4b:s1+s5] =	stream.strided.scatter [tilespmem:s9], [sflag:$0x4], $0x6400, s6, s5, $0x38;
	[tilespmem:$0x1C200] =	vst v63  }
0x11d: {  	_ =	swait.ge [sflag:s10], $0x6400  }
0x11e: {  	[sflag:s10] =	ssyncset.done $0x0  }
0x11f: {  	[sflag:s10] =	ssyncadd.s32 $0xFFFF9C00  }
0x120: {  	_ =	swait.ge [sflag:s10], $0x6400  }
0x121: {  	[sflag:s10] =	ssyncset.done $0x0  }
0x122: {  	s1 =	simm.s32 $0x12C0;
	[sflag:s10] =	ssyncadd.s32 $0xFFFF9C00  }
0x123: {  	[tilespmem:s11], [sflag:$0x1] =	stream.indirect.gather [hbm4b:s2+s4], $0x40, s1, s4, $0xb8;
	[tilespmem:$0x1C200] =	vst v63  }
0x124: {  	_ = 	snop  }
0x125: {  	[tilespmem:s12], [sflag:$0x1] =	stream.indirect.gather [hbm4b:s3+s4], $0x40, s23, s4, $0xb8;
	[tilespmem:$0x1C200] =	vst v63  }
0x126: {  	_ =	swait.ge [sflag:s14], $0x6400  }
0x127: {  	[sflag:s14] =	ssyncset.done $0x0  }
0x128: {  	[sflag:s14] =	ssyncadd.s32 $0xFFFF9C00  }
0x129: {  	_ =	swait.ge [sflag:s14], $0x6400  }
0x12a: {  	[sflag:s14] =	ssyncset.done $0x0  }
0x12b: {  	s0 =	rddreg [dreg:$0x1c];
	[sflag:s14] =	ssyncadd.s32 $0xFFFF9C00  }
0x12c: {  	[hbm4b:s0+s5] =	stream.strided.scatter [tilespmem:s11], [sflag:$0x3], $0x6400, s6, s5, $0x38;
	[tilespmem:$0x1C200] =	vst v63  }
0x12d: {  	s1 =	rddreg [dreg:$0x1d]  }
0x12e: {  	[hbm4b:s1+s5] =	stream.strided.scatter [tilespmem:s12], [sflag:$0x3], $0x6400, s6, s5, $0x38;
	[tilespmem:$0x1C200] =	vst v63  }
0x12f: {  	_ =	swait.ge [sflag:s7], $0x6400  }
0x130: {  	[sflag:s7] =	ssyncset.done $0x0  }
0x131: {  	[sflag:s7] =	ssyncadd.s32 $0xFFFF9C00  }
0x132: {  	_ =	swait.ge [sflag:s7], $0x6400  }
0x133: {  	[sflag:s7] =	ssyncset.done $0x0  }
0x134: {  	[sflag:s7] =	ssyncadd.s32 $0xFFFF9C00  }
0x135: {  	[tilespmem:s8], [sflag:$0x2] =	stream.indirect.gather [hbm4b:s2+s4], $0x40, s20, s4, $0xb8;
	[tilespmem:$0x1C200] =	vst v63  }
0x136: {  	_ = 	snop  }
0x137: {  	[tilespmem:s9], [sflag:$0x2] =	stream.indirect.gather [hbm4b:s3+s4], $0x40, s21, s4, $0xb8;
	[tilespmem:$0x1C200] =	vst v63  }
0x138: {  	_ =	swait.ge [sflag:s13], $0x6400  }
0x139: {  	[sflag:s13] =	ssyncset.done $0x0  }
0x13a: {  	[sflag:s13] =	ssyncadd.s32 $0xFFFF9C00  }
0x13b: {  	_ =	swait.ge [sflag:s13], $0x6400  }
0x13c: {  	[sflag:s13] =	ssyncset.done $0x0  }
0x13d: {  	s0 =	rddreg [dreg:$0x1e];
	[sflag:s13] =	ssyncadd.s32 $0xFFFF9C00  }
0x13e: {  	[hbm4b:s0+s5] =	stream.strided.scatter [tilespmem:s8], [sflag:$0x4], $0x6400, s6, s5, $0x38;
	[tilespmem:$0x1C200] =	vst v63  }
0x13f: {  	s1 =	rddreg [dreg:$0x1f]  }
0x140: {  	[hbm4b:s1+s5] =	stream.strided.scatter [tilespmem:s9], [sflag:$0x4], $0x6400, s6, s5, $0x38;
	[tilespmem:$0x1C200] =	vst v63  }
0x141: {  	_ =	swait.ge [sflag:s10], $0x6400  }
0x142: {  	[sflag:s10] =	ssyncset.done $0x0  }
0x143: {  	[sflag:s10] =	ssyncadd.s32 $0xFFFF9C00  }
0x144: {  	_ =	swait.ge [sflag:s10], $0x6400  }
0x145: {  	[sflag:s10] =	ssyncset.done $0x0  }
0x146: {  	[sflag:s10] =	ssyncadd.s32 $0xFFFF9C00  }
0x147: {  	[tilespmem:s11], [sflag:$0x1] =	stream.indirect.gather [hbm4b:s2+s4], $0x40, s18, s4, $0xb8;
	[tilespmem:$0x1C200] =	vst v63  }
0x148: {  	_ = 	snop  }
0x149: {  	[tilespmem:s12], [sflag:$0x1] =	stream.indirect.gather [hbm4b:s3+s4], $0x40, s19, s4, $0xb8;
	[tilespmem:$0x1C200] =	vst v63  }
0x14a: {  	_ =	swait.ge [sflag:s14], $0x6400  }
0x14b: {  	[sflag:s14] =	ssyncset.done $0x0  }
0x14c: {  	[sflag:s14] =	ssyncadd.s32 $0xFFFF9C00  }
0x14d: {  	_ =	swait.ge [sflag:s14], $0x6400  }
0x14e: {  	s0 =	sld [smem:$0x7E9]  }
0x14f: {  	[sflag:s14] =	ssyncset.done $0x0  }
0x150: {  	s1 =	sld [smem:$0x7EA];
	[sflag:s14] =	ssyncadd.s32 $0xFFFF9C00  }
0x151: {  	[hbm4b:s0+s5] =	stream.strided.scatter [tilespmem:s11], [sflag:$0x3], $0x6400, s6, s5, $0x38;
	[tilespmem:$0x1C200] =	vst v63  }
0x152: {  	_ = 	snop  }
0x153: {  	[hbm4b:s1+s5] =	stream.strided.scatter [tilespmem:s12], [sflag:$0x3], $0x6400, s6, s5, $0x38;
	[tilespmem:$0x1C200] =	vst v63  }
0x154: {  	_ =	swait.ge [sflag:s7], $0x6400  }
0x155: {  	[sflag:s7] =	ssyncset.done $0x0  }
0x156: {  	[sflag:s7] =	ssyncadd.s32 $0xFFFF9C00  }
0x157: {  	_ =	swait.ge [sflag:s7], $0x6400  }
0x158: {  	[sflag:s7] =	ssyncset.done $0x0  }
0x159: {  	[sflag:s7] =	ssyncadd.s32 $0xFFFF9C00  }
0x15a: {  	[tilespmem:s8], [sflag:$0x2] =	stream.indirect.gather [hbm4b:s2+s4], $0x40, s16, s4, $0xb8;
	[tilespmem:$0x1C200] =	vst v63  }
0x15b: {  	_ = 	snop  }
0x15c: {  	[tilespmem:s9], [sflag:$0x2] =	stream.indirect.gather [hbm4b:s3+s4], $0x40, s17, s4, $0xb8;
	[tilespmem:$0x1C200] =	vst v63  }
0x15d: {  	_ =	swait.ge [sflag:s13], $0x6400  }
0x15e: {  	[sflag:s13] =	ssyncset.done $0x0  }
0x15f: {  	[sflag:s13] =	ssyncadd.s32 $0xFFFF9C00  }
0x160: {  	_ =	swait.ge [sflag:s13], $0x6400  }
0x161: {  	s0 =	sld [smem:$0x7EB]  }
0x162: {  	[sflag:s13] =	ssyncset.done $0x0  }
0x163: {  	s1 =	sld [smem:$0x7EC];
	[sflag:s13] =	ssyncadd.s32 $0xFFFF9C00  }
0x164: {  	[hbm4b:s0+s5] =	stream.strided.scatter [tilespmem:s8], [sflag:$0x4], $0x6400, s6, s5, $0x38;
	[tilespmem:$0x1C200] =	vst v63  }
0x165: {  	_ = 	snop  }
0x166: {  	[hbm4b:s1+s5] =	stream.strided.scatter [tilespmem:s9], [sflag:$0x4], $0x6400, s6, s5, $0x38;
	[tilespmem:$0x1C200] =	vst v63  }
0x167: {  	_ =	swait.ge [sflag:s10], $0x6400  }
0x168: {  	[sflag:s10] =	ssyncset.done $0x0  }
0x169: {  	[sflag:s10] =	ssyncadd.s32 $0xFFFF9C00  }
0x16a: {  	_ =	swait.ge [sflag:s10], $0x6400  }
0x16b: {  	[sflag:s10] =	ssyncset.done $0x0  }
0x16c: {  	p1 =	sne.s32 s15, $0x1;
	[sflag:s10] =	ssyncadd.s32 $0xFFFF9C00  }
.Ltmp1:
0x16d: {  	_ =	swait.ge [sflag:s7], $0x6400;
	(pc) =	sbr.rel @!p1 .LBB2_3-.Ltmp1, $4  }
0x16e: {  	[sflag:s7] =	ssyncset.done $0x0  }
0x16f: {  	[sflag:s7] =	ssyncadd.s32 $0xFFFF9C00  }
0x170: {  	p0 =	por $0x1, $0x1;
	_ =	swait.ge [sflag:s7], $0x6400  }
0x171: {  	s1 =	sadd.s32 $0xFFFFFFFF, s15;
	s0 =	rddreg [dreg:$0x3];
	[sflag:s7] =	ssyncset.done $0x0  }
.LBB2_4:
0x172: {  	[sflag:s7] =	ssyncadd.s32 $0xFFFF9C00  }
0x173: {  	[tilespmem:s29], [sflag:$0x5] =	stream.linear.gather [hbm4b:s0+s29], $0x1900, $0x38;
	[tilespmem:$0x1C200] =	vst v63  }
0x174: {  	_ =	swait.ge [sflag:s30], $0x1900  }
0x175: {  	[sflag:s30] =	ssyncset.done $0x0  }
0x176: {  	s15 =	rddreg [dreg:$0x4];
	[sflag:s30] =	ssyncadd.s32 $0xFFFFE700  }
0x177: {  	[tilespmem:s31], [sflag:$0x5] =	stream.linear.gather [hbm4b:s15+s29], $0x1900, $0x38;
	[tilespmem:$0x1C200] =	vst v63  }
0x178: {  	_ =	swait.ge [sflag:s30], $0x1900  }
0x179: {  	[sflag:s30] =	ssyncset.done $0x0  }
0x17a: {  	[sflag:s30] =	ssyncadd.s32 $0xFFFFE700  }
0x17b: {  	[tilespmem:s11], [sflag:$0x1] =	stream.indirect.gather [hbm4b:s2+s4], $0x40, s29, s4, $0xb8;
	[tilespmem:$0x1C200] =	vst v63  }
0x17c: {  	_ = 	snop  }
0x17d: {  	[tilespmem:s12], [sflag:$0x1] =	stream.indirect.gather [hbm4b:s3+s4], $0x40, s31, s4, $0xb8;
	[tilespmem:$0x1C200] =	vst v63  }
0x17e: {  	_ =	swait.ge [sflag:s14], $0x6400  }
0x17f: {  	[sflag:s14] =	ssyncset.done $0x0  }
0x180: {  	[sflag:s14] =	ssyncadd.s32 $0xFFFF9C00  }
0x181: {  	_ =	swait.ge [sflag:s14], $0x6400  }
0x182: {  	[sflag:s14] =	ssyncset.done $0x0  }
0x183: {  	[sflag:s14] =	ssyncadd.s32 $0xFFFF9C00  }
0x184: {  	[hbm4b:s28+s5] =	stream.strided.scatter [tilespmem:s11], [sflag:$0x3], $0x6400, s6, s5, $0x38;
	[tilespmem:$0x1C200] =	vst v63  }
0x185: {  	s15 =	rddreg [dreg:$0x5]  }
0x186: {  	[hbm4b:s15+s5] =	stream.strided.scatter [tilespmem:s12], [sflag:$0x3], $0x6400, s6, s5, $0x38;
	[tilespmem:$0x1C200] =	vst v63  }
0x187: {  	s15 =	sld [smem:$0x7ED]  }
0x188: {  	[tilespmem:s8], [sflag:$0x2] =	stream.indirect.gather [hbm4b:s2+s4], $0x40, s4, s4, $0xb8;
	[tilespmem:$0x1C200] =	vst v63  }
0x189: {  	_ = 	snop  }
0x18a: {  	[tilespmem:s9], [sflag:$0x2] =	stream.indirect.gather [hbm4b:s3+s4], $0x40, s15, s4, $0xb8;
	[tilespmem:$0x1C200] =	vst v63  }
0x18b: {  	_ =	swait.ge [sflag:s13], $0x6400  }
0x18c: {  	[sflag:s13] =	ssyncset.done $0x0  }
0x18d: {  	[sflag:s13] =	ssyncadd.s32 $0xFFFF9C00  }
0x18e: {  	_ =	swait.ge [sflag:s13], $0x6400  }
0x18f: {  	[sflag:s13] =	ssyncset.done $0x0  }
0x190: {  	s0 =	rddreg [dreg:$0x6];
	[sflag:s13] =	ssyncadd.s32 $0xFFFF9C00  }
0x191: {  	[hbm4b:s0+s5] =	stream.strided.scatter [tilespmem:s8], [sflag:$0x4], $0x6400, s6, s5, $0x38;
	[tilespmem:$0x1C200] =	vst v63  }
0x192: {  	s15 =	rddreg [dreg:$0x7]  }
0x193: {  	[hbm4b:s15+s5] =	stream.strided.scatter [tilespmem:s9], [sflag:$0x4], $0x6400, s6, s5, $0x38;
	[tilespmem:$0x1C200] =	vst v63  }
0x194: {  	_ =	swait.ge [sflag:s10], $0x6400  }
0x195: {  	[sflag:s10] =	ssyncset.done $0x0  }
0x196: {  	[sflag:s10] =	ssyncadd.s32 $0xFFFF9C00  }
0x197: {  	_ =	swait.ge [sflag:s10], $0x6400  }
0x198: {  	s0 =	sld [smem:$0x7EE]  }
0x199: {  	[sflag:s10] =	ssyncset.done $0x0  }
0x19a: {  	s15 =	sld [smem:$0x7EF];
	[sflag:s10] =	ssyncadd.s32 $0xFFFF9C00  }
0x19b: {  	[tilespmem:s11], [sflag:$0x1] =	stream.indirect.gather [hbm4b:s2+s4], $0x40, s0, s4, $0xb8;
	[tilespmem:$0x1C200] =	vst v63  }
0x19c: {  	_ = 	snop  }
0x19d: {  	[tilespmem:s12], [sflag:$0x1] =	stream.indirect.gather [hbm4b:s3+s4], $0x40, s15, s4, $0xb8;
	[tilespmem:$0x1C200] =	vst v63  }
0x19e: {  	_ =	swait.ge [sflag:s14], $0x6400  }
0x19f: {  	[sflag:s14] =	ssyncset.done $0x0  }
0x1a0: {  	[sflag:s14] =	ssyncadd.s32 $0xFFFF9C00  }
0x1a1: {  	_ =	swait.ge [sflag:s14], $0x6400  }
0x1a2: {  	[sflag:s14] =	ssyncset.done $0x0  }
0x1a3: {  	s0 =	rddreg [dreg:$0x8];
	[sflag:s14] =	ssyncadd.s32 $0xFFFF9C00  }
0x1a4: {  	[hbm4b:s0+s5] =	stream.strided.scatter [tilespmem:s11], [sflag:$0x3], $0x6400, s6, s5, $0x38;
	[tilespmem:$0x1C200] =	vst v63  }
0x1a5: {  	s15 =	rddreg [dreg:$0x9]  }
0x1a6: {  	[hbm4b:s15+s5] =	stream.strided.scatter [tilespmem:s12], [sflag:$0x3], $0x6400, s6, s5, $0x38;
	[tilespmem:$0x1C200] =	vst v63  }
0x1a7: {  	_ =	swait.ge [sflag:s7], $0x6400  }
0x1a8: {  	[sflag:s7] =	ssyncset.done $0x0  }
0x1a9: {  	[sflag:s7] =	ssyncadd.s32 $0xFFFF9C00  }
0x1aa: {  	_ =	swait.ge [sflag:s7], $0x6400  }
0x1ab: {  	s0 =	sld [smem:$0x7F0]  }
0x1ac: {  	[sflag:s7] =	ssyncset.done $0x0  }
0x1ad: {  	s15 =	sld [smem:$0x7F1];
	[sflag:s7] =	ssyncadd.s32 $0xFFFF9C00  }
0x1ae: {  	[tilespmem:s8], [sflag:$0x2] =	stream.indirect.gather [hbm4b:s2+s4], $0x40, s0, s4, $0xb8;
	[tilespmem:$0x1C200] =	vst v63  }
0x1af: {  	_ = 	snop  }
0x1b0: {  	[tilespmem:s9], [sflag:$0x2] =	stream.indirect.gather [hbm4b:s3+s4], $0x40, s15, s4, $0xb8;
	[tilespmem:$0x1C200] =	vst v63  }
0x1b1: {  	_ =	swait.ge [sflag:s13], $0x6400  }
0x1b2: {  	[sflag:s13] =	ssyncset.done $0x0  }
0x1b3: {  	[sflag:s13] =	ssyncadd.s32 $0xFFFF9C00  }
0x1b4: {  	_ =	swait.ge [sflag:s13], $0x6400  }
0x1b5: {  	[sflag:s13] =	ssyncset.done $0x0  }
0x1b6: {  	s0 =	rddreg [dreg:$0xa];
	[sflag:s13] =	ssyncadd.s32 $0xFFFF9C00  }
0x1b7: {  	[hbm4b:s0+s5] =	stream.strided.scatter [tilespmem:s8], [sflag:$0x4], $0x6400, s6, s5, $0x38;
	[tilespmem:$0x1C200] =	vst v63  }
0x1b8: {  	s15 =	rddreg [dreg:$0xb]  }
0x1b9: {  	[hbm4b:s15+s5] =	stream.strided.scatter [tilespmem:s9], [sflag:$0x4], $0x6400, s6, s5, $0x38;
	[tilespmem:$0x1C200] =	vst v63  }
0x1ba: {  	_ =	swait.ge [sflag:s10], $0x6400  }
0x1bb: {  	[sflag:s10] =	ssyncset.done $0x0  }
0x1bc: {  	[sflag:s10] =	ssyncadd.s32 $0xFFFF9C00  }
0x1bd: {  	_ =	swait.ge [sflag:s10], $0x6400  }
0x1be: {  	s0 =	sld [smem:$0x7F2]  }
0x1bf: {  	[sflag:s10] =	ssyncset.done $0x0  }
0x1c0: {  	s15 =	sld [smem:$0x7F3];
	[sflag:s10] =	ssyncadd.s32 $0xFFFF9C00  }
0x1c1: {  	[tilespmem:s11], [sflag:$0x1] =	stream.indirect.gather [hbm4b:s2+s4], $0x40, s0, s4, $0xb8;
	[tilespmem:$0x1C200] =	vst v63  }
0x1c2: {  	_ = 	snop  }
0x1c3: {  	[tilespmem:s12], [sflag:$0x1] =	stream.indirect.gather [hbm4b:s3+s4], $0x40, s15, s4, $0xb8;
	[tilespmem:$0x1C200] =	vst v63  }
0x1c4: {  	_ =	swait.ge [sflag:s14], $0x6400  }
0x1c5: {  	[sflag:s14] =	ssyncset.done $0x0  }
0x1c6: {  	[sflag:s14] =	ssyncadd.s32 $0xFFFF9C00  }
0x1c7: {  	_ =	swait.ge [sflag:s14], $0x6400  }
0x1c8: {  	[sflag:s14] =	ssyncset.done $0x0  }
0x1c9: {  	s0 =	rddreg [dreg:$0xc];
	[sflag:s14] =	ssyncadd.s32 $0xFFFF9C00  }
0x1ca: {  	[hbm4b:s0+s5] =	stream.strided.scatter [tilespmem:s11], [sflag:$0x3], $0x6400, s6, s5, $0x38;
	[tilespmem:$0x1C200] =	vst v63  }
0x1cb: {  	s15 =	rddreg [dreg:$0xd]  }
0x1cc: {  	[hbm4b:s15+s5] =	stream.strided.scatter [tilespmem:s12], [sflag:$0x3], $0x6400, s6, s5, $0x38;
	[tilespmem:$0x1C200] =	vst v63  }
0x1cd: {  	_ =	swait.ge [sflag:s7], $0x6400  }
0x1ce: {  	[sflag:s7] =	ssyncset.done $0x0  }
0x1cf: {  	[sflag:s7] =	ssyncadd.s32 $0xFFFF9C00  }
0x1d0: {  	_ =	swait.ge [sflag:s7], $0x6400  }
0x1d1: {  	s0 =	sld [smem:$0x7F4]  }
0x1d2: {  	[sflag:s7] =	ssyncset.done $0x0  }
0x1d3: {  	s15 =	sld [smem:$0x7F5];
	[sflag:s7] =	ssyncadd.s32 $0xFFFF9C00  }
0x1d4: {  	[tilespmem:s8], [sflag:$0x2] =	stream.indirect.gather [hbm4b:s2+s4], $0x40, s0, s4, $0xb8;
	[tilespmem:$0x1C200] =	vst v63  }
0x1d5: {  	_ = 	snop  }
0x1d6: {  	[tilespmem:s9], [sflag:$0x2] =	stream.indirect.gather [hbm4b:s3+s4], $0x40, s15, s4, $0xb8;
	[tilespmem:$0x1C200] =	vst v63  }
0x1d7: {  	_ =	swait.ge [sflag:s13], $0x6400  }
0x1d8: {  	[sflag:s13] =	ssyncset.done $0x0  }
0x1d9: {  	[sflag:s13] =	ssyncadd.s32 $0xFFFF9C00  }
0x1da: {  	_ =	swait.ge [sflag:s13], $0x6400  }
0x1db: {  	[sflag:s13] =	ssyncset.done $0x0  }
0x1dc: {  	s0 =	rddreg [dreg:$0xe];
	[sflag:s13] =	ssyncadd.s32 $0xFFFF9C00  }
0x1dd: {  	[hbm4b:s0+s5] =	stream.strided.scatter [tilespmem:s8], [sflag:$0x4], $0x6400, s6, s5, $0x38;
	[tilespmem:$0x1C200] =	vst v63  }
0x1de: {  	s15 =	rddreg [dreg:$0xf]  }
0x1df: {  	[hbm4b:s15+s5] =	stream.strided.scatter [tilespmem:s9], [sflag:$0x4], $0x6400, s6, s5, $0x38;
	[tilespmem:$0x1C200] =	vst v63  }
0x1e0: {  	_ =	swait.ge [sflag:s10], $0x6400  }
0x1e1: {  	[sflag:s10] =	ssyncset.done $0x0  }
0x1e2: {  	[sflag:s10] =	ssyncadd.s32 $0xFFFF9C00  }
0x1e3: {  	_ =	swait.ge [sflag:s10], $0x6400  }
0x1e4: {  	s0 =	sld [smem:$0x7F6]  }
0x1e5: {  	[sflag:s10] =	ssyncset.done $0x0  }
0x1e6: {  	s15 =	sld [smem:$0x7F7];
	[sflag:s10] =	ssyncadd.s32 $0xFFFF9C00  }
0x1e7: {  	[tilespmem:s11], [sflag:$0x1] =	stream.indirect.gather [hbm4b:s2+s4], $0x40, s0, s4, $0xb8;
	[tilespmem:$0x1C200] =	vst v63  }
0x1e8: {  	_ = 	snop  }
0x1e9: {  	[tilespmem:s12], [sflag:$0x1] =	stream.indirect.gather [hbm4b:s3+s4], $0x40, s15, s4, $0xb8;
	[tilespmem:$0x1C200] =	vst v63  }
0x1ea: {  	_ =	swait.ge [sflag:s14], $0x6400  }
0x1eb: {  	[sflag:s14] =	ssyncset.done $0x0  }
0x1ec: {  	[sflag:s14] =	ssyncadd.s32 $0xFFFF9C00  }
0x1ed: {  	_ =	swait.ge [sflag:s14], $0x6400  }
0x1ee: {  	[sflag:s14] =	ssyncset.done $0x0  }
0x1ef: {  	s0 =	rddreg [dreg:$0x10];
	[sflag:s14] =	ssyncadd.s32 $0xFFFF9C00  }
0x1f0: {  	[hbm4b:s0+s5] =	stream.strided.scatter [tilespmem:s11], [sflag:$0x3], $0x6400, s6, s5, $0x38;
	[tilespmem:$0x1C200] =	vst v63  }
0x1f1: {  	s15 =	rddreg [dreg:$0x11]  }
0x1f2: {  	[hbm4b:s15+s5] =	stream.strided.scatter [tilespmem:s12], [sflag:$0x3], $0x6400, s6, s5, $0x38;
	[tilespmem:$0x1C200] =	vst v63  }
0x1f3: {  	_ =	swait.ge [sflag:s7], $0x6400  }
0x1f4: {  	[sflag:s7] =	ssyncset.done $0x0  }
0x1f5: {  	[sflag:s7] =	ssyncadd.s32 $0xFFFF9C00  }
0x1f6: {  	_ =	swait.ge [sflag:s7], $0x6400  }
0x1f7: {  	s0 =	sld [smem:$0x7F8]  }
0x1f8: {  	[sflag:s7] =	ssyncset.done $0x0  }
0x1f9: {  	s15 =	sld [smem:$0x7F9];
	[sflag:s7] =	ssyncadd.s32 $0xFFFF9C00  }
0x1fa: {  	[tilespmem:s8], [sflag:$0x2] =	stream.indirect.gather [hbm4b:s2+s4], $0x40, s0, s4, $0xb8;
	[tilespmem:$0x1C200] =	vst v63  }
0x1fb: {  	_ = 	snop  }
0x1fc: {  	[tilespmem:s9], [sflag:$0x2] =	stream.indirect.gather [hbm4b:s3+s4], $0x40, s15, s4, $0xb8;
	[tilespmem:$0x1C200] =	vst v63  }
0x1fd: {  	_ =	swait.ge [sflag:s13], $0x6400  }
0x1fe: {  	[sflag:s13] =	ssyncset.done $0x0  }
0x1ff: {  	[sflag:s13] =	ssyncadd.s32 $0xFFFF9C00  }
0x200: {  	_ =	swait.ge [sflag:s13], $0x6400  }
0x201: {  	[sflag:s13] =	ssyncset.done $0x0  }
0x202: {  	s0 =	rddreg [dreg:$0x12];
	[sflag:s13] =	ssyncadd.s32 $0xFFFF9C00  }
0x203: {  	[hbm4b:s0+s5] =	stream.strided.scatter [tilespmem:s8], [sflag:$0x4], $0x6400, s6, s5, $0x38;
	[tilespmem:$0x1C200] =	vst v63  }
0x204: {  	s15 =	rddreg [dreg:$0x13]  }
0x205: {  	[hbm4b:s15+s5] =	stream.strided.scatter [tilespmem:s9], [sflag:$0x4], $0x6400, s6, s5, $0x38;
	[tilespmem:$0x1C200] =	vst v63  }
0x206: {  	_ =	swait.ge [sflag:s10], $0x6400  }
0x207: {  	[sflag:s10] =	ssyncset.done $0x0  }
0x208: {  	[sflag:s10] =	ssyncadd.s32 $0xFFFF9C00  }
0x209: {  	_ =	swait.ge [sflag:s10], $0x6400  }
0x20a: {  	s0 =	sld [smem:$0x7FA]  }
0x20b: {  	[sflag:s10] =	ssyncset.done $0x0  }
0x20c: {  	s15 =	sld [smem:$0x7FB];
	[sflag:s10] =	ssyncadd.s32 $0xFFFF9C00  }
0x20d: {  	[tilespmem:s11], [sflag:$0x1] =	stream.indirect.gather [hbm4b:s2+s4], $0x40, s0, s4, $0xb8;
	[tilespmem:$0x1C200] =	vst v63  }
0x20e: {  	_ = 	snop  }
0x20f: {  	[tilespmem:s12], [sflag:$0x1] =	stream.indirect.gather [hbm4b:s3+s4], $0x40, s15, s4, $0xb8;
	[tilespmem:$0x1C200] =	vst v63  }
0x210: {  	_ =	swait.ge [sflag:s14], $0x6400  }
0x211: {  	[sflag:s14] =	ssyncset.done $0x0  }
0x212: {  	[sflag:s14] =	ssyncadd.s32 $0xFFFF9C00  }
0x213: {  	_ =	swait.ge [sflag:s14], $0x6400  }
0x214: {  	[sflag:s14] =	ssyncset.done $0x0  }
0x215: {  	s0 =	rddreg [dreg:$0x14];
	[sflag:s14] =	ssyncadd.s32 $0xFFFF9C00  }
0x216: {  	[hbm4b:s0+s5] =	stream.strided.scatter [tilespmem:s11], [sflag:$0x3], $0x6400, s6, s5, $0x38;
	[tilespmem:$0x1C200] =	vst v63  }
0x217: {  	s15 =	rddreg [dreg:$0x15]  }
0x218: {  	[hbm4b:s15+s5] =	stream.strided.scatter [tilespmem:s12], [sflag:$0x3], $0x6400, s6, s5, $0x38;
	[tilespmem:$0x1C200] =	vst v63  }
0x219: {  	_ =	swait.ge [sflag:s7], $0x6400  }
0x21a: {  	[sflag:s7] =	ssyncset.done $0x0  }
0x21b: {  	[sflag:s7] =	ssyncadd.s32 $0xFFFF9C00  }
0x21c: {  	_ =	swait.ge [sflag:s7], $0x6400  }
0x21d: {  	s0 =	sld [smem:$0x7FC]  }
0x21e: {  	[sflag:s7] =	ssyncset.done $0x0  }
0x21f: {  	s15 =	sld [smem:$0x7FD];
	[sflag:s7] =	ssyncadd.s32 $0xFFFF9C00  }
0x220: {  	[tilespmem:s8], [sflag:$0x2] =	stream.indirect.gather [hbm4b:s2+s4], $0x40, s0, s4, $0xb8;
	[tilespmem:$0x1C200] =	vst v63  }
0x221: {  	_ = 	snop  }
0x222: {  	[tilespmem:s9], [sflag:$0x2] =	stream.indirect.gather [hbm4b:s3+s4], $0x40, s15, s4, $0xb8;
	[tilespmem:$0x1C200] =	vst v63  }
0x223: {  	_ =	swait.ge [sflag:s13], $0x6400  }
0x224: {  	[sflag:s13] =	ssyncset.done $0x0  }
0x225: {  	[sflag:s13] =	ssyncadd.s32 $0xFFFF9C00  }
0x226: {  	_ =	swait.ge [sflag:s13], $0x6400  }
0x227: {  	[sflag:s13] =	ssyncset.done $0x0  }
0x228: {  	s0 =	rddreg [dreg:$0x16];
	[sflag:s13] =	ssyncadd.s32 $0xFFFF9C00  }
0x229: {  	[hbm4b:s0+s5] =	stream.strided.scatter [tilespmem:s8], [sflag:$0x4], $0x6400, s6, s5, $0x38;
	[tilespmem:$0x1C200] =	vst v63  }
0x22a: {  	s15 =	rddreg [dreg:$0x17]  }
0x22b: {  	[hbm4b:s15+s5] =	stream.strided.scatter [tilespmem:s9], [sflag:$0x4], $0x6400, s6, s5, $0x38;
	[tilespmem:$0x1C200] =	vst v63  }
0x22c: {  	_ =	swait.ge [sflag:s10], $0x6400  }
0x22d: {  	[sflag:s10] =	ssyncset.done $0x0  }
0x22e: {  	[sflag:s10] =	ssyncadd.s32 $0xFFFF9C00  }
0x22f: {  	_ =	swait.ge [sflag:s10], $0x6400  }
0x230: {  	[sflag:s10] =	ssyncset.done $0x0  }
0x231: {  	[sflag:s10] =	ssyncadd.s32 $0xFFFF9C00  }
0x232: {  	[tilespmem:s11], [sflag:$0x1] =	stream.indirect.gather [hbm4b:s2+s4], $0x40, s26, s4, $0xb8;
	[tilespmem:$0x1C200] =	vst v63  }
0x233: {  	_ = 	snop  }
0x234: {  	[tilespmem:s12], [sflag:$0x1] =	stream.indirect.gather [hbm4b:s3+s4], $0x40, s22, s4, $0xb8;
	[tilespmem:$0x1C200] =	vst v63  }
0x235: {  	_ =	swait.ge [sflag:s14], $0x6400  }
0x236: {  	[sflag:s14] =	ssyncset.done $0x0  }
0x237: {  	[sflag:s14] =	ssyncadd.s32 $0xFFFF9C00  }
0x238: {  	_ =	swait.ge [sflag:s14], $0x6400  }
0x239: {  	[sflag:s14] =	ssyncset.done $0x0  }
0x23a: {  	s0 =	rddreg [dreg:$0x18];
	[sflag:s14] =	ssyncadd.s32 $0xFFFF9C00  }
0x23b: {  	[hbm4b:s0+s5] =	stream.strided.scatter [tilespmem:s11], [sflag:$0x3], $0x6400, s6, s5, $0x38;
	[tilespmem:$0x1C200] =	vst v63  }
0x23c: {  	s15 =	rddreg [dreg:$0x19]  }
0x23d: {  	[hbm4b:s15+s5] =	stream.strided.scatter [tilespmem:s12], [sflag:$0x3], $0x6400, s6, s5, $0x38;
	[tilespmem:$0x1C200] =	vst v63  }
0x23e: {  	_ =	swait.ge [sflag:s7], $0x6400  }
0x23f: {  	[sflag:s7] =	ssyncset.done $0x0  }
0x240: {  	[sflag:s7] =	ssyncadd.s32 $0xFFFF9C00  }
0x241: {  	_ =	swait.ge [sflag:s7], $0x6400  }
0x242: {  	[sflag:s7] =	ssyncset.done $0x0  }
0x243: {  	[sflag:s7] =	ssyncadd.s32 $0xFFFF9C00  }
0x244: {  	[tilespmem:s8], [sflag:$0x2] =	stream.indirect.gather [hbm4b:s2+s4], $0x40, s24, s4, $0xb8;
	[tilespmem:$0x1C200] =	vst v63  }
0x245: {  	_ = 	snop  }
0x246: {  	[tilespmem:s9], [sflag:$0x2] =	stream.indirect.gather [hbm4b:s3+s4], $0x40, s25, s4, $0xb8;
	[tilespmem:$0x1C200] =	vst v63  }
0x247: {  	_ =	swait.ge [sflag:s13], $0x6400  }
0x248: {  	[sflag:s13] =	ssyncset.done $0x0  }
0x249: {  	[sflag:s13] =	ssyncadd.s32 $0xFFFF9C00  }
0x24a: {  	_ =	swait.ge [sflag:s13], $0x6400  }
0x24b: {  	[sflag:s13] =	ssyncset.done $0x0  }
0x24c: {  	s0 =	rddreg [dreg:$0x1a];
	[sflag:s13] =	ssyncadd.s32 $0xFFFF9C00  }
0x24d: {  	[hbm4b:s0+s5] =	stream.strided.scatter [tilespmem:s8], [sflag:$0x4], $0x6400, s6, s5, $0x38;
	[tilespmem:$0x1C200] =	vst v63  }
0x24e: {  	s15 =	rddreg [dreg:$0x1b]  }
0x24f: {  	[hbm4b:s15+s5] =	stream.strided.scatter [tilespmem:s9], [sflag:$0x4], $0x6400, s6, s5, $0x38;
	[tilespmem:$0x1C200] =	vst v63  }
0x250: {  	_ =	swait.ge [sflag:s10], $0x6400  }
0x251: {  	[sflag:s10] =	ssyncset.done $0x0  }
0x252: {  	[sflag:s10] =	ssyncadd.s32 $0xFFFF9C00  }
0x253: {  	_ =	swait.ge [sflag:s10], $0x6400  }
0x254: {  	[sflag:s10] =	ssyncset.done $0x0  }
0x255: {  	s15 =	simm.s32 $0x12C0;
	[sflag:s10] =	ssyncadd.s32 $0xFFFF9C00  }
0x256: {  	[tilespmem:s11], [sflag:$0x1] =	stream.indirect.gather [hbm4b:s2+s4], $0x40, s15, s4, $0xb8;
	[tilespmem:$0x1C200] =	vst v63  }
0x257: {  	_ = 	snop  }
0x258: {  	[tilespmem:s12], [sflag:$0x1] =	stream.indirect.gather [hbm4b:s3+s4], $0x40, s23, s4, $0xb8;
	[tilespmem:$0x1C200] =	vst v63  }
0x259: {  	_ =	swait.ge [sflag:s14], $0x6400  }
0x25a: {  	[sflag:s14] =	ssyncset.done $0x0  }
0x25b: {  	[sflag:s14] =	ssyncadd.s32 $0xFFFF9C00  }
0x25c: {  	_ =	swait.ge [sflag:s14], $0x6400  }
0x25d: {  	[sflag:s14] =	ssyncset.done $0x0  }
0x25e: {  	s0 =	rddreg [dreg:$0x1c];
	[sflag:s14] =	ssyncadd.s32 $0xFFFF9C00  }
0x25f: {  	[hbm4b:s0+s5] =	stream.strided.scatter [tilespmem:s11], [sflag:$0x3], $0x6400, s6, s5, $0x38;
	[tilespmem:$0x1C200] =	vst v63  }
0x260: {  	s15 =	rddreg [dreg:$0x1d]  }
0x261: {  	[hbm4b:s15+s5] =	stream.strided.scatter [tilespmem:s12], [sflag:$0x3], $0x6400, s6, s5, $0x38;
	[tilespmem:$0x1C200] =	vst v63  }
0x262: {  	_ =	swait.ge [sflag:s7], $0x6400  }
0x263: {  	[sflag:s7] =	ssyncset.done $0x0  }
0x264: {  	[sflag:s7] =	ssyncadd.s32 $0xFFFF9C00  }
0x265: {  	_ =	swait.ge [sflag:s7], $0x6400  }
0x266: {  	[sflag:s7] =	ssyncset.done $0x0  }
0x267: {  	[sflag:s7] =	ssyncadd.s32 $0xFFFF9C00  }
0x268: {  	[tilespmem:s8], [sflag:$0x2] =	stream.indirect.gather [hbm4b:s2+s4], $0x40, s20, s4, $0xb8;
	[tilespmem:$0x1C200] =	vst v63  }
0x269: {  	_ = 	snop  }
0x26a: {  	[tilespmem:s9], [sflag:$0x2] =	stream.indirect.gather [hbm4b:s3+s4], $0x40, s21, s4, $0xb8;
	[tilespmem:$0x1C200] =	vst v63  }
0x26b: {  	_ =	swait.ge [sflag:s13], $0x6400  }
0x26c: {  	[sflag:s13] =	ssyncset.done $0x0  }
0x26d: {  	[sflag:s13] =	ssyncadd.s32 $0xFFFF9C00  }
0x26e: {  	_ =	swait.ge [sflag:s13], $0x6400  }
0x26f: {  	[sflag:s13] =	ssyncset.done $0x0  }
0x270: {  	s0 =	rddreg [dreg:$0x1e];
	[sflag:s13] =	ssyncadd.s32 $0xFFFF9C00  }
0x271: {  	[hbm4b:s0+s5] =	stream.strided.scatter [tilespmem:s8], [sflag:$0x4], $0x6400, s6, s5, $0x38;
	[tilespmem:$0x1C200] =	vst v63  }
0x272: {  	s15 =	rddreg [dreg:$0x1f]  }
0x273: {  	[hbm4b:s15+s5] =	stream.strided.scatter [tilespmem:s9], [sflag:$0x4], $0x6400, s6, s5, $0x38;
	[tilespmem:$0x1C200] =	vst v63  }
0x274: {  	_ =	swait.ge [sflag:s10], $0x6400  }
0x275: {  	[sflag:s10] =	ssyncset.done $0x0  }
0x276: {  	[sflag:s10] =	ssyncadd.s32 $0xFFFF9C00  }
0x277: {  	_ =	swait.ge [sflag:s10], $0x6400  }
0x278: {  	[sflag:s10] =	ssyncset.done $0x0  }
0x279: {  	[sflag:s10] =	ssyncadd.s32 $0xFFFF9C00  }
0x27a: {  	[tilespmem:s11], [sflag:$0x1] =	stream.indirect.gather [hbm4b:s2+s4], $0x40, s18, s4, $0xb8;
	[tilespmem:$0x1C200] =	vst v63  }
0x27b: {  	_ = 	snop  }
0x27c: {  	[tilespmem:s12], [sflag:$0x1] =	stream.indirect.gather [hbm4b:s3+s4], $0x40, s19, s4, $0xb8;
	[tilespmem:$0x1C200] =	vst v63  }
0x27d: {  	_ =	swait.ge [sflag:s14], $0x6400  }
0x27e: {  	[sflag:s14] =	ssyncset.done $0x0  }
0x27f: {  	[sflag:s14] =	ssyncadd.s32 $0xFFFF9C00  }
0x280: {  	_ =	swait.ge [sflag:s14], $0x6400  }
0x281: {  	s0 =	sld [smem:$0x7E9]  }
0x282: {  	[sflag:s14] =	ssyncset.done $0x0  }
0x283: {  	s15 =	sld [smem:$0x7EA];
	[sflag:s14] =	ssyncadd.s32 $0xFFFF9C00  }
0x284: {  	[hbm4b:s0+s5] =	stream.strided.scatter [tilespmem:s11], [sflag:$0x3], $0x6400, s6, s5, $0x38;
	[tilespmem:$0x1C200] =	vst v63  }
0x285: {  	_ = 	snop  }
0x286: {  	[hbm4b:s15+s5] =	stream.strided.scatter [tilespmem:s12], [sflag:$0x3], $0x6400, s6, s5, $0x38;
	[tilespmem:$0x1C200] =	vst v63  }
0x287: {  	_ =	swait.ge [sflag:s7], $0x6400  }
0x288: {  	[sflag:s7] =	ssyncset.done $0x0  }
0x289: {  	[sflag:s7] =	ssyncadd.s32 $0xFFFF9C00  }
0x28a: {  	_ =	swait.ge [sflag:s7], $0x6400  }
0x28b: {  	[sflag:s7] =	ssyncset.done $0x0  }
0x28c: {  	[sflag:s7] =	ssyncadd.s32 $0xFFFF9C00  }
0x28d: {  	[tilespmem:s8], [sflag:$0x2] =	stream.indirect.gather [hbm4b:s2+s4], $0x40, s16, s4, $0xb8;
	[tilespmem:$0x1C200] =	vst v63  }
0x28e: {  	_ = 	snop  }
0x28f: {  	[tilespmem:s9], [sflag:$0x2] =	stream.indirect.gather [hbm4b:s3+s4], $0x40, s17, s4, $0xb8;
	[tilespmem:$0x1C200] =	vst v63  }
0x290: {  	_ =	swait.ge [sflag:s13], $0x6400  }
0x291: {  	[sflag:s13] =	ssyncset.done $0x0  }
0x292: {  	[sflag:s13] =	ssyncadd.s32 $0xFFFF9C00  }
0x293: {  	_ =	swait.ge [sflag:s13], $0x6400  }
0x294: {  	s0 =	sld [smem:$0x7EB]  }
0x295: {  	[sflag:s13] =	ssyncset.done $0x0  }
0x296: {  	s15 =	sld [smem:$0x7EC];
	[sflag:s13] =	ssyncadd.s32 $0xFFFF9C00  }
0x297: {  	[hbm4b:s0+s5] =	stream.strided.scatter [tilespmem:s8], [sflag:$0x4], $0x6400, s6, s5, $0x38;
	[tilespmem:$0x1C200] =	vst v63  }
0x298: {  	_ = 	snop  }
0x299: {  	[hbm4b:s15+s5] =	stream.strided.scatter [tilespmem:s9], [sflag:$0x4], $0x6400, s6, s5, $0x38;
	[tilespmem:$0x1C200] =	vst v63  }
0x29a: {  	_ =	swait.ge [sflag:s10], $0x6400  }
0x29b: {  	[sflag:s10] =	ssyncset.done $0x0  }
0x29c: {  	[sflag:s10] =	ssyncadd.s32 $0xFFFF9C00  }
0x29d: {  	_ =	swait.ge [sflag:s10], $0x6400  }
0x29e: {  	[sflag:s10] =	ssyncset.done $0x0  }
0x29f: {  	p1 =	sne.s32 s1, $0x1;
	[sflag:s10] =	ssyncadd.s32 $0xFFFF9C00  }
.Ltmp2:
0x2a0: {  	_ =	swait.ge [sflag:s7], $0x6400;
	(pc) =	sbr.rel @p1 .LBB2_4-.Ltmp2, $4  }
0x2a1: {  	[sflag:s7] =	ssyncset.done $0x0  }
0x2a2: {  	[sflag:s7] =	ssyncadd.s32 $0xFFFF9C00  }
0x2a3: {  	_ =	swait.ge [sflag:s7], $0x6400  }
0x2a4: {  	s1 =	sadd.s32 $0xFFFFFFFF, s1;
	s0 =	rddreg [dreg:$0x3];
	[sflag:s7] =	ssyncset.done $0x0  }
0x2a5: {  	s17 =	simm.s32 $0x28A0;
	s26 =	simm.s32 $0xFA0;
	s25 =	simm.s32 $0x2A30  }
0x2a6: {  	s24 =	simm.s32 $0x1130;
	s23 =	simm.s32 $0x2BC0;
	s22 =	simm.s32 $0x12C0  }
0x2a7: {  	s21 =	simm.s32 $0x2D50;
	s20 =	simm.s32 $0x1450;
	s19 =	simm.s32 $0x2EE0  }
0x2a8: {  	s18 =	simm.s32 $0x15E0;
	s16 =	simm.s32 $0x1770;
	s15 =	stileid.u32  }
.LBB2_6:
0x2a9: {  	[sflag:s7] =	ssyncadd.s32 @p0 $0xFFFF9C00  }
0x2aa: {  	[tilespmem:s29], [sflag:$0x5] =	stream.linear.gather [hbm4b:s0+s29], $0x1900, $0x38;
	[tilespmem:$0x1C200] =	vst v63  }
0x2ab: {  	_ =	swait.ge [sflag:s30], $0x1900  }
0x2ac: {  	[sflag:s30] =	ssyncset.done $0x0  }
0x2ad: {  	s1 =	rddreg [dreg:$0x4];
	[sflag:s30] =	ssyncadd.s32 $0xFFFFE700  }
0x2ae: {  	[tilespmem:s31], [sflag:$0x5] =	stream.linear.gather [hbm4b:s1+s29], $0x1900, $0x38;
	[tilespmem:$0x1C200] =	vst v63  }
0x2af: {  	_ =	swait.ge [sflag:s30], $0x1900  }
0x2b0: {  	[sflag:s30] =	ssyncset.done $0x0  }
0x2b1: {  	[sflag:s30] =	ssyncadd.s32 $0xFFFFE700  }
0x2b2: {  	[tilespmem:s11], [sflag:$0x1] =	stream.indirect.gather [hbm4b:s2+s4], $0x40, s29, s4, $0xb8;
	[tilespmem:$0x1C200] =	vst v63  }
0x2b3: {  	_ = 	snop  }
0x2b4: {  	[tilespmem:s12], [sflag:$0x1] =	stream.indirect.gather [hbm4b:s3+s4], $0x40, s31, s4, $0xb8;
	[tilespmem:$0x1C200] =	vst v63  }
0x2b5: {  	_ =	swait.ge [sflag:s14], $0x6400  }
0x2b6: {  	[sflag:s14] =	ssyncset.done $0x0  }
0x2b7: {  	[sflag:s14] =	ssyncadd.s32 $0xFFFF9C00  }
0x2b8: {  	_ =	swait.ge [sflag:s14], $0x6400  }
0x2b9: {  	[sflag:s14] =	ssyncset.done $0x0  }
0x2ba: {  	[sflag:s14] =	ssyncadd.s32 $0xFFFF9C00  }
0x2bb: {  	[hbm4b:s28+s5] =	stream.strided.scatter [tilespmem:s11], [sflag:$0x3], $0x6400, s6, s5, $0x38;
	[tilespmem:$0x1C200] =	vst v63  }
0x2bc: {  	s1 =	rddreg [dreg:$0x5]  }
0x2bd: {  	[hbm4b:s1+s5] =	stream.strided.scatter [tilespmem:s12], [sflag:$0x3], $0x6400, s6, s5, $0x38;
	[tilespmem:$0x1C200] =	vst v63  }
0x2be: {  	s28 =	sld [smem:$0x7ED]  }
0x2bf: {  	[tilespmem:s8], [sflag:$0x2] =	stream.indirect.gather [hbm4b:s2+s4], $0x40, s4, s4, $0xb8;
	[tilespmem:$0x1C200] =	vst v63  }
0x2c0: {  	_ = 	snop  }
0x2c1: {  	[tilespmem:s9], [sflag:$0x2] =	stream.indirect.gather [hbm4b:s3+s4], $0x40, s28, s4, $0xb8;
	[tilespmem:$0x1C200] =	vst v63  }
0x2c2: {  	_ =	swait.ge [sflag:s13], $0x6400  }
0x2c3: {  	[sflag:s13] =	ssyncset.done $0x0  }
0x2c4: {  	[sflag:s13] =	ssyncadd.s32 $0xFFFF9C00  }
0x2c5: {  	_ =	swait.ge [sflag:s13], $0x6400  }
0x2c6: {  	[sflag:s13] =	ssyncset.done $0x0  }
0x2c7: {  	s29 =	rddreg [dreg:$0x6];
	[sflag:s13] =	ssyncadd.s32 $0xFFFF9C00  }
0x2c8: {  	[hbm4b:s29+s5] =	stream.strided.scatter [tilespmem:s8], [sflag:$0x4], $0x6400, s6, s5, $0x38;
	[tilespmem:$0x1C200] =	vst v63  }
0x2c9: {  	s1 =	rddreg [dreg:$0x7]  }
0x2ca: {  	[hbm4b:s1+s5] =	stream.strided.scatter [tilespmem:s9], [sflag:$0x4], $0x6400, s6, s5, $0x38;
	[tilespmem:$0x1C200] =	vst v63  }
0x2cb: {  	_ =	swait.ge [sflag:s10], $0x6400  }
0x2cc: {  	[sflag:s10] =	ssyncset.done $0x0  }
0x2cd: {  	[sflag:s10] =	ssyncadd.s32 $0xFFFF9C00  }
0x2ce: {  	_ =	swait.ge [sflag:s10], $0x6400  }
0x2cf: {  	s30 =	sld [smem:$0x7EE]  }
0x2d0: {  	[sflag:s10] =	ssyncset.done $0x0  }
0x2d1: {  	s31 =	sld [smem:$0x7EF];
	[sflag:s10] =	ssyncadd.s32 $0xFFFF9C00  }
0x2d2: {  	[tilespmem:s11], [sflag:$0x1] =	stream.indirect.gather [hbm4b:s2+s4], $0x40, s30, s4, $0xb8;
	[tilespmem:$0x1C200] =	vst v63  }
0x2d3: {  	_ = 	snop  }
0x2d4: {  	[tilespmem:s12], [sflag:$0x1] =	stream.indirect.gather [hbm4b:s3+s4], $0x40, s31, s4, $0xb8;
	[tilespmem:$0x1C200] =	vst v63  }
0x2d5: {  	_ =	swait.ge [sflag:s14], $0x6400  }
0x2d6: {  	[sflag:s14] =	ssyncset.done $0x0  }
0x2d7: {  	[sflag:s14] =	ssyncadd.s32 $0xFFFF9C00  }
0x2d8: {  	_ =	swait.ge [sflag:s14], $0x6400  }
0x2d9: {  	[sflag:s14] =	ssyncset.done $0x0  }
0x2da: {  	s28 =	rddreg [dreg:$0x8];
	[sflag:s14] =	ssyncadd.s32 $0xFFFF9C00  }
0x2db: {  	[hbm4b:s28+s5] =	stream.strided.scatter [tilespmem:s11], [sflag:$0x3], $0x6400, s6, s5, $0x38;
	[tilespmem:$0x1C200] =	vst v63  }
0x2dc: {  	s29 =	rddreg [dreg:$0x9]  }
0x2dd: {  	[hbm4b:s29+s5] =	stream.strided.scatter [tilespmem:s12], [sflag:$0x3], $0x6400, s6, s5, $0x38;
	[tilespmem:$0x1C200] =	vst v63  }
0x2de: {  	_ =	swait.ge [sflag:s7], $0x6400  }
0x2df: {  	[sflag:s7] =	ssyncset.done $0x0  }
0x2e0: {  	[sflag:s7] =	ssyncadd.s32 $0xFFFF9C00  }
0x2e1: {  	_ =	swait.ge [sflag:s7], $0x6400  }
0x2e2: {  	s30 =	sld [smem:$0x7F0]  }
0x2e3: {  	[sflag:s7] =	ssyncset.done $0x0  }
0x2e4: {  	s31 =	sld [smem:$0x7F1];
	[sflag:s7] =	ssyncadd.s32 $0xFFFF9C00  }
0x2e5: {  	[tilespmem:s8], [sflag:$0x2] =	stream.indirect.gather [hbm4b:s2+s4], $0x40, s30, s4, $0xb8;
	[tilespmem:$0x1C200] =	vst v63  }
0x2e6: {  	_ = 	snop  }
0x2e7: {  	[tilespmem:s9], [sflag:$0x2] =	stream.indirect.gather [hbm4b:s3+s4], $0x40, s31, s4, $0xb8;
	[tilespmem:$0x1C200] =	vst v63  }
0x2e8: {  	_ =	swait.ge [sflag:s13], $0x6400  }
0x2e9: {  	[sflag:s13] =	ssyncset.done $0x0  }
0x2ea: {  	[sflag:s13] =	ssyncadd.s32 $0xFFFF9C00  }
0x2eb: {  	_ =	swait.ge [sflag:s13], $0x6400  }
0x2ec: {  	[sflag:s13] =	ssyncset.done $0x0  }
0x2ed: {  	s28 =	rddreg [dreg:$0xa];
	[sflag:s13] =	ssyncadd.s32 $0xFFFF9C00  }
0x2ee: {  	[hbm4b:s28+s5] =	stream.strided.scatter [tilespmem:s8], [sflag:$0x4], $0x6400, s6, s5, $0x38;
	[tilespmem:$0x1C200] =	vst v63  }
0x2ef: {  	s29 =	rddreg [dreg:$0xb]  }
0x2f0: {  	[hbm4b:s29+s5] =	stream.strided.scatter [tilespmem:s9], [sflag:$0x4], $0x6400, s6, s5, $0x38;
	[tilespmem:$0x1C200] =	vst v63  }
0x2f1: {  	_ =	swait.ge [sflag:s10], $0x6400  }
0x2f2: {  	[sflag:s10] =	ssyncset.done $0x0  }
0x2f3: {  	[sflag:s10] =	ssyncadd.s32 $0xFFFF9C00  }
0x2f4: {  	_ =	swait.ge [sflag:s10], $0x6400  }
0x2f5: {  	s30 =	sld [smem:$0x7F2]  }
0x2f6: {  	[sflag:s10] =	ssyncset.done $0x0  }
0x2f7: {  	s31 =	sld [smem:$0x7F3];
	[sflag:s10] =	ssyncadd.s32 $0xFFFF9C00  }
0x2f8: {  	[tilespmem:s11], [sflag:$0x1] =	stream.indirect.gather [hbm4b:s2+s4], $0x40, s30, s4, $0xb8;
	[tilespmem:$0x1C200] =	vst v63  }
0x2f9: {  	_ = 	snop  }
0x2fa: {  	[tilespmem:s12], [sflag:$0x1] =	stream.indirect.gather [hbm4b:s3+s4], $0x40, s31, s4, $0xb8;
	[tilespmem:$0x1C200] =	vst v63  }
0x2fb: {  	_ =	swait.ge [sflag:s14], $0x6400  }
0x2fc: {  	[sflag:s14] =	ssyncset.done $0x0  }
0x2fd: {  	[sflag:s14] =	ssyncadd.s32 $0xFFFF9C00  }
0x2fe: {  	_ =	swait.ge [sflag:s14], $0x6400  }
0x2ff: {  	[sflag:s14] =	ssyncset.done $0x0  }
0x300: {  	s28 =	rddreg [dreg:$0xc];
	[sflag:s14] =	ssyncadd.s32 $0xFFFF9C00  }
0x301: {  	[hbm4b:s28+s5] =	stream.strided.scatter [tilespmem:s11], [sflag:$0x3], $0x6400, s6, s5, $0x38;
	[tilespmem:$0x1C200] =	vst v63  }
0x302: {  	s29 =	rddreg [dreg:$0xd]  }
0x303: {  	[hbm4b:s29+s5] =	stream.strided.scatter [tilespmem:s12], [sflag:$0x3], $0x6400, s6, s5, $0x38;
	[tilespmem:$0x1C200] =	vst v63  }
0x304: {  	_ =	swait.ge [sflag:s7], $0x6400  }
0x305: {  	[sflag:s7] =	ssyncset.done $0x0  }
0x306: {  	[sflag:s7] =	ssyncadd.s32 $0xFFFF9C00  }
0x307: {  	_ =	swait.ge [sflag:s7], $0x6400  }
0x308: {  	s30 =	sld [smem:$0x7F4]  }
0x309: {  	[sflag:s7] =	ssyncset.done $0x0  }
0x30a: {  	s31 =	sld [smem:$0x7F5];
	[sflag:s7] =	ssyncadd.s32 $0xFFFF9C00  }
0x30b: {  	[tilespmem:s8], [sflag:$0x2] =	stream.indirect.gather [hbm4b:s2+s4], $0x40, s30, s4, $0xb8;
	[tilespmem:$0x1C200] =	vst v63  }
0x30c: {  	_ = 	snop  }
0x30d: {  	[tilespmem:s9], [sflag:$0x2] =	stream.indirect.gather [hbm4b:s3+s4], $0x40, s31, s4, $0xb8;
	[tilespmem:$0x1C200] =	vst v63  }
0x30e: {  	_ =	swait.ge [sflag:s13], $0x6400  }
0x30f: {  	[sflag:s13] =	ssyncset.done $0x0  }
0x310: {  	[sflag:s13] =	ssyncadd.s32 $0xFFFF9C00  }
0x311: {  	_ =	swait.ge [sflag:s13], $0x6400  }
0x312: {  	[sflag:s13] =	ssyncset.done $0x0  }
0x313: {  	s28 =	rddreg [dreg:$0xe];
	[sflag:s13] =	ssyncadd.s32 $0xFFFF9C00  }
0x314: {  	[hbm4b:s28+s5] =	stream.strided.scatter [tilespmem:s8], [sflag:$0x4], $0x6400, s6, s5, $0x38;
	[tilespmem:$0x1C200] =	vst v63  }
0x315: {  	s29 =	rddreg [dreg:$0xf]  }
0x316: {  	[hbm4b:s29+s5] =	stream.strided.scatter [tilespmem:s9], [sflag:$0x4], $0x6400, s6, s5, $0x38;
	[tilespmem:$0x1C200] =	vst v63  }
0x317: {  	_ =	swait.ge [sflag:s10], $0x6400  }
0x318: {  	[sflag:s10] =	ssyncset.done $0x0  }
0x319: {  	[sflag:s10] =	ssyncadd.s32 $0xFFFF9C00  }
0x31a: {  	_ =	swait.ge [sflag:s10], $0x6400  }
0x31b: {  	s30 =	sld [smem:$0x7F6]  }
0x31c: {  	[sflag:s10] =	ssyncset.done $0x0  }
0x31d: {  	s31 =	sld [smem:$0x7F7];
	[sflag:s10] =	ssyncadd.s32 $0xFFFF9C00  }
0x31e: {  	[tilespmem:s11], [sflag:$0x1] =	stream.indirect.gather [hbm4b:s2+s4], $0x40, s30, s4, $0xb8;
	[tilespmem:$0x1C200] =	vst v63  }
0x31f: {  	_ = 	snop  }
0x320: {  	[tilespmem:s12], [sflag:$0x1] =	stream.indirect.gather [hbm4b:s3+s4], $0x40, s31, s4, $0xb8;
	[tilespmem:$0x1C200] =	vst v63  }
0x321: {  	_ =	swait.ge [sflag:s14], $0x6400  }
0x322: {  	[sflag:s14] =	ssyncset.done $0x0  }
0x323: {  	[sflag:s14] =	ssyncadd.s32 $0xFFFF9C00  }
0x324: {  	_ =	swait.ge [sflag:s14], $0x6400  }
0x325: {  	[sflag:s14] =	ssyncset.done $0x0  }
0x326: {  	s28 =	rddreg [dreg:$0x10];
	[sflag:s14] =	ssyncadd.s32 $0xFFFF9C00  }
0x327: {  	[hbm4b:s28+s5] =	stream.strided.scatter [tilespmem:s11], [sflag:$0x3], $0x6400, s6, s5, $0x38;
	[tilespmem:$0x1C200] =	vst v63  }
0x328: {  	s29 =	rddreg [dreg:$0x11]  }
0x329: {  	[hbm4b:s29+s5] =	stream.strided.scatter [tilespmem:s12], [sflag:$0x3], $0x6400, s6, s5, $0x38;
	[tilespmem:$0x1C200] =	vst v63  }
0x32a: {  	_ =	swait.ge [sflag:s7], $0x6400  }
0x32b: {  	[sflag:s7] =	ssyncset.done $0x0  }
0x32c: {  	[sflag:s7] =	ssyncadd.s32 $0xFFFF9C00  }
0x32d: {  	_ =	swait.ge [sflag:s7], $0x6400  }
0x32e: {  	s30 =	sld [smem:$0x7F8]  }
0x32f: {  	[sflag:s7] =	ssyncset.done $0x0  }
0x330: {  	s31 =	sld [smem:$0x7F9];
	[sflag:s7] =	ssyncadd.s32 $0xFFFF9C00  }
0x331: {  	[tilespmem:s8], [sflag:$0x2] =	stream.indirect.gather [hbm4b:s2+s4], $0x40, s30, s4, $0xb8;
	[tilespmem:$0x1C200] =	vst v63  }
0x332: {  	_ = 	snop  }
0x333: {  	[tilespmem:s9], [sflag:$0x2] =	stream.indirect.gather [hbm4b:s3+s4], $0x40, s31, s4, $0xb8;
	[tilespmem:$0x1C200] =	vst v63  }
0x334: {  	_ =	swait.ge [sflag:s13], $0x6400  }
0x335: {  	[sflag:s13] =	ssyncset.done $0x0  }
0x336: {  	[sflag:s13] =	ssyncadd.s32 $0xFFFF9C00  }
0x337: {  	_ =	swait.ge [sflag:s13], $0x6400  }
0x338: {  	[sflag:s13] =	ssyncset.done $0x0  }
0x339: {  	s28 =	rddreg [dreg:$0x12];
	[sflag:s13] =	ssyncadd.s32 $0xFFFF9C00  }
0x33a: {  	[hbm4b:s28+s5] =	stream.strided.scatter [tilespmem:s8], [sflag:$0x4], $0x6400, s6, s5, $0x38;
	[tilespmem:$0x1C200] =	vst v63  }
0x33b: {  	s29 =	rddreg [dreg:$0x13]  }
0x33c: {  	[hbm4b:s29+s5] =	stream.strided.scatter [tilespmem:s9], [sflag:$0x4], $0x6400, s6, s5, $0x38;
	[tilespmem:$0x1C200] =	vst v63  }
0x33d: {  	_ =	swait.ge [sflag:s10], $0x6400  }
0x33e: {  	[sflag:s10] =	ssyncset.done $0x0  }
0x33f: {  	[sflag:s10] =	ssyncadd.s32 $0xFFFF9C00  }
0x340: {  	_ =	swait.ge [sflag:s10], $0x6400  }
0x341: {  	s30 =	sld [smem:$0x7FA]  }
0x342: {  	[sflag:s10] =	ssyncset.done $0x0  }
0x343: {  	s31 =	sld [smem:$0x7FB];
	[sflag:s10] =	ssyncadd.s32 $0xFFFF9C00  }
0x344: {  	[tilespmem:s11], [sflag:$0x1] =	stream.indirect.gather [hbm4b:s2+s4], $0x40, s30, s4, $0xb8;
	[tilespmem:$0x1C200] =	vst v63  }
0x345: {  	_ = 	snop  }
0x346: {  	[tilespmem:s12], [sflag:$0x1] =	stream.indirect.gather [hbm4b:s3+s4], $0x40, s31, s4, $0xb8;
	[tilespmem:$0x1C200] =	vst v63  }
0x347: {  	_ =	swait.ge [sflag:s14], $0x6400  }
0x348: {  	[sflag:s14] =	ssyncset.done $0x0  }
0x349: {  	[sflag:s14] =	ssyncadd.s32 $0xFFFF9C00  }
0x34a: {  	_ =	swait.ge [sflag:s14], $0x6400  }
0x34b: {  	[sflag:s14] =	ssyncset.done $0x0  }
0x34c: {  	s28 =	rddreg [dreg:$0x14];
	[sflag:s14] =	ssyncadd.s32 $0xFFFF9C00  }
0x34d: {  	[hbm4b:s28+s5] =	stream.strided.scatter [tilespmem:s11], [sflag:$0x3], $0x6400, s6, s5, $0x38;
	[tilespmem:$0x1C200] =	vst v63  }
0x34e: {  	s29 =	rddreg [dreg:$0x15]  }
0x34f: {  	[hbm4b:s29+s5] =	stream.strided.scatter [tilespmem:s12], [sflag:$0x3], $0x6400, s6, s5, $0x38;
	[tilespmem:$0x1C200] =	vst v63  }
0x350: {  	_ =	swait.ge [sflag:s7], $0x6400  }
0x351: {  	[sflag:s7] =	ssyncset.done $0x0  }
0x352: {  	[sflag:s7] =	ssyncadd.s32 $0xFFFF9C00  }
0x353: {  	_ =	swait.ge [sflag:s7], $0x6400  }
0x354: {  	s30 =	sld [smem:$0x7FC]  }
0x355: {  	[sflag:s7] =	ssyncset.done $0x0  }
0x356: {  	s31 =	sld [smem:$0x7FD];
	[sflag:s7] =	ssyncadd.s32 $0xFFFF9C00  }
0x357: {  	[tilespmem:s8], [sflag:$0x2] =	stream.indirect.gather [hbm4b:s2+s4], $0x40, s30, s4, $0xb8;
	[tilespmem:$0x1C200] =	vst v63  }
0x358: {  	_ = 	snop  }
0x359: {  	[tilespmem:s9], [sflag:$0x2] =	stream.indirect.gather [hbm4b:s3+s4], $0x40, s31, s4, $0xb8;
	[tilespmem:$0x1C200] =	vst v63  }
0x35a: {  	_ =	swait.ge [sflag:s13], $0x6400  }
0x35b: {  	[sflag:s13] =	ssyncset.done $0x0  }
0x35c: {  	[sflag:s13] =	ssyncadd.s32 $0xFFFF9C00  }
0x35d: {  	_ =	swait.ge [sflag:s13], $0x6400  }
0x35e: {  	[sflag:s13] =	ssyncset.done $0x0  }
0x35f: {  	s28 =	rddreg [dreg:$0x16];
	[sflag:s13] =	ssyncadd.s32 $0xFFFF9C00  }
0x360: {  	[hbm4b:s28+s5] =	stream.strided.scatter [tilespmem:s8], [sflag:$0x4], $0x6400, s6, s5, $0x38;
	[tilespmem:$0x1C200] =	vst v63  }
0x361: {  	s29 =	rddreg [dreg:$0x17]  }
0x362: {  	[hbm4b:s29+s5] =	stream.strided.scatter [tilespmem:s9], [sflag:$0x4], $0x6400, s6, s5, $0x38;
	[tilespmem:$0x1C200] =	vst v63  }
0x363: {  	_ =	swait.ge [sflag:s10], $0x6400  }
0x364: {  	[sflag:s10] =	ssyncset.done $0x0  }
0x365: {  	[sflag:s10] =	ssyncadd.s32 $0xFFFF9C00  }
0x366: {  	_ =	swait.ge [sflag:s10], $0x6400  }
0x367: {  	[sflag:s10] =	ssyncset.done $0x0  }
0x368: {  	[sflag:s10] =	ssyncadd.s32 $0xFFFF9C00  }
0x369: {  	[tilespmem:s11], [sflag:$0x1] =	stream.indirect.gather [hbm4b:s2+s4], $0x40, s26, s4, $0xb8;
	[tilespmem:$0x1C200] =	vst v63  }
0x36a: {  	_ = 	snop  }
0x36b: {  	[tilespmem:s12], [sflag:$0x1] =	stream.indirect.gather [hbm4b:s3+s4], $0x40, s17, s4, $0xb8;
	[tilespmem:$0x1C200] =	vst v63  }
0x36c: {  	_ =	swait.ge [sflag:s14], $0x6400  }
0x36d: {  	[sflag:s14] =	ssyncset.done $0x0  }
0x36e: {  	[sflag:s14] =	ssyncadd.s32 $0xFFFF9C00  }
0x36f: {  	_ =	swait.ge [sflag:s14], $0x6400  }
0x370: {  	[sflag:s14] =	ssyncset.done $0x0  }
0x371: {  	s30 =	rddreg [dreg:$0x18];
	[sflag:s14] =	ssyncadd.s32 $0xFFFF9C00  }
0x372: {  	[hbm4b:s30+s5] =	stream.strided.scatter [tilespmem:s11], [sflag:$0x3], $0x6400, s6, s5, $0x38;
	[tilespmem:$0x1C200] =	vst v63  }
0x373: {  	s31 =	rddreg [dreg:$0x19]  }
0x374: {  	[hbm4b:s31+s5] =	stream.strided.scatter [tilespmem:s12], [sflag:$0x3], $0x6400, s6, s5, $0x38;
	[tilespmem:$0x1C200] =	vst v63  }
0x375: {  	_ =	swait.ge [sflag:s7], $0x6400  }
0x376: {  	[sflag:s7] =	ssyncset.done $0x0  }
0x377: {  	[sflag:s7] =	ssyncadd.s32 $0xFFFF9C00  }
0x378: {  	_ =	swait.ge [sflag:s7], $0x6400  }
0x379: {  	[sflag:s7] =	ssyncset.done $0x0  }
0x37a: {  	[sflag:s7] =	ssyncadd.s32 $0xFFFF9C00  }
0x37b: {  	[tilespmem:s8], [sflag:$0x2] =	stream.indirect.gather [hbm4b:s2+s4], $0x40, s24, s4, $0xb8;
	[tilespmem:$0x1C200] =	vst v63  }
0x37c: {  	_ = 	snop  }
0x37d: {  	[tilespmem:s9], [sflag:$0x2] =	stream.indirect.gather [hbm4b:s3+s4], $0x40, s25, s4, $0xb8;
	[tilespmem:$0x1C200] =	vst v63  }
0x37e: {  	_ =	swait.ge [sflag:s13], $0x6400  }
0x37f: {  	[sflag:s13] =	ssyncset.done $0x0  }
0x380: {  	[sflag:s13] =	ssyncadd.s32 $0xFFFF9C00  }
0x381: {  	_ =	swait.ge [sflag:s13], $0x6400  }
0x382: {  	[sflag:s13] =	ssyncset.done $0x0  }
0x383: {  	s1 =	rddreg [dreg:$0x1a];
	[sflag:s13] =	ssyncadd.s32 $0xFFFF9C00  }
0x384: {  	[hbm4b:s1+s5] =	stream.strided.scatter [tilespmem:s8], [sflag:$0x4], $0x6400, s6, s5, $0x38;
	[tilespmem:$0x1C200] =	vst v63  }
0x385: {  	s17 =	rddreg [dreg:$0x1b]  }
0x386: {  	[hbm4b:s17+s5] =	stream.strided.scatter [tilespmem:s9], [sflag:$0x4], $0x6400, s6, s5, $0x38;
	[tilespmem:$0x1C200] =	vst v63  }
0x387: {  	_ =	swait.ge [sflag:s10], $0x6400  }
0x388: {  	[sflag:s10] =	ssyncset.done $0x0  }
0x389: {  	[sflag:s10] =	ssyncadd.s32 $0xFFFF9C00  }
0x38a: {  	_ =	swait.ge [sflag:s10], $0x6400  }
0x38b: {  	[sflag:s10] =	ssyncset.done $0x0  }
0x38c: {  	[sflag:s10] =	ssyncadd.s32 $0xFFFF9C00  }
0x38d: {  	[tilespmem:s11], [sflag:$0x1] =	stream.indirect.gather [hbm4b:s2+s4], $0x40, s22, s4, $0xb8;
	[tilespmem:$0x1C200] =	vst v63  }
0x38e: {  	_ = 	snop  }
0x38f: {  	[tilespmem:s12], [sflag:$0x1] =	stream.indirect.gather [hbm4b:s3+s4], $0x40, s23, s4, $0xb8;
	[tilespmem:$0x1C200] =	vst v63  }
0x390: {  	_ =	swait.ge [sflag:s14], $0x6400  }
0x391: {  	[sflag:s14] =	ssyncset.done $0x0  }
0x392: {  	[sflag:s14] =	ssyncadd.s32 $0xFFFF9C00  }
0x393: {  	_ =	swait.ge [sflag:s14], $0x6400  }
0x394: {  	[sflag:s14] =	ssyncset.done $0x0  }
0x395: {  	s22 =	rddreg [dreg:$0x1c];
	[sflag:s14] =	ssyncadd.s32 $0xFFFF9C00  }
0x396: {  	[hbm4b:s22+s5] =	stream.strided.scatter [tilespmem:s11], [sflag:$0x3], $0x6400, s6, s5, $0x38;
	[tilespmem:$0x1C200] =	vst v63  }
0x397: {  	s23 =	rddreg [dreg:$0x1d]  }
0x398: {  	[hbm4b:s23+s5] =	stream.strided.scatter [tilespmem:s12], [sflag:$0x3], $0x6400, s6, s5, $0x38;
	[tilespmem:$0x1C200] =	vst v63  }
0x399: {  	_ =	swait.ge [sflag:s7], $0x6400  }
0x39a: {  	[sflag:s7] =	ssyncset.done $0x0  }
0x39b: {  	[sflag:s7] =	ssyncadd.s32 $0xFFFF9C00  }
0x39c: {  	_ =	swait.ge [sflag:s7], $0x6400  }
0x39d: {  	[sflag:s7] =	ssyncset.done $0x0  }
0x39e: {  	[sflag:s7] =	ssyncadd.s32 $0xFFFF9C00  }
0x39f: {  	[tilespmem:s8], [sflag:$0x2] =	stream.indirect.gather [hbm4b:s2+s4], $0x40, s20, s4, $0xb8;
	[tilespmem:$0x1C200] =	vst v63  }
0x3a0: {  	_ = 	snop  }
0x3a1: {  	[tilespmem:s9], [sflag:$0x2] =	stream.indirect.gather [hbm4b:s3+s4], $0x40, s21, s4, $0xb8;
	[tilespmem:$0x1C200] =	vst v63  }
0x3a2: {  	_ =	swait.ge [sflag:s13], $0x6400  }
0x3a3: {  	[sflag:s13] =	ssyncset.done $0x0  }
0x3a4: {  	[sflag:s13] =	ssyncadd.s32 $0xFFFF9C00  }
0x3a5: {  	_ =	swait.ge [sflag:s13], $0x6400  }
0x3a6: {  	[sflag:s13] =	ssyncset.done $0x0  }
0x3a7: {  	s24 =	rddreg [dreg:$0x1e];
	[sflag:s13] =	ssyncadd.s32 $0xFFFF9C00  }
0x3a8: {  	[hbm4b:s24+s5] =	stream.strided.scatter [tilespmem:s8], [sflag:$0x4], $0x6400, s6, s5, $0x38;
	[tilespmem:$0x1C200] =	vst v63  }
0x3a9: {  	s25 =	rddreg [dreg:$0x1f]  }
0x3aa: {  	[hbm4b:s25+s5] =	stream.strided.scatter [tilespmem:s9], [sflag:$0x4], $0x6400, s6, s5, $0x38;
	[tilespmem:$0x1C200] =	vst v63  }
0x3ab: {  	_ =	swait.ge [sflag:s10], $0x6400  }
0x3ac: {  	[sflag:s10] =	ssyncset.done $0x0  }
0x3ad: {  	[sflag:s10] =	ssyncadd.s32 $0xFFFF9C00  }
0x3ae: {  	_ =	swait.ge [sflag:s10], $0x6400  }
0x3af: {  	[sflag:s10] =	ssyncset.done $0x0  }
0x3b0: {  	[sflag:s10] =	ssyncadd.s32 $0xFFFF9C00  }
0x3b1: {  	[tilespmem:s11], [sflag:$0x1] =	stream.indirect.gather [hbm4b:s2+s4], $0x40, s18, s4, $0xb8;
	[tilespmem:$0x1C200] =	vst v63  }
0x3b2: {  	_ = 	snop  }
0x3b3: {  	[tilespmem:s12], [sflag:$0x1] =	stream.indirect.gather [hbm4b:s3+s4], $0x40, s19, s4, $0xb8;
	[tilespmem:$0x1C200] =	vst v63  }
0x3b4: {  	_ =	swait.ge [sflag:s14], $0x6400  }
0x3b5: {  	[sflag:s14] =	ssyncset.done $0x0  }
0x3b6: {  	[sflag:s14] =	ssyncadd.s32 $0xFFFF9C00  }
0x3b7: {  	_ =	swait.ge [sflag:s14], $0x6400  }
0x3b8: {  	s26 =	sld [smem:$0x7E9]  }
0x3b9: {  	[sflag:s14] =	ssyncset.done $0x0  }
0x3ba: {  	s28 =	sld [smem:$0x7EA];
	[sflag:s14] =	ssyncadd.s32 $0xFFFF9C00  }
0x3bb: {  	[hbm4b:s26+s5] =	stream.strided.scatter [tilespmem:s11], [sflag:$0x3], $0x6400, s6, s5, $0x38;
	[tilespmem:$0x1C200] =	vst v63  }
0x3bc: {  	_ = 	snop  }
0x3bd: {  	[hbm4b:s28+s5] =	stream.strided.scatter [tilespmem:s12], [sflag:$0x3], $0x6400, s6, s5, $0x38;
	[tilespmem:$0x1C200] =	vst v63  }
0x3be: {  	_ =	swait.ge [sflag:s7], $0x6400  }
0x3bf: {  	[sflag:s7] =	ssyncset.done $0x0  }
0x3c0: {  	[sflag:s7] =	ssyncadd.s32 $0xFFFF9C00  }
0x3c1: {  	_ =	swait.ge [sflag:s7], $0x6400  }
0x3c2: {  	[sflag:s7] =	ssyncset.done $0x0  }
0x3c3: {  	[sflag:s7] =	ssyncadd.s32 $0xFFFF9C00  }
0x3c4: {  	[tilespmem:s8], [sflag:$0x2] =	stream.indirect.gather [hbm4b:s2+s4], $0x40, s16, s4, $0xb8;
	[tilespmem:$0x1C200] =	vst v63  }
0x3c5: {  	s29 =	simm.s32 $0x3070  }
0x3c6: {  	[tilespmem:s9], [sflag:$0x2] =	stream.indirect.gather [hbm4b:s3+s4], $0x40, s29, s4, $0xb8;
	[tilespmem:$0x1C200] =	vst v63  }
0x3c7: {  	_ =	swait.ge [sflag:s13], $0x6400  }
0x3c8: {  	[sflag:s13] =	ssyncset.done $0x0  }
0x3c9: {  	[sflag:s13] =	ssyncadd.s32 $0xFFFF9C00  }
0x3ca: {  	_ =	swait.ge [sflag:s13], $0x6400  }
0x3cb: {  	s30 =	sld [smem:$0x7EB]  }
0x3cc: {  	[sflag:s13] =	ssyncset.done $0x0  }
0x3cd: {  	s31 =	sld [smem:$0x7EC];
	[sflag:s13] =	ssyncadd.s32 $0xFFFF9C00  }
0x3ce: {  	[hbm4b:s30+s5] =	stream.strided.scatter [tilespmem:s8], [sflag:$0x4], $0x6400, s6, s5, $0x38;
	[tilespmem:$0x1C200] =	vst v63  }
0x3cf: {  	_ = 	snop  }
0x3d0: {  	[hbm4b:s31+s5] =	stream.strided.scatter [tilespmem:s9], [sflag:$0x4], $0x6400, s6, s5, $0x38;
	[tilespmem:$0x1C200] =	vst v63  }
0x3d1: {  	_ =	swait.ge [sflag:s10], $0x6400  }
0x3d2: {  	[sflag:s10] =	ssyncset.done $0x0  }
0x3d3: {  	[sflag:s10] =	ssyncadd.s32 $0xFFFF9C00  }
0x3d4: {  	_ =	swait.ge [sflag:s10], $0x6400  }
0x3d5: {  	[sflag:s10] =	ssyncset.done $0x0  }
0x3d6: {  	[sflag:s10] =	ssyncadd.s32 $0xFFFF9C00  }
0x3d7: {  	_ =	swait.ge [sflag:s7], $0x6400  }
0x3d8: {  	[sflag:s7] =	ssyncset.done $0x0  }
0x3d9: {  	[sflag:s7] =	ssyncadd.s32 $0xFFFF9C00  }
0x3da: {  	_ =	swait.ge [sflag:s7], $0x6400  }
0x3db: {  	[sflag:s7] =	ssyncset.done $0x0  }
0x3dc: {  	[sflag:s7] =	ssyncadd.s32 $0xFFFF9C00  }
0x3dd: {  	_ =	sfence.sel $0x180000  }
0x3de: {  	[bflag:$0x0] =	sbarrier.arrive $0xFFFF  }
0x3df: {  	_ =	strace $0x90000047  }
0x3e0: {  	[bflag:$0x2] =	sbarrier.arrive $0xFFFF  }
0x3e1: {  	p0 =	sne.s32 s15, $0x0;
	s0 =	rddreg [dreg:$0x2]  }
0x3e2: {  	s0 =	sadd.s32 @!p0 $0x100000, s0  }
0x3e3: {  	[sflag:s0] =	ssyncadd.tile.s32 @!p0 $0x1;
	_ =	shalt  }
.LBB2_1:
.Ltmp3:
0x3e4: {  	(pc) =	sbr.rel .LBB2_6-.Ltmp3, $4  }
0x3e5: {  	s17 =	simm.s32 $0x28A0;
	s26 =	simm.s32 $0xFA0  }
0x3e6: {  	s25 =	simm.s32 $0x2A30;
	s24 =	simm.s32 $0x1130;
	s23 =	simm.s32 $0x2BC0  }
0x3e7: {  	s22 =	simm.s32 $0x12C0;
	s21 =	simm.s32 $0x2D50;
	s20 =	simm.s32 $0x1450  }
0x3e8: {  	s19 =	simm.s32 $0x2EE0;
	s18 =	simm.s32 $0x15E0;
	s16 =	simm.s32 $0x1770  }
.LBB2_3:
.Ltmp4:
0x3e9: {  	(pc) =	sbr.rel .LBB2_6-.Ltmp4, $4  }
0x3ea: {  	s17 =	simm.s32 $0x28A0;
	s26 =	simm.s32 $0xFA0;
	s25 =	simm.s32 $0x2A30  }
0x3eb: {  	s24 =	simm.s32 $0x1130;
	s23 =	simm.s32 $0x2BC0;
	s22 =	simm.s32 $0x12C0  }
0x3ec: {  	s21 =	simm.s32 $0x2D50;
	s20 =	simm.s32 $0x1450;
	s19 =	simm.s32 $0x2EE0  }
0x3ed: {  	s18 =	simm.s32 $0x15E0;
	s16 =	simm.s32 $0x1770;
	s15 =	stileid.u32  }
.Lfunc_end2:
_tile_overlayer_lowered:
.L_overlay_start_2:
0x3ee: {  	(tag) =	ssettag $0x2  }
0x3ef: {  	s0 =	rddreg [dreg:$0x0];
	s2 =	stileid.u32  }
0x3f0: {  	s1 =	rddreg [dreg:$0x1];
	p0 =	sne.s32 s2, $0x0  }
0x3f1: {  	s3 =	rddreg [dreg:$0x2];
	[bflag:$0x3] =	sbarrier.arrive $0xFFFF;
	s2 =	simm.s32 @!p0 $0x1C05  }
0x3f2: {  	[timem:s3], [sflag:s2] =	dma.local @!p0 [hbm:s0], s1  }
0x3f3: {  	s0 =	simm.s32 @!p0 $0x5  }
0x3f4: {  	_ =	swait.ge @!p0 [sflag:s0], s1  }
0x3f5: {  	s1 =	ssub.s32 @!p0 $0x0, s1;
	[sflag:s0] =	ssyncset.done @!p0 $0x0  }
0x3f6: {  	[sflag:s0] =	ssyncadd.s32 @!p0 s1  }
0x3f7: {  	[bflag:$0x3] =	sbarrier.arrive $0xFFFF  }
0x3f8: {  	_ =	shalt  }

</sc_bundles>
